<compile_context>
chip_gen: v7x
topology: tpu7x:2x2x1
jax: 0.10.2.dev20260603
libtpu: 0.0.44.dev20260713+nightly
codegen_flags: <defaults>
</compile_context>

<pallas_src>
import functools

import jax
import jax.numpy as jnp
from jax import lax
from jax.experimental import pallas as pl
from jax.experimental.pallas import tpu as pltpu
from jax.experimental.pallas import tpu_sc as plsc

BNEPS = 1e-5
NUM_SC = 2
NUM_TILES = 16


def _sc_aggregate(x, edge_flat):
    n, d = x.shape
    e = edge_flat.shape[0] // 2
    nw = NUM_SC * NUM_TILES
    epw = e // nw
    k = 80
    nbuf = 4
    main = epw // k * k
    outer = main // (k * nbuf)
    rem = (main - outer * k * nbuf) // k
    tail = epw - main
    rpt = (-(-n // NUM_TILES) + 7) // 8 * 8
    rlast = n - rpt * (NUM_TILES - 1)

    zeros_blk = jnp.zeros((k, d), dtype=jnp.float32)
    mesh = plsc.VectorSubcoreMesh(core_axis_name="c", subcore_axis_name="s")

    @functools.partial(
        pl.kernel,
        out_type=jax.ShapeDtypeStruct((NUM_SC * n, d), jnp.float32),
        mesh=mesh,
        scratch_types=[
            pltpu.VMEM_SHARED((n, d), jnp.float32),
            pltpu.VMEM((nbuf, k), jnp.int32),
            pltpu.VMEM((nbuf, k), jnp.int32),
            pltpu.VMEM((nbuf, k, d), jnp.float32),
            pltpu.VMEM((max(tail, 1),), jnp.int32),
            pltpu.VMEM((max(tail, 1),), jnp.int32),
            [pltpu.SemaphoreType.DMA] * nbuf,
            [pltpu.SemaphoreType.DMA] * nbuf,
            [pltpu.SemaphoreType.DMA] * nbuf,
            [pltpu.SemaphoreType.DMA] * nbuf,
            pltpu.SemaphoreType.DMA,
        ],
    )
    def agg(x_hbm, ei_hbm, z_hbm, out_hbm, aggr_sh, srcb, dstb, rows,
            tdst, tsrc, gsem, jsem, isem, ssem, zsem):
        cid = lax.axis_index("c")
        sid = lax.axis_index("s")
        wid = cid * NUM_TILES + sid
        base = wid * epw
        last_tile = sid == NUM_TILES - 1

        pltpu.sync_copy(z_hbm, rows.at[nbuf - 1])

        def zero_descs(nrows):
            descs = []
            r = 0
            while r < nrows:
                seg = min(k, nrows - r)
                src = (rows.at[nbuf - 1] if seg == k
                       else rows.at[nbuf - 1].at[pl.ds(0, seg)])
                descs.append(pltpu.make_async_copy(
                    src, aggr_sh.at[pl.ds(sid * rpt + r, seg)], zsem))
                r += seg
            return descs

        @pl.when(~last_tile)
        def _():
            for dsc in zero_descs(rpt):
                dsc.start()

        @pl.when(last_tile)
        def _():
            for dsc in zero_descs(rlast):
                dsc.start()

        def gather(s, b):
            return pltpu.make_async_copy(x_hbm.at[srcb.at[b]], rows.at[b],
                                         gsem[b])

        def srcload(s, b):
            off = pl.multiple_of(base + s * k, 8)
            return pltpu.make_async_copy(ei_hbm.at[pl.ds(off, k)],
                                         srcb.at[b], jsem[b])

        def idxload(s, b):
            off = pl.multiple_of(e + base + s * k, 8)
            return pltpu.make_async_copy(ei_hbm.at[pl.ds(off, k)],
                                         dstb.at[b], isem[b])

        def scatter(b):
            return pltpu.make_async_copy(rows.at[b], aggr_sh.at[dstb.at[b]],
                                         ssem[b])

        for b in range(nbuf):
            srcload(b, b).start()
            idxload(b, b).start()
        for b in range(nbuf - 1):
            srcload(b, b).wait()
            gather(b, b).start()

        @pl.when(~last_tile)
        def _():
            for dsc in zero_descs(rpt):
                dsc.wait()

        @pl.when(last_tile)
        def _():
            for dsc in zero_descs(rlast):
                dsc.wait()

        srcload(nbuf - 1, nbuf - 1).wait()
        gather(nbuf - 1, nbuf - 1).start()

        plsc.subcore_barrier()

        nchunks = epw // k

        def regather(s2, b2):
            @pl.when(s2 < nchunks)
            def _():
                srcload(s2, b2).wait()
                gather(s2, b2).start()
                idxload(s2, b2).start()

        def body(g, carry):
            for b in range(nbuf):
                s = g * nbuf + b
                gather(s, b).wait()
                idxload(s, b).wait()
                if b > 0:
                    scatter(b - 1).wait()
                    regather(s - 1 + nbuf, b - 1)
                pltpu.async_copy(rows.at[b], aggr_sh.at[dstb.at[b]],
                                 ssem[b], add=True)

                @pl.when(s + nbuf < nchunks)
                def _():
                    srcload(s + nbuf, b).start()

            s_last = g * nbuf + nbuf - 1
            scatter(nbuf - 1).wait()
            regather(s_last + nbuf, nbuf - 1)
            return carry

        lax.fori_loop(0, outer, body, 0)

        for b in range(rem):
            s = outer * nbuf + b
            gather(s, b).wait()
            idxload(s, b).wait()
            if b > 0:
                scatter(b - 1).wait()
            pltpu.async_copy(rows.at[b], aggr_sh.at[dstb.at[b]],
                             ssem[b], add=True)
        if rem:
            scatter(rem - 1).wait()

        if tail:
            toff = base + epw - tail
            pltpu.sync_copy(ei_hbm.at[pl.ds(toff, tail)], tsrc)
            pltpu.sync_copy(ei_hbm.at[pl.ds(e + toff, tail)], tdst)
            pltpu.async_copy(x_hbm.at[tsrc], rows.at[0].at[pl.ds(0, tail)],
                             gsem[0]).wait()
            pltpu.sync_copy(rows.at[0].at[pl.ds(0, tail)],
                            aggr_sh.at[tdst], add=True)

        plsc.subcore_barrier()

        @pl.when(sid < NUM_TILES - 1)
        def _():
            pltpu.sync_copy(aggr_sh.at[pl.ds(sid * rpt, rpt)],
                            out_hbm.at[pl.ds(cid * n + sid * rpt, rpt)])

        @pl.when(sid == NUM_TILES - 1)
        def _():
            pltpu.sync_copy(aggr_sh.at[pl.ds(sid * rpt, rlast)],
                            out_hbm.at[pl.ds(cid * n + sid * rpt, rlast)])

    return agg(x, edge_flat, zeros_blk)


def _mlp(x, partials, eps, W1, b1, g1, be1, W2, b2, g2, be2):
    n, d = x.shape
    br = 2000
    nb = n // br

    def xmap(p, i):
        return (jnp.where(p == 0, i, nb - 1), 0)

    def pmap0(p, i):
        return (jnp.where(p == 0, i, nb - 1), 0)

    def pmap1(p, i):
        return (nb + jnp.where(p == 0, i, nb - 1), 0)

    def omap(p, i):
        return (jnp.where(p == 2, i, 0), 0)

    def cmap(p, i):
        return (0, 0)

    def fused(x_ref, a0_ref, a1_ref, eps_ref, w1_ref, b1_ref, g1_ref,
              be1_ref, w2_ref, b2_ref, g2_ref, be2_ref, o_ref, h_scr, acc):
        p = pl.program_id(0)
        i = pl.program_id(1)
        rows = pl.ds(i * br, br)

        @pl.when(p == 0)
        def _():
            @pl.when(i == 0)
            def _():
                acc[...] = jnp.zeros_like(acc)

            out = ((1.0 + eps_ref[0]) * x_ref[...]
                   + a0_ref[...] + a1_ref[...])
            h = jnp.dot(out, w1_ref[...], preferred_element_type=jnp.float32)
            h = h + b1_ref[...]
            h_scr[rows, :] = h
            acc[0:1, :] += jnp.sum(h, axis=0, keepdims=True)
            acc[1:2, :] += jnp.sum(h * h, axis=0, keepdims=True)

        @pl.when(p == 1)
        def _():
            mu = acc[0:1, :] * (1.0 / n)
            var = acc[1:2, :] * (1.0 / n) - mu * mu
            scale = lax.rsqrt(var + BNEPS) * g1_ref[...]
            a = jnp.maximum((h_scr[rows, :] - mu) * scale + be1_ref[...], 0.0)
            h2 = jnp.dot(a, w2_ref[...], preferred_element_type=jnp.float32)
            h2 = h2 + b2_ref[...]
            h_scr[rows, :] = h2
            acc[2:3, :] += jnp.sum(h2, axis=0, keepdims=True)
            acc[3:4, :] += jnp.sum(h2 * h2, axis=0, keepdims=True)

        @pl.when(p == 2)
        def _():
            mu = acc[2:3, :] * (1.0 / n)
            var = acc[3:4, :] * (1.0 / n) - mu * mu
            scale = lax.rsqrt(var + BNEPS) * g2_ref[...]
            o_ref[...] = jnp.maximum((h_scr[rows, :] - mu) * scale
                                     + be2_ref[...], 0.0)

    return pl.pallas_call(
        fused,
        grid=(3, nb),
        in_specs=[
            pl.BlockSpec((br, d), xmap),
            pl.BlockSpec((br, d), pmap0),
            pl.BlockSpec((br, d), pmap1),
            pl.BlockSpec(memory_space=pltpu.SMEM),
            pl.BlockSpec((d, d), cmap),
            pl.BlockSpec((1, d), cmap),
            pl.BlockSpec((1, d), cmap),
            pl.BlockSpec((1, d), cmap),
            pl.BlockSpec((d, d), cmap),
            pl.BlockSpec((1, d), cmap),
            pl.BlockSpec((1, d), cmap),
            pl.BlockSpec((1, d), cmap),
        ],
        out_specs=pl.BlockSpec((br, d), omap),
        out_shape=jax.ShapeDtypeStruct((n, d), jnp.float32),
        scratch_shapes=[pltpu.VMEM((n, d), jnp.float32),
                        pltpu.VMEM((4, d), jnp.float32)],
    )(x, partials, partials, eps, W1, b1.reshape(1, d), g1.reshape(1, d),
      be1.reshape(1, d), W2, b2.reshape(1, d), g2.reshape(1, d),
      be2.reshape(1, d))


def kernel(x, edge_index, eps, W1, b1, g1, be1, W2, b2, g2, be2):
    flat = _sc_aggregate(x, edge_index.reshape(-1))
    return _mlp(x, flat, eps, W1, b1, g1, be1, W2, b2, g2, be2)

# --- scband reference (transcript-rebuilt; emitter-appended) ---
"""Pipeline reference for scband-ginlayer-1486058684700 (READ-ONLY COPY).

The authoritative reference and input builder live on the scoring server;
editing this copy changes nothing except your own understanding.
"""

import jax, jax.numpy as jnp
import numpy as np

N = 10000
E = 320000
D = 128
BN_EPS = 1e-5


def setup_inputs(seed: int = 0) -> dict:
    key = jax.random.key(seed)
    ks = jax.random.split(key, 6)
    x = jax.random.normal(ks[0], (N, D), dtype=jnp.float32)
    # int32 used for indexing in jax (spec dtype int64; int32 avoids needing x64 mode)
    edge_index = jax.random.randint(ks[1], (2, E), 0, N, dtype=jnp.int32)
    scale = 1.0 / np.sqrt(D)
    W1 = jax.random.normal(ks[2], (D, D), dtype=jnp.float32) * scale
    b1 = jnp.zeros((D,), dtype=jnp.float32)
    g1 = jnp.ones((D,), dtype=jnp.float32)
    be1 = jnp.zeros((D,), dtype=jnp.float32)
    W2 = jax.random.normal(ks[3], (D, D), dtype=jnp.float32) * scale
    b2 = jnp.zeros((D,), dtype=jnp.float32)
    g2 = jnp.ones((D,), dtype=jnp.float32)
    be2 = jnp.zeros((D,), dtype=jnp.float32)
    eps = jnp.array([0.1], dtype=jnp.float32)
    return {"x": x, "edge_index": edge_index, "eps": eps,
            "W1": W1, "b1": b1, "g1": g1, "be1": be1,
            "W2": W2, "b2": b2, "g2": g2, "be2": be2}


def _bn(h, gamma, beta):
    # BatchNorm1d in training mode: biased batch statistics
    mu = jnp.mean(h, axis=0)
    var = jnp.var(h, axis=0)
    return (h - mu) / jnp.sqrt(var + BN_EPS) * gamma + beta


def reference(x, edge_index, eps, W1, b1, g1, be1, W2, b2, g2, be2):
    src = edge_index[0]
    dst = edge_index[1]
    # scatter-add aggregation: aggr[dst] += x[src]
    aggr = jnp.zeros_like(x).at[dst].add(x[src])
    out = (1.0 + eps) * x + aggr
    h = out @ W1 + b1
    h = jax.nn.relu(_bn(h, g1, be1))
    h = h @ W2 + b2
    h = jax.nn.relu(_bn(h, g2, be2))
    return h

if __name__ == "__main__":
    import jax
    _d = setup_inputs()
    print(jax.jit(kernel)(*tuple(_d.values())))

</pallas_src>

<mosaic_0001>
#map = affine_map<(d0, d1) -> (0, 0)>
#map1 = affine_map<(d0, d1) -> (0)>
module attributes {stable_mosaic.version = 14 : i64} {
  func.func @agg(%arg0: i32, %arg1: i32, %arg2: memref<10000x128xf32, #tpu.memory_space<hbm>>, %arg3: memref<640000xi32, #tpu.memory_space<hbm>>, %arg4: memref<80x128xf32, #tpu.memory_space<hbm>>, %arg5: memref<20000x128xf32, #tpu.memory_space<hbm>>, %arg6: memref<10000x128xf32, #tpu.memory_space<vmem_shared>>, %arg7: memref<4x80xi32, #tpu.memory_space<vmem>>, %arg8: memref<4x80xi32, #tpu.memory_space<vmem>>, %arg9: memref<4x80x128xf32, #tpu.memory_space<vmem>>, %arg10: memref<1xi32, #tpu.memory_space<vmem>>, %arg11: memref<1xi32, #tpu.memory_space<vmem>>, %arg12: memref<!tpu.dma_semaphore, #tpu.memory_space<semaphore_mem>>, %arg13: memref<!tpu.dma_semaphore, #tpu.memory_space<semaphore_mem>>, %arg14: memref<!tpu.dma_semaphore, #tpu.memory_space<semaphore_mem>>, %arg15: memref<!tpu.dma_semaphore, #tpu.memory_space<semaphore_mem>>, %arg16: memref<!tpu.dma_semaphore, #tpu.memory_space<semaphore_mem>>, %arg17: memref<!tpu.dma_semaphore, #tpu.memory_space<semaphore_mem>>, %arg18: memref<!tpu.dma_semaphore, #tpu.memory_space<semaphore_mem>>, %arg19: memref<!tpu.dma_semaphore, #tpu.memory_space<semaphore_mem>>, %arg20: memref<!tpu.dma_semaphore, #tpu.memory_space<semaphore_mem>>, %arg21: memref<!tpu.dma_semaphore, #tpu.memory_space<semaphore_mem>>, %arg22: memref<!tpu.dma_semaphore, #tpu.memory_space<semaphore_mem>>, %arg23: memref<!tpu.dma_semaphore, #tpu.memory_space<semaphore_mem>>, %arg24: memref<!tpu.dma_semaphore, #tpu.memory_space<semaphore_mem>>, %arg25: memref<!tpu.dma_semaphore, #tpu.memory_space<semaphore_mem>>, %arg26: memref<!tpu.dma_semaphore, #tpu.memory_space<semaphore_mem>>, %arg27: memref<!tpu.dma_semaphore, #tpu.memory_space<semaphore_mem>>, %arg28: memref<!tpu.dma_semaphore, #tpu.memory_space<semaphore_mem>>) attributes {dimension_semantics = [#tpu.dimension_semantics<core_parallel>, #tpu.dimension_semantics<subcore_parallel>], iteration_bounds = array<i64: 2, 16>, scalar_prefetch = 0 : i64, scratch_operands = 23 : i64, tpu.core_type = #tpu.core_type<sc_vector_subcore>, window_params = [{transform_indices = #map}, {transform_indices = #map1}, {transform_indices = #map}, {transform_indices = #map}]} {
    %mul3A = arith.constant 16 : i32
    %mul3A_0 = arith.muli %arg0, %mul3A : i32
    %add3A = arith.addi %mul3A_0, %arg1 : i32
    %mul3A_1 = arith.constant 10000 : i32
    %mul3A_2 = arith.muli %add3A, %mul3A_1 : i32
    %eq3A = arith.constant 15 : i32
    %eq3A_3 = arith.cmpi eq, %arg1, %eq3A : i32
    %run_scoped3A = arith.constant 3 : i32
    "tpu.region"() ({
      %run_scoped3A_279 = tpu.sem_alloc : memref<!tpu.dma_semaphore, #tpu.memory_space<semaphore_mem>>
      %dma_start3A_280 = arith.constant 0 : i32
      %dma_start3A_281 = arith.constant 0 : i32
      %dma_start3A_282 = tpu.memref_slice %arg9[%run_scoped3A, %dma_start3A_280, %dma_start3A_281] : memref<4x80x128xf32, #tpu.memory_space<vmem>> -> memref<1x80x128xf32, #tpu.memory_space<vmem>>
      %dma_start3A_283 = tpu.memref_squeeze %dma_start3A_282 : memref<1x80x128xf32, #tpu.memory_space<vmem>> -> memref<80x128xf32, #tpu.memory_space<vmem>>
      %dma_start3A_284 = arith.constant 0 : i32
      %dma_start3A_285 = arith.constant 0 : i32
      %dma_start3A_286 = tpu.memref_slice %arg9[%run_scoped3A, %dma_start3A_284, %dma_start3A_285] : memref<4x80x128xf32, #tpu.memory_space<vmem>> -> memref<1x80x128xf32, #tpu.memory_space<vmem>>
      %dma_start3A_287 = tpu.memref_squeeze %dma_start3A_286 : memref<1x80x128xf32, #tpu.memory_space<vmem>> -> memref<80x128xf32, #tpu.memory_space<vmem>>
      tpu.enqueue_dma source(%arg4 : memref<80x128xf32, #tpu.memory_space<hbm>>) target(%dma_start3A_287 : memref<80x128xf32, #tpu.memory_space<vmem>>) target_semaphore(%run_scoped3A_279 : memref<!tpu.dma_semaphore, #tpu.memory_space<semaphore_mem>>)
      %dma_wait3A_288 = arith.constant 0 : i32
      %dma_wait3A_289 = arith.constant 0 : i32
      %dma_wait3A_290 = tpu.memref_slice %arg9[%run_scoped3A, %dma_wait3A_288, %dma_wait3A_289] : memref<4x80x128xf32, #tpu.memory_space<vmem>> -> memref<1x80x128xf32, #tpu.memory_space<vmem>>
      %dma_wait3A_291 = tpu.memref_squeeze %dma_wait3A_290 : memref<1x80x128xf32, #tpu.memory_space<vmem>> -> memref<80x128xf32, #tpu.memory_space<vmem>>
      %dma_wait3A_292 = arith.constant 0 : i32
      %dma_wait3A_293 = arith.constant 0 : i32
      %dma_wait3A_294 = tpu.memref_slice %arg9[%run_scoped3A, %dma_wait3A_292, %dma_wait3A_293] : memref<4x80x128xf32, #tpu.memory_space<vmem>> -> memref<1x80x128xf32, #tpu.memory_space<vmem>>
      %dma_wait3A_295 = tpu.memref_squeeze %dma_wait3A_294 : memref<1x80x128xf32, #tpu.memory_space<vmem>> -> memref<80x128xf32, #tpu.memory_space<vmem>>
      tpu.wait_dma2 semaphore(%run_scoped3A_279 : memref<!tpu.dma_semaphore, #tpu.memory_space<semaphore_mem>>) src(%arg4 : memref<80x128xf32, #tpu.memory_space<hbm>>) dst(%dma_wait3A_295 : memref<80x128xf32, #tpu.memory_space<vmem>>)
      tpu.yield
    }) : () -> ()
    %not3A = arith.constant true
    %not3A_4 = arith.xori %eq3A_3, %not3A : i1
    %convert_element_type3A = arith.extui %not3A_4 : i1 to i32
    %cond3A = arith.constant 0 : i32
    %cond3A_5 = arith.cmpi ne, %convert_element_type3A, %cond3A : i32
    scf.if %cond3A_5 {
      %mul3A_279 = arith.constant 632 : i32
      %mul3A_280 = arith.muli %arg1, %mul3A_279 : i32
      %add3A_281 = arith.constant 0 : i32
      %add3A_282 = arith.addi %mul3A_280, %add3A_281 : i32
      %mul3A_283 = arith.constant 632 : i32
      %mul3A_284 = arith.muli %arg1, %mul3A_283 : i32
      %add3A_285 = arith.constant 80 : i32
      %add3A_286 = arith.addi %mul3A_284, %add3A_285 : i32
      %mul3A_287 = arith.constant 632 : i32
      %mul3A_288 = arith.muli %arg1, %mul3A_287 : i32
      %add3A_289 = arith.constant 160 : i32
      %add3A_290 = arith.addi %mul3A_288, %add3A_289 : i32
      %mul3A_291 = arith.constant 632 : i32
      %mul3A_292 = arith.muli %arg1, %mul3A_291 : i32
      %add3A_293 = arith.constant 240 : i32
      %add3A_294 = arith.addi %mul3A_292, %add3A_293 : i32
      %mul3A_295 = arith.constant 632 : i32
      %mul3A_296 = arith.muli %arg1, %mul3A_295 : i32
      %add3A_297 = arith.constant 320 : i32
      %add3A_298 = arith.addi %mul3A_296, %add3A_297 : i32
      %mul3A_299 = arith.constant 632 : i32
      %mul3A_300 = arith.muli %arg1, %mul3A_299 : i32
      %add3A_301 = arith.constant 400 : i32
      %add3A_302 = arith.addi %mul3A_300, %add3A_301 : i32
      %mul3A_303 = arith.constant 632 : i32
      %mul3A_304 = arith.muli %arg1, %mul3A_303 : i32
      %add3A_305 = arith.constant 480 : i32
      %add3A_306 = arith.addi %mul3A_304, %add3A_305 : i32
      %mul3A_307 = arith.constant 632 : i32
      %mul3A_308 = arith.muli %arg1, %mul3A_307 : i32
      %add3A_309 = arith.constant 560 : i32
      %add3A_310 = arith.addi %mul3A_308, %add3A_309 : i32
      %dma_start3A_311 = arith.constant 3 : i32
      %dma_start3A_312 = arith.constant 0 : i32
      %dma_start3A_313 = arith.constant 0 : i32
      %dma_start3A_314 = tpu.memref_slice %arg9[%dma_start3A_311, %dma_start3A_312, %dma_start3A_313] : memref<4x80x128xf32, #tpu.memory_space<vmem>> -> memref<1x80x128xf32, #tpu.memory_space<vmem>>
      %dma_start3A_315 = tpu.memref_squeeze %dma_start3A_314 : memref<1x80x128xf32, #tpu.memory_space<vmem>> -> memref<80x128xf32, #tpu.memory_space<vmem>>
      %dma_start3A_316 = arith.constant 0 : i32
      %dma_start3A_317 = tpu.memref_slice %arg6[%add3A_282, %dma_start3A_316] : memref<10000x128xf32, #tpu.memory_space<vmem_shared>> -> memref<80x128xf32, #tpu.memory_space<vmem_shared>>
      %dma_start3A_318 = arith.constant 0 : i32
      %dma_start3A_319 = tpu.memref_slice %arg6[%add3A_282, %dma_start3A_318] : memref<10000x128xf32, #tpu.memory_space<vmem_shared>> -> memref<80x128xf32, #tpu.memory_space<vmem_shared>>
      %dma_start3A_320 = arith.constant 0 : i32
      %dma_start3A_321 = arith.constant 0 : i32
      %dma_start3A_322 = tpu.memref_slice %arg9[%dma_start3A_311, %dma_start3A_320, %dma_start3A_321] : memref<4x80x128xf32, #tpu.memory_space<vmem>> -> memref<1x80x128xf32, #tpu.memory_space<vmem>>
      %dma_start3A_323 = tpu.memref_squeeze %dma_start3A_322 : memref<1x80x128xf32, #tpu.memory_space<vmem>> -> memref<80x128xf32, #tpu.memory_space<vmem>>
      tpu.enqueue_dma source(%dma_start3A_323 : memref<80x128xf32, #tpu.memory_space<vmem>>) target(%dma_start3A_319 : memref<80x128xf32, #tpu.memory_space<vmem_shared>>) target_semaphore(%arg28 : memref<!tpu.dma_semaphore, #tpu.memory_space<semaphore_mem>>)
      %dma_start3A_324 = arith.constant 3 : i32
      %dma_start3A_325 = arith.constant 0 : i32
      %dma_start3A_326 = arith.constant 0 : i32
      %dma_start3A_327 = tpu.memref_slice %arg9[%dma_start3A_324, %dma_start3A_325, %dma_start3A_326] : memref<4x80x128xf32, #tpu.memory_space<vmem>> -> memref<1x80x128xf32, #tpu.memory_space<vmem>>
      %dma_start3A_328 = tpu.memref_squeeze %dma_start3A_327 : memref<1x80x128xf32, #tpu.memory_space<vmem>> -> memref<80x128xf32, #tpu.memory_space<vmem>>
      %dma_start3A_329 = arith.constant 0 : i32
      %dma_start3A_330 = tpu.memref_slice %arg6[%add3A_286, %dma_start3A_329] : memref<10000x128xf32, #tpu.memory_space<vmem_shared>> -> memref<80x128xf32, #tpu.memory_space<vmem_shared>>
      %dma_start3A_331 = arith.constant 0 : i32
      %dma_start3A_332 = tpu.memref_slice %arg6[%add3A_286, %dma_start3A_331] : memref<10000x128xf32, #tpu.memory_space<vmem_shared>> -> memref<80x128xf32, #tpu.memory_space<vmem_shared>>
      %dma_start3A_333 = arith.constant 0 : i32
      %dma_start3A_334 = arith.constant 0 : i32
      %dma_start3A_335 = tpu.memref_slice %arg9[%dma_start3A_324, %dma_start3A_333, %dma_start3A_334] : memref<4x80x128xf32, #tpu.memory_space<vmem>> -> memref<1x80x128xf32, #tpu.memory_space<vmem>>
      %dma_start3A_336 = tpu.memref_squeeze %dma_start3A_335 : memref<1x80x128xf32, #tpu.memory_space<vmem>> -> memref<80x128xf32, #tpu.memory_space<vmem>>
      tpu.enqueue_dma source(%dma_start3A_336 : memref<80x128xf32, #tpu.memory_space<vmem>>) target(%dma_start3A_332 : memref<80x128xf32, #tpu.memory_space<vmem_shared>>) target_semaphore(%arg28 : memref<!tpu.dma_semaphore, #tpu.memory_space<semaphore_mem>>)
      %dma_start3A_337 = arith.constant 3 : i32
      %dma_start3A_338 = arith.constant 0 : i32
      %dma_start3A_339 = arith.constant 0 : i32
      %dma_start3A_340 = tpu.memref_slice %arg9[%dma_start3A_337, %dma_start3A_338, %dma_start3A_339] : memref<4x80x128xf32, #tpu.memory_space<vmem>> -> memref<1x80x128xf32, #tpu.memory_space<vmem>>
      %dma_start3A_341 = tpu.memref_squeeze %dma_start3A_340 : memref<1x80x128xf32, #tpu.memory_space<vmem>> -> memref<80x128xf32, #tpu.memory_space<vmem>>
      %dma_start3A_342 = arith.constant 0 : i32
      %dma_start3A_343 = tpu.memref_slice %arg6[%add3A_290, %dma_start3A_342] : memref<10000x128xf32, #tpu.memory_space<vmem_shared>> -> memref<80x128xf32, #tpu.memory_space<vmem_shared>>
      %dma_start3A_344 = arith.constant 0 : i32
      %dma_start3A_345 = tpu.memref_slice %arg6[%add3A_290, %dma_start3A_344] : memref<10000x128xf32, #tpu.memory_space<vmem_shared>> -> memref<80x128xf32, #tpu.memory_space<vmem_shared>>
      %dma_start3A_346 = arith.constant 0 : i32
      %dma_start3A_347 = arith.constant 0 : i32
      %dma_start3A_348 = tpu.memref_slice %arg9[%dma_start3A_337, %dma_start3A_346, %dma_start3A_347] : memref<4x80x128xf32, #tpu.memory_space<vmem>> -> memref<1x80x128xf32, #tpu.memory_space<vmem>>
      %dma_start3A_349 = tpu.memref_squeeze %dma_start3A_348 : memref<1x80x128xf32, #tpu.memory_space<vmem>> -> memref<80x128xf32, #tpu.memory_space<vmem>>
      tpu.enqueue_dma source(%dma_start3A_349 : memref<80x128xf32, #tpu.memory_space<vmem>>) target(%dma_start3A_345 : memref<80x128xf32, #tpu.memory_space<vmem_shared>>) target_semaphore(%arg28 : memref<!tpu.dma_semaphore, #tpu.memory_space<semaphore_mem>>)
      %dma_start3A_350 = arith.constant 3 : i32
      %dma_start3A_351 = arith.constant 0 : i32
      %dma_start3A_352 = arith.constant 0 : i32
      %dma_start3A_353 = tpu.memref_slice %arg9[%dma_start3A_350, %dma_start3A_351, %dma_start3A_352] : memref<4x80x128xf32, #tpu.memory_space<vmem>> -> memref<1x80x128xf32, #tpu.memory_space<vmem>>
      %dma_start3A_354 = tpu.memref_squeeze %dma_start3A_353 : memref<1x80x128xf32, #tpu.memory_space<vmem>> -> memref<80x128xf32, #tpu.memory_space<vmem>>
      %dma_start3A_355 = arith.constant 0 : i32
      %dma_start3A_356 = tpu.memref_slice %arg6[%add3A_294, %dma_start3A_355] : memref<10000x128xf32, #tpu.memory_space<vmem_shared>> -> memref<80x128xf32, #tpu.memory_space<vmem_shared>>
      %dma_start3A_357 = arith.constant 0 : i32
      %dma_start3A_358 = tpu.memref_slice %arg6[%add3A_294, %dma_start3A_357] : memref<10000x128xf32, #tpu.memory_space<vmem_shared>> -> memref<80x128xf32, #tpu.memory_space<vmem_shared>>
      %dma_start3A_359 = arith.constant 0 : i32
      %dma_start3A_360 = arith.constant 0 : i32
      %dma_start3A_361 = tpu.memref_slice %arg9[%dma_start3A_350, %dma_start3A_359, %dma_start3A_360] : memref<4x80x128xf32, #tpu.memory_space<vmem>> -> memref<1x80x128xf32, #tpu.memory_space<vmem>>
      %dma_start3A_362 = tpu.memref_squeeze %dma_start3A_361 : memref<1x80x128xf32, #tpu.memory_space<vmem>> -> memref<80x128xf32, #tpu.memory_space<vmem>>
      tpu.enqueue_dma source(%dma_start3A_362 : memref<80x128xf32, #tpu.memory_space<vmem>>) target(%dma_start3A_358 : memref<80x128xf32, #tpu.memory_space<vmem_shared>>) target_semaphore(%arg28 : memref<!tpu.dma_semaphore, #tpu.memory_space<semaphore_mem>>)
      %dma_start3A_363 = arith.constant 3 : i32
      %dma_start3A_364 = arith.constant 0 : i32
      %dma_start3A_365 = arith.constant 0 : i32
      %dma_start3A_366 = tpu.memref_slice %arg9[%dma_start3A_363, %dma_start3A_364, %dma_start3A_365] : memref<4x80x128xf32, #tpu.memory_space<vmem>> -> memref<1x80x128xf32, #tpu.memory_space<vmem>>
      %dma_start3A_367 = tpu.memref_squeeze %dma_start3A_366 : memref<1x80x128xf32, #tpu.memory_space<vmem>> -> memref<80x128xf32, #tpu.memory_space<vmem>>
      %dma_start3A_368 = arith.constant 0 : i32
      %dma_start3A_369 = tpu.memref_slice %arg6[%add3A_298, %dma_start3A_368] : memref<10000x128xf32, #tpu.memory_space<vmem_shared>> -> memref<80x128xf32, #tpu.memory_space<vmem_shared>>
      %dma_start3A_370 = arith.constant 0 : i32
      %dma_start3A_371 = tpu.memref_slice %arg6[%add3A_298, %dma_start3A_370] : memref<10000x128xf32, #tpu.memory_space<vmem_shared>> -> memref<80x128xf32, #tpu.memory_space<vmem_shared>>
      %dma_start3A_372 = arith.constant 0 : i32
      %dma_start3A_373 = arith.constant 0 : i32
      %dma_start3A_374 = tpu.memref_slice %arg9[%dma_start3A_363, %dma_start3A_372, %dma_start3A_373] : memref<4x80x128xf32, #tpu.memory_space<vmem>> -> memref<1x80x128xf32, #tpu.memory_space<vmem>>
      %dma_start3A_375 = tpu.memref_squeeze %dma_start3A_374 : memref<1x80x128xf32, #tpu.memory_space<vmem>> -> memref<80x128xf32, #tpu.memory_space<vmem>>
      tpu.enqueue_dma source(%dma_start3A_375 : memref<80x128xf32, #tpu.memory_space<vmem>>) target(%dma_start3A_371 : memref<80x128xf32, #tpu.memory_space<vmem_shared>>) target_semaphore(%arg28 : memref<!tpu.dma_semaphore, #tpu.memory_space<semaphore_mem>>)
      %dma_start3A_376 = arith.constant 3 : i32
      %dma_start3A_377 = arith.constant 0 : i32
      %dma_start3A_378 = arith.constant 0 : i32
      %dma_start3A_379 = tpu.memref_slice %arg9[%dma_start3A_376, %dma_start3A_377, %dma_start3A_378] : memref<4x80x128xf32, #tpu.memory_space<vmem>> -> memref<1x80x128xf32, #tpu.memory_space<vmem>>
      %dma_start3A_380 = tpu.memref_squeeze %dma_start3A_379 : memref<1x80x128xf32, #tpu.memory_space<vmem>> -> memref<80x128xf32, #tpu.memory_space<vmem>>
      %dma_start3A_381 = arith.constant 0 : i32
      %dma_start3A_382 = tpu.memref_slice %arg6[%add3A_302, %dma_start3A_381] : memref<10000x128xf32, #tpu.memory_space<vmem_shared>> -> memref<80x128xf32, #tpu.memory_space<vmem_shared>>
      %dma_start3A_383 = arith.constant 0 : i32
      %dma_start3A_384 = tpu.memref_slice %arg6[%add3A_302, %dma_start3A_383] : memref<10000x128xf32, #tpu.memory_space<vmem_shared>> -> memref<80x128xf32, #tpu.memory_space<vmem_shared>>
      %dma_start3A_385 = arith.constant 0 : i32
      %dma_start3A_386 = arith.constant 0 : i32
      %dma_start3A_387 = tpu.memref_slice %arg9[%dma_start3A_376, %dma_start3A_385, %dma_start3A_386] : memref<4x80x128xf32, #tpu.memory_space<vmem>> -> memref<1x80x128xf32, #tpu.memory_space<vmem>>
      %dma_start3A_388 = tpu.memref_squeeze %dma_start3A_387 : memref<1x80x128xf32, #tpu.memory_space<vmem>> -> memref<80x128xf32, #tpu.memory_space<vmem>>
      tpu.enqueue_dma source(%dma_start3A_388 : memref<80x128xf32, #tpu.memory_space<vmem>>) target(%dma_start3A_384 : memref<80x128xf32, #tpu.memory_space<vmem_shared>>) target_semaphore(%arg28 : memref<!tpu.dma_semaphore, #tpu.memory_space<semaphore_mem>>)
      %dma_start3A_389 = arith.constant 3 : i32
      %dma_start3A_390 = arith.constant 0 : i32
      %dma_start3A_391 = arith.constant 0 : i32
      %dma_start3A_392 = tpu.memref_slice %arg9[%dma_start3A_389, %dma_start3A_390, %dma_start3A_391] : memref<4x80x128xf32, #tpu.memory_space<vmem>> -> memref<1x80x128xf32, #tpu.memory_space<vmem>>
      %dma_start3A_393 = tpu.memref_squeeze %dma_start3A_392 : memref<1x80x128xf32, #tpu.memory_space<vmem>> -> memref<80x128xf32, #tpu.memory_space<vmem>>
      %dma_start3A_394 = arith.constant 0 : i32
      %dma_start3A_395 = tpu.memref_slice %arg6[%add3A_306, %dma_start3A_394] : memref<10000x128xf32, #tpu.memory_space<vmem_shared>> -> memref<80x128xf32, #tpu.memory_space<vmem_shared>>
      %dma_start3A_396 = arith.constant 0 : i32
      %dma_start3A_397 = tpu.memref_slice %arg6[%add3A_306, %dma_start3A_396] : memref<10000x128xf32, #tpu.memory_space<vmem_shared>> -> memref<80x128xf32, #tpu.memory_space<vmem_shared>>
      %dma_start3A_398 = arith.constant 0 : i32
      %dma_start3A_399 = arith.constant 0 : i32
      %dma_start3A_400 = tpu.memref_slice %arg9[%dma_start3A_389, %dma_start3A_398, %dma_start3A_399] : memref<4x80x128xf32, #tpu.memory_space<vmem>> -> memref<1x80x128xf32, #tpu.memory_space<vmem>>
      %dma_start3A_401 = tpu.memref_squeeze %dma_start3A_400 : memref<1x80x128xf32, #tpu.memory_space<vmem>> -> memref<80x128xf32, #tpu.memory_space<vmem>>
      tpu.enqueue_dma source(%dma_start3A_401 : memref<80x128xf32, #tpu.memory_space<vmem>>) target(%dma_start3A_397 : memref<80x128xf32, #tpu.memory_space<vmem_shared>>) target_semaphore(%arg28 : memref<!tpu.dma_semaphore, #tpu.memory_space<semaphore_mem>>)
      %dma_start3A_402 = arith.constant 3 : i32
      %dma_start3A_403 = arith.constant 0 : i32
      %dma_start3A_404 = arith.constant 0 : i32
      %dma_start3A_405 = tpu.memref_slice %arg9[%dma_start3A_402, %dma_start3A_403, %dma_start3A_404] : memref<4x80x128xf32, #tpu.memory_space<vmem>> -> memref<1x80x128xf32, #tpu.memory_space<vmem>>
      %dma_start3A_406 = tpu.memref_squeeze %dma_start3A_405 : memref<1x80x128xf32, #tpu.memory_space<vmem>> -> memref<80x128xf32, #tpu.memory_space<vmem>>
      %dma_start3A_407 = arith.constant 0 : i32
      %dma_start3A_408 = arith.constant 0 : i32
      %dma_start3A_409 = tpu.memref_slice %dma_start3A_406[%dma_start3A_407, %dma_start3A_408] : memref<80x128xf32, #tpu.memory_space<vmem>> -> memref<72x128xf32, #tpu.memory_space<vmem>>
      %dma_start3A_410 = arith.constant 0 : i32
      %dma_start3A_411 = tpu.memref_slice %arg6[%add3A_310, %dma_start3A_410] : memref<10000x128xf32, #tpu.memory_space<vmem_shared>> -> memref<72x128xf32, #tpu.memory_space<vmem_shared>>
      %dma_start3A_412 = arith.constant 0 : i32
      %dma_start3A_413 = tpu.memref_slice %arg6[%add3A_310, %dma_start3A_412] : memref<10000x128xf32, #tpu.memory_space<vmem_shared>> -> memref<72x128xf32, #tpu.memory_space<vmem_shared>>
      %dma_start3A_414 = arith.constant 0 : i32
      %dma_start3A_415 = arith.constant 0 : i32
      %dma_start3A_416 = tpu.memref_slice %arg9[%dma_start3A_402, %dma_start3A_414, %dma_start3A_415] : memref<4x80x128xf32, #tpu.memory_space<vmem>> -> memref<1x80x128xf32, #tpu.memory_space<vmem>>
      %dma_start3A_417 = tpu.memref_squeeze %dma_start3A_416 : memref<1x80x128xf32, #tpu.memory_space<vmem>> -> memref<80x128xf32, #tpu.memory_space<vmem>>
      %dma_start3A_418 = arith.constant 0 : i32
      %dma_start3A_419 = arith.constant 0 : i32
      %dma_start3A_420 = tpu.memref_slice %dma_start3A_417[%dma_start3A_418, %dma_start3A_419] : memref<80x128xf32, #tpu.memory_space<vmem>> -> memref<72x128xf32, #tpu.memory_space<vmem>>
      tpu.enqueue_dma source(%dma_start3A_420 : memref<72x128xf32, #tpu.memory_space<vmem>>) target(%dma_start3A_413 : memref<72x128xf32, #tpu.memory_space<vmem_shared>>) target_semaphore(%arg28 : memref<!tpu.dma_semaphore, #tpu.memory_space<semaphore_mem>>)
    } else {
    }
    %convert_element_type3A_6 = arith.extui %eq3A_3 : i1 to i32
    %cond3A_7 = arith.constant 0 : i32
    %cond3A_8 = arith.cmpi ne, %convert_element_type3A_6, %cond3A_7 : i32
    scf.if %cond3A_8 {
      %mul3A_279 = arith.constant 632 : i32
      %mul3A_280 = arith.muli %arg1, %mul3A_279 : i32
      %add3A_281 = arith.constant 0 : i32
      %add3A_282 = arith.addi %mul3A_280, %add3A_281 : i32
      %mul3A_283 = arith.constant 632 : i32
      %mul3A_284 = arith.muli %arg1, %mul3A_283 : i32
      %add3A_285 = arith.constant 80 : i32
      %add3A_286 = arith.addi %mul3A_284, %add3A_285 : i32
      %mul3A_287 = arith.constant 632 : i32
      %mul3A_288 = arith.muli %arg1, %mul3A_287 : i32
      %add3A_289 = arith.constant 160 : i32
      %add3A_290 = arith.addi %mul3A_288, %add3A_289 : i32
      %mul3A_291 = arith.constant 632 : i32
      %mul3A_292 = arith.muli %arg1, %mul3A_291 : i32
      %add3A_293 = arith.constant 240 : i32
      %add3A_294 = arith.addi %mul3A_292, %add3A_293 : i32
      %mul3A_295 = arith.constant 632 : i32
      %mul3A_296 = arith.muli %arg1, %mul3A_295 : i32
      %add3A_297 = arith.constant 320 : i32
      %add3A_298 = arith.addi %mul3A_296, %add3A_297 : i32
      %mul3A_299 = arith.constant 632 : i32
      %mul3A_300 = arith.muli %arg1, %mul3A_299 : i32
      %add3A_301 = arith.constant 400 : i32
      %add3A_302 = arith.addi %mul3A_300, %add3A_301 : i32
      %mul3A_303 = arith.constant 632 : i32
      %mul3A_304 = arith.muli %arg1, %mul3A_303 : i32
      %add3A_305 = arith.constant 480 : i32
      %add3A_306 = arith.addi %mul3A_304, %add3A_305 : i32
      %dma_start3A_307 = arith.constant 3 : i32
      %dma_start3A_308 = arith.constant 0 : i32
      %dma_start3A_309 = arith.constant 0 : i32
      %dma_start3A_310 = tpu.memref_slice %arg9[%dma_start3A_307, %dma_start3A_308, %dma_start3A_309] : memref<4x80x128xf32, #tpu.memory_space<vmem>> -> memref<1x80x128xf32, #tpu.memory_space<vmem>>
      %dma_start3A_311 = tpu.memref_squeeze %dma_start3A_310 : memref<1x80x128xf32, #tpu.memory_space<vmem>> -> memref<80x128xf32, #tpu.memory_space<vmem>>
      %dma_start3A_312 = arith.constant 0 : i32
      %dma_start3A_313 = tpu.memref_slice %arg6[%add3A_282, %dma_start3A_312] : memref<10000x128xf32, #tpu.memory_space<vmem_shared>> -> memref<80x128xf32, #tpu.memory_space<vmem_shared>>
      %dma_start3A_314 = arith.constant 0 : i32
      %dma_start3A_315 = tpu.memref_slice %arg6[%add3A_282, %dma_start3A_314] : memref<10000x128xf32, #tpu.memory_space<vmem_shared>> -> memref<80x128xf32, #tpu.memory_space<vmem_shared>>
      %dma_start3A_316 = arith.constant 0 : i32
      %dma_start3A_317 = arith.constant 0 : i32
      %dma_start3A_318 = tpu.memref_slice %arg9[%dma_start3A_307, %dma_start3A_316, %dma_start3A_317] : memref<4x80x128xf32, #tpu.memory_space<vmem>> -> memref<1x80x128xf32, #tpu.memory_space<vmem>>
      %dma_start3A_319 = tpu.memref_squeeze %dma_start3A_318 : memref<1x80x128xf32, #tpu.memory_space<vmem>> -> memref<80x128xf32, #tpu.memory_space<vmem>>
      tpu.enqueue_dma source(%dma_start3A_319 : memref<80x128xf32, #tpu.memory_space<vmem>>) target(%dma_start3A_315 : memref<80x128xf32, #tpu.memory_space<vmem_shared>>) target_semaphore(%arg28 : memref<!tpu.dma_semaphore, #tpu.memory_space<semaphore_mem>>)
      %dma_start3A_320 = arith.constant 3 : i32
      %dma_start3A_321 = arith.constant 0 : i32
      %dma_start3A_322 = arith.constant 0 : i32
      %dma_start3A_323 = tpu.memref_slice %arg9[%dma_start3A_320, %dma_start3A_321, %dma_start3A_322] : memref<4x80x128xf32, #tpu.memory_space<vmem>> -> memref<1x80x128xf32, #tpu.memory_space<vmem>>
      %dma_start3A_324 = tpu.memref_squeeze %dma_start3A_323 : memref<1x80x128xf32, #tpu.memory_space<vmem>> -> memref<80x128xf32, #tpu.memory_space<vmem>>
      %dma_start3A_325 = arith.constant 0 : i32
      %dma_start3A_326 = tpu.memref_slice %arg6[%add3A_286, %dma_start3A_325] : memref<10000x128xf32, #tpu.memory_space<vmem_shared>> -> memref<80x128xf32, #tpu.memory_space<vmem_shared>>
      %dma_start3A_327 = arith.constant 0 : i32
      %dma_start3A_328 = tpu.memref_slice %arg6[%add3A_286, %dma_start3A_327] : memref<10000x128xf32, #tpu.memory_space<vmem_shared>> -> memref<80x128xf32, #tpu.memory_space<vmem_shared>>
      %dma_start3A_329 = arith.constant 0 : i32
      %dma_start3A_330 = arith.constant 0 : i32
      %dma_start3A_331 = tpu.memref_slice %arg9[%dma_start3A_320, %dma_start3A_329, %dma_start3A_330] : memref<4x80x128xf32, #tpu.memory_space<vmem>> -> memref<1x80x128xf32, #tpu.memory_space<vmem>>
      %dma_start3A_332 = tpu.memref_squeeze %dma_start3A_331 : memref<1x80x128xf32, #tpu.memory_space<vmem>> -> memref<80x128xf32, #tpu.memory_space<vmem>>
      tpu.enqueue_dma source(%dma_start3A_332 : memref<80x128xf32, #tpu.memory_space<vmem>>) target(%dma_start3A_328 : memref<80x128xf32, #tpu.memory_space<vmem_shared>>) target_semaphore(%arg28 : memref<!tpu.dma_semaphore, #tpu.memory_space<semaphore_mem>>)
      %dma_start3A_333 = arith.constant 3 : i32
      %dma_start3A_334 = arith.constant 0 : i32
      %dma_start3A_335 = arith.constant 0 : i32
      %dma_start3A_336 = tpu.memref_slice %arg9[%dma_start3A_333, %dma_start3A_334, %dma_start3A_335] : memref<4x80x128xf32, #tpu.memory_space<vmem>> -> memref<1x80x128xf32, #tpu.memory_space<vmem>>
      %dma_start3A_337 = tpu.memref_squeeze %dma_start3A_336 : memref<1x80x128xf32, #tpu.memory_space<vmem>> -> memref<80x128xf32, #tpu.memory_space<vmem>>
      %dma_start3A_338 = arith.constant 0 : i32
      %dma_start3A_339 = tpu.memref_slice %arg6[%add3A_290, %dma_start3A_338] : memref<10000x128xf32, #tpu.memory_space<vmem_shared>> -> memref<80x128xf32, #tpu.memory_space<vmem_shared>>
      %dma_start3A_340 = arith.constant 0 : i32
      %dma_start3A_341 = tpu.memref_slice %arg6[%add3A_290, %dma_start3A_340] : memref<10000x128xf32, #tpu.memory_space<vmem_shared>> -> memref<80x128xf32, #tpu.memory_space<vmem_shared>>
      %dma_start3A_342 = arith.constant 0 : i32
      %dma_start3A_343 = arith.constant 0 : i32
      %dma_start3A_344 = tpu.memref_slice %arg9[%dma_start3A_333, %dma_start3A_342, %dma_start3A_343] : memref<4x80x128xf32, #tpu.memory_space<vmem>> -> memref<1x80x128xf32, #tpu.memory_space<vmem>>
      %dma_start3A_345 = tpu.memref_squeeze %dma_start3A_344 : memref<1x80x128xf32, #tpu.memory_space<vmem>> -> memref<80x128xf32, #tpu.memory_space<vmem>>
      tpu.enqueue_dma source(%dma_start3A_345 : memref<80x128xf32, #tpu.memory_space<vmem>>) target(%dma_start3A_341 : memref<80x128xf32, #tpu.memory_space<vmem_shared>>) target_semaphore(%arg28 : memref<!tpu.dma_semaphore, #tpu.memory_space<semaphore_mem>>)
      %dma_start3A_346 = arith.constant 3 : i32
      %dma_start3A_347 = arith.constant 0 : i32
      %dma_start3A_348 = arith.constant 0 : i32
      %dma_start3A_349 = tpu.memref_slice %arg9[%dma_start3A_346, %dma_start3A_347, %dma_start3A_348] : memref<4x80x128xf32, #tpu.memory_space<vmem>> -> memref<1x80x128xf32, #tpu.memory_space<vmem>>
      %dma_start3A_350 = tpu.memref_squeeze %dma_start3A_349 : memref<1x80x128xf32, #tpu.memory_space<vmem>> -> memref<80x128xf32, #tpu.memory_space<vmem>>
      %dma_start3A_351 = arith.constant 0 : i32
      %dma_start3A_352 = tpu.memref_slice %arg6[%add3A_294, %dma_start3A_351] : memref<10000x128xf32, #tpu.memory_space<vmem_shared>> -> memref<80x128xf32, #tpu.memory_space<vmem_shared>>
      %dma_start3A_353 = arith.constant 0 : i32
      %dma_start3A_354 = tpu.memref_slice %arg6[%add3A_294, %dma_start3A_353] : memref<10000x128xf32, #tpu.memory_space<vmem_shared>> -> memref<80x128xf32, #tpu.memory_space<vmem_shared>>
      %dma_start3A_355 = arith.constant 0 : i32
      %dma_start3A_356 = arith.constant 0 : i32
      %dma_start3A_357 = tpu.memref_slice %arg9[%dma_start3A_346, %dma_start3A_355, %dma_start3A_356] : memref<4x80x128xf32, #tpu.memory_space<vmem>> -> memref<1x80x128xf32, #tpu.memory_space<vmem>>
      %dma_start3A_358 = tpu.memref_squeeze %dma_start3A_357 : memref<1x80x128xf32, #tpu.memory_space<vmem>> -> memref<80x128xf32, #tpu.memory_space<vmem>>
      tpu.enqueue_dma source(%dma_start3A_358 : memref<80x128xf32, #tpu.memory_space<vmem>>) target(%dma_start3A_354 : memref<80x128xf32, #tpu.memory_space<vmem_shared>>) target_semaphore(%arg28 : memref<!tpu.dma_semaphore, #tpu.memory_space<semaphore_mem>>)
      %dma_start3A_359 = arith.constant 3 : i32
      %dma_start3A_360 = arith.constant 0 : i32
      %dma_start3A_361 = arith.constant 0 : i32
      %dma_start3A_362 = tpu.memref_slice %arg9[%dma_start3A_359, %dma_start3A_360, %dma_start3A_361] : memref<4x80x128xf32, #tpu.memory_space<vmem>> -> memref<1x80x128xf32, #tpu.memory_space<vmem>>
      %dma_start3A_363 = tpu.memref_squeeze %dma_start3A_362 : memref<1x80x128xf32, #tpu.memory_space<vmem>> -> memref<80x128xf32, #tpu.memory_space<vmem>>
      %dma_start3A_364 = arith.constant 0 : i32
      %dma_start3A_365 = tpu.memref_slice %arg6[%add3A_298, %dma_start3A_364] : memref<10000x128xf32, #tpu.memory_space<vmem_shared>> -> memref<80x128xf32, #tpu.memory_space<vmem_shared>>
      %dma_start3A_366 = arith.constant 0 : i32
      %dma_start3A_367 = tpu.memref_slice %arg6[%add3A_298, %dma_start3A_366] : memref<10000x128xf32, #tpu.memory_space<vmem_shared>> -> memref<80x128xf32, #tpu.memory_space<vmem_shared>>
      %dma_start3A_368 = arith.constant 0 : i32
      %dma_start3A_369 = arith.constant 0 : i32
      %dma_start3A_370 = tpu.memref_slice %arg9[%dma_start3A_359, %dma_start3A_368, %dma_start3A_369] : memref<4x80x128xf32, #tpu.memory_space<vmem>> -> memref<1x80x128xf32, #tpu.memory_space<vmem>>
      %dma_start3A_371 = tpu.memref_squeeze %dma_start3A_370 : memref<1x80x128xf32, #tpu.memory_space<vmem>> -> memref<80x128xf32, #tpu.memory_space<vmem>>
      tpu.enqueue_dma source(%dma_start3A_371 : memref<80x128xf32, #tpu.memory_space<vmem>>) target(%dma_start3A_367 : memref<80x128xf32, #tpu.memory_space<vmem_shared>>) target_semaphore(%arg28 : memref<!tpu.dma_semaphore, #tpu.memory_space<semaphore_mem>>)
      %dma_start3A_372 = arith.constant 3 : i32
      %dma_start3A_373 = arith.constant 0 : i32
      %dma_start3A_374 = arith.constant 0 : i32
      %dma_start3A_375 = tpu.memref_slice %arg9[%dma_start3A_372, %dma_start3A_373, %dma_start3A_374] : memref<4x80x128xf32, #tpu.memory_space<vmem>> -> memref<1x80x128xf32, #tpu.memory_space<vmem>>
      %dma_start3A_376 = tpu.memref_squeeze %dma_start3A_375 : memref<1x80x128xf32, #tpu.memory_space<vmem>> -> memref<80x128xf32, #tpu.memory_space<vmem>>
      %dma_start3A_377 = arith.constant 0 : i32
      %dma_start3A_378 = tpu.memref_slice %arg6[%add3A_302, %dma_start3A_377] : memref<10000x128xf32, #tpu.memory_space<vmem_shared>> -> memref<80x128xf32, #tpu.memory_space<vmem_shared>>
      %dma_start3A_379 = arith.constant 0 : i32
      %dma_start3A_380 = tpu.memref_slice %arg6[%add3A_302, %dma_start3A_379] : memref<10000x128xf32, #tpu.memory_space<vmem_shared>> -> memref<80x128xf32, #tpu.memory_space<vmem_shared>>
      %dma_start3A_381 = arith.constant 0 : i32
      %dma_start3A_382 = arith.constant 0 : i32
      %dma_start3A_383 = tpu.memref_slice %arg9[%dma_start3A_372, %dma_start3A_381, %dma_start3A_382] : memref<4x80x128xf32, #tpu.memory_space<vmem>> -> memref<1x80x128xf32, #tpu.memory_space<vmem>>
      %dma_start3A_384 = tpu.memref_squeeze %dma_start3A_383 : memref<1x80x128xf32, #tpu.memory_space<vmem>> -> memref<80x128xf32, #tpu.memory_space<vmem>>
      tpu.enqueue_dma source(%dma_start3A_384 : memref<80x128xf32, #tpu.memory_space<vmem>>) target(%dma_start3A_380 : memref<80x128xf32, #tpu.memory_space<vmem_shared>>) target_semaphore(%arg28 : memref<!tpu.dma_semaphore, #tpu.memory_space<semaphore_mem>>)
      %dma_start3A_385 = arith.constant 3 : i32
      %dma_start3A_386 = arith.constant 0 : i32
      %dma_start3A_387 = arith.constant 0 : i32
      %dma_start3A_388 = tpu.memref_slice %arg9[%dma_start3A_385, %dma_start3A_386, %dma_start3A_387] : memref<4x80x128xf32, #tpu.memory_space<vmem>> -> memref<1x80x128xf32, #tpu.memory_space<vmem>>
      %dma_start3A_389 = tpu.memref_squeeze %dma_start3A_388 : memref<1x80x128xf32, #tpu.memory_space<vmem>> -> memref<80x128xf32, #tpu.memory_space<vmem>>
      %dma_start3A_390 = arith.constant 0 : i32
      %dma_start3A_391 = arith.constant 0 : i32
      %dma_start3A_392 = tpu.memref_slice %dma_start3A_389[%dma_start3A_390, %dma_start3A_391] : memref<80x128xf32, #tpu.memory_space<vmem>> -> memref<40x128xf32, #tpu.memory_space<vmem>>
      %dma_start3A_393 = arith.constant 0 : i32
      %dma_start3A_394 = tpu.memref_slice %arg6[%add3A_306, %dma_start3A_393] : memref<10000x128xf32, #tpu.memory_space<vmem_shared>> -> memref<40x128xf32, #tpu.memory_space<vmem_shared>>
      %dma_start3A_395 = arith.constant 0 : i32
      %dma_start3A_396 = tpu.memref_slice %arg6[%add3A_306, %dma_start3A_395] : memref<10000x128xf32, #tpu.memory_space<vmem_shared>> -> memref<40x128xf32, #tpu.memory_space<vmem_shared>>
      %dma_start3A_397 = arith.constant 0 : i32
      %dma_start3A_398 = arith.constant 0 : i32
      %dma_start3A_399 = tpu.memref_slice %arg9[%dma_start3A_385, %dma_start3A_397, %dma_start3A_398] : memref<4x80x128xf32, #tpu.memory_space<vmem>> -> memref<1x80x128xf32, #tpu.memory_space<vmem>>
      %dma_start3A_400 = tpu.memref_squeeze %dma_start3A_399 : memref<1x80x128xf32, #tpu.memory_space<vmem>> -> memref<80x128xf32, #tpu.memory_space<vmem>>
      %dma_start3A_401 = arith.constant 0 : i32
      %dma_start3A_402 = arith.constant 0 : i32
      %dma_start3A_403 = tpu.memref_slice %dma_start3A_400[%dma_start3A_401, %dma_start3A_402] : memref<80x128xf32, #tpu.memory_space<vmem>> -> memref<40x128xf32, #tpu.memory_space<vmem>>
      tpu.enqueue_dma source(%dma_start3A_403 : memref<40x128xf32, #tpu.memory_space<vmem>>) target(%dma_start3A_396 : memref<40x128xf32, #tpu.memory_space<vmem_shared>>) target_semaphore(%arg28 : memref<!tpu.dma_semaphore, #tpu.memory_space<semaphore_mem>>)
    } else {
    }
    %add3A_9 = arith.constant 0 : i32
    %add3A_10 = arith.addi %mul3A_2, %add3A_9 : i32
    %multiple_of3A = tpu.assume_multiple %add3A_10, 8 : i32
    %dma_start3A = arith.constant 0 : i32
    %dma_start3A_11 = arith.constant 0 : i32
    %dma_start3A_12 = tpu.memref_slice %arg7[%dma_start3A, %dma_start3A_11] : memref<4x80xi32, #tpu.memory_space<vmem>> -> memref<1x80xi32, #tpu.memory_space<vmem>>
    %dma_start3A_13 = tpu.memref_squeeze %dma_start3A_12 : memref<1x80xi32, #tpu.memory_space<vmem>> -> memref<80xi32, #tpu.memory_space<vmem>>
    %dma_start3A_14 = tpu.memref_slice %arg3[%multiple_of3A] : memref<640000xi32, #tpu.memory_space<hbm>> -> memref<80xi32, #tpu.memory_space<hbm>>
    %dma_start3A_15 = arith.constant 0 : i32
    %dma_start3A_16 = tpu.memref_slice %arg7[%dma_start3A, %dma_start3A_15] : memref<4x80xi32, #tpu.memory_space<vmem>> -> memref<1x80xi32, #tpu.memory_space<vmem>>
    %dma_start3A_17 = tpu.memref_squeeze %dma_start3A_16 : memref<1x80xi32, #tpu.memory_space<vmem>> -> memref<80xi32, #tpu.memory_space<vmem>>
    %dma_start3A_18 = tpu.memref_slice %arg3[%multiple_of3A] : memref<640000xi32, #tpu.memory_space<hbm>> -> memref<80xi32, #tpu.memory_space<hbm>>
    tpu.enqueue_dma source(%dma_start3A_18 : memref<80xi32, #tpu.memory_space<hbm>>) target(%dma_start3A_17 : memref<80xi32, #tpu.memory_space<vmem>>) target_semaphore(%arg16 : memref<!tpu.dma_semaphore, #tpu.memory_space<semaphore_mem>>)
    %add3A_19 = arith.constant 320000 : i32
    %add3A_20 = arith.addi %add3A_19, %mul3A_2 : i32
    %add3A_21 = arith.constant 0 : i32
    %add3A_22 = arith.addi %add3A_20, %add3A_21 : i32
    %multiple_of3A_23 = tpu.assume_multiple %add3A_22, 8 : i32
    %dma_start3A_24 = arith.constant 0 : i32
    %dma_start3A_25 = arith.constant 0 : i32
    %dma_start3A_26 = tpu.memref_slice %arg8[%dma_start3A_24, %dma_start3A_25] : memref<4x80xi32, #tpu.memory_space<vmem>> -> memref<1x80xi32, #tpu.memory_space<vmem>>
    %dma_start3A_27 = tpu.memref_squeeze %dma_start3A_26 : memref<1x80xi32, #tpu.memory_space<vmem>> -> memref<80xi32, #tpu.memory_space<vmem>>
    %dma_start3A_28 = tpu.memref_slice %arg3[%multiple_of3A_23] : memref<640000xi32, #tpu.memory_space<hbm>> -> memref<80xi32, #tpu.memory_space<hbm>>
    %dma_start3A_29 = arith.constant 0 : i32
    %dma_start3A_30 = tpu.memref_slice %arg8[%dma_start3A_24, %dma_start3A_29] : memref<4x80xi32, #tpu.memory_space<vmem>> -> memref<1x80xi32, #tpu.memory_space<vmem>>
    %dma_start3A_31 = tpu.memref_squeeze %dma_start3A_30 : memref<1x80xi32, #tpu.memory_space<vmem>> -> memref<80xi32, #tpu.memory_space<vmem>>
    %dma_start3A_32 = tpu.memref_slice %arg3[%multiple_of3A_23] : memref<640000xi32, #tpu.memory_space<hbm>> -> memref<80xi32, #tpu.memory_space<hbm>>
    tpu.enqueue_dma source(%dma_start3A_32 : memref<80xi32, #tpu.memory_space<hbm>>) target(%dma_start3A_31 : memref<80xi32, #tpu.memory_space<vmem>>) target_semaphore(%arg20 : memref<!tpu.dma_semaphore, #tpu.memory_space<semaphore_mem>>)
    %add3A_33 = arith.constant 80 : i32
    %add3A_34 = arith.addi %mul3A_2, %add3A_33 : i32
    %multiple_of3A_35 = tpu.assume_multiple %add3A_34, 8 : i32
    %dma_start3A_36 = arith.constant 1 : i32
    %dma_start3A_37 = arith.constant 0 : i32
    %dma_start3A_38 = tpu.memref_slice %arg7[%dma_start3A_36, %dma_start3A_37] : memref<4x80xi32, #tpu.memory_space<vmem>> -> memref<1x80xi32, #tpu.memory_space<vmem>>
    %dma_start3A_39 = tpu.memref_squeeze %dma_start3A_38 : memref<1x80xi32, #tpu.memory_space<vmem>> -> memref<80xi32, #tpu.memory_space<vmem>>
    %dma_start3A_40 = tpu.memref_slice %arg3[%multiple_of3A_35] : memref<640000xi32, #tpu.memory_space<hbm>> -> memref<80xi32, #tpu.memory_space<hbm>>
    %dma_start3A_41 = arith.constant 0 : i32
    %dma_start3A_42 = tpu.memref_slice %arg7[%dma_start3A_36, %dma_start3A_41] : memref<4x80xi32, #tpu.memory_space<vmem>> -> memref<1x80xi32, #tpu.memory_space<vmem>>
    %dma_start3A_43 = tpu.memref_squeeze %dma_start3A_42 : memref<1x80xi32, #tpu.memory_space<vmem>> -> memref<80xi32, #tpu.memory_space<vmem>>
    %dma_start3A_44 = tpu.memref_slice %arg3[%multiple_of3A_35] : memref<640000xi32, #tpu.memory_space<hbm>> -> memref<80xi32, #tpu.memory_space<hbm>>
    tpu.enqueue_dma source(%dma_start3A_44 : memref<80xi32, #tpu.memory_space<hbm>>) target(%dma_start3A_43 : memref<80xi32, #tpu.memory_space<vmem>>) target_semaphore(%arg17 : memref<!tpu.dma_semaphore, #tpu.memory_space<semaphore_mem>>)
    %add3A_45 = arith.constant 320000 : i32
    %add3A_46 = arith.addi %add3A_45, %mul3A_2 : i32
    %add3A_47 = arith.constant 80 : i32
    %add3A_48 = arith.addi %add3A_46, %add3A_47 : i32
    %multiple_of3A_49 = tpu.assume_multiple %add3A_48, 8 : i32
    %dma_start3A_50 = arith.constant 1 : i32
    %dma_start3A_51 = arith.constant 0 : i32
    %dma_start3A_52 = tpu.memref_slice %arg8[%dma_start3A_50, %dma_start3A_51] : memref<4x80xi32, #tpu.memory_space<vmem>> -> memref<1x80xi32, #tpu.memory_space<vmem>>
    %dma_start3A_53 = tpu.memref_squeeze %dma_start3A_52 : memref<1x80xi32, #tpu.memory_space<vmem>> -> memref<80xi32, #tpu.memory_space<vmem>>
    %dma_start3A_54 = tpu.memref_slice %arg3[%multiple_of3A_49] : memref<640000xi32, #tpu.memory_space<hbm>> -> memref<80xi32, #tpu.memory_space<hbm>>
    %dma_start3A_55 = arith.constant 0 : i32
    %dma_start3A_56 = tpu.memref_slice %arg8[%dma_start3A_50, %dma_start3A_55] : memref<4x80xi32, #tpu.memory_space<vmem>> -> memref<1x80xi32, #tpu.memory_space<vmem>>
    %dma_start3A_57 = tpu.memref_squeeze %dma_start3A_56 : memref<1x80xi32, #tpu.memory_space<vmem>> -> memref<80xi32, #tpu.memory_space<vmem>>
    %dma_start3A_58 = tpu.memref_slice %arg3[%multiple_of3A_49] : memref<640000xi32, #tpu.memory_space<hbm>> -> memref<80xi32, #tpu.memory_space<hbm>>
    tpu.enqueue_dma source(%dma_start3A_58 : memref<80xi32, #tpu.memory_space<hbm>>) target(%dma_start3A_57 : memref<80xi32, #tpu.memory_space<vmem>>) target_semaphore(%arg21 : memref<!tpu.dma_semaphore, #tpu.memory_space<semaphore_mem>>)
    %add3A_59 = arith.constant 160 : i32
    %add3A_60 = arith.addi %mul3A_2, %add3A_59 : i32
    %multiple_of3A_61 = tpu.assume_multiple %add3A_60, 8 : i32
    %dma_start3A_62 = arith.constant 2 : i32
    %dma_start3A_63 = arith.constant 0 : i32
    %dma_start3A_64 = tpu.memref_slice %arg7[%dma_start3A_62, %dma_start3A_63] : memref<4x80xi32, #tpu.memory_space<vmem>> -> memref<1x80xi32, #tpu.memory_space<vmem>>
    %dma_start3A_65 = tpu.memref_squeeze %dma_start3A_64 : memref<1x80xi32, #tpu.memory_space<vmem>> -> memref<80xi32, #tpu.memory_space<vmem>>
    %dma_start3A_66 = tpu.memref_slice %arg3[%multiple_of3A_61] : memref<640000xi32, #tpu.memory_space<hbm>> -> memref<80xi32, #tpu.memory_space<hbm>>
    %dma_start3A_67 = arith.constant 0 : i32
    %dma_start3A_68 = tpu.memref_slice %arg7[%dma_start3A_62, %dma_start3A_67] : memref<4x80xi32, #tpu.memory_space<vmem>> -> memref<1x80xi32, #tpu.memory_space<vmem>>
    %dma_start3A_69 = tpu.memref_squeeze %dma_start3A_68 : memref<1x80xi32, #tpu.memory_space<vmem>> -> memref<80xi32, #tpu.memory_space<vmem>>
    %dma_start3A_70 = tpu.memref_slice %arg3[%multiple_of3A_61] : memref<640000xi32, #tpu.memory_space<hbm>> -> memref<80xi32, #tpu.memory_space<hbm>>
    tpu.enqueue_dma source(%dma_start3A_70 : memref<80xi32, #tpu.memory_space<hbm>>) target(%dma_start3A_69 : memref<80xi32, #tpu.memory_space<vmem>>) target_semaphore(%arg18 : memref<!tpu.dma_semaphore, #tpu.memory_space<semaphore_mem>>)
    %add3A_71 = arith.constant 320000 : i32
    %add3A_72 = arith.addi %add3A_71, %mul3A_2 : i32
    %add3A_73 = arith.constant 160 : i32
    %add3A_74 = arith.addi %add3A_72, %add3A_73 : i32
    %multiple_of3A_75 = tpu.assume_multiple %add3A_74, 8 : i32
    %dma_start3A_76 = arith.constant 2 : i32
    %dma_start3A_77 = arith.constant 0 : i32
    %dma_start3A_78 = tpu.memref_slice %arg8[%dma_start3A_76, %dma_start3A_77] : memref<4x80xi32, #tpu.memory_space<vmem>> -> memref<1x80xi32, #tpu.memory_space<vmem>>
    %dma_start3A_79 = tpu.memref_squeeze %dma_start3A_78 : memref<1x80xi32, #tpu.memory_space<vmem>> -> memref<80xi32, #tpu.memory_space<vmem>>
    %dma_start3A_80 = tpu.memref_slice %arg3[%multiple_of3A_75] : memref<640000xi32, #tpu.memory_space<hbm>> -> memref<80xi32, #tpu.memory_space<hbm>>
    %dma_start3A_81 = arith.constant 0 : i32
    %dma_start3A_82 = tpu.memref_slice %arg8[%dma_start3A_76, %dma_start3A_81] : memref<4x80xi32, #tpu.memory_space<vmem>> -> memref<1x80xi32, #tpu.memory_space<vmem>>
    %dma_start3A_83 = tpu.memref_squeeze %dma_start3A_82 : memref<1x80xi32, #tpu.memory_space<vmem>> -> memref<80xi32, #tpu.memory_space<vmem>>
    %dma_start3A_84 = tpu.memref_slice %arg3[%multiple_of3A_75] : memref<640000xi32, #tpu.memory_space<hbm>> -> memref<80xi32, #tpu.memory_space<hbm>>
    tpu.enqueue_dma source(%dma_start3A_84 : memref<80xi32, #tpu.memory_space<hbm>>) target(%dma_start3A_83 : memref<80xi32, #tpu.memory_space<vmem>>) target_semaphore(%arg22 : memref<!tpu.dma_semaphore, #tpu.memory_space<semaphore_mem>>)
    %add3A_85 = arith.constant 240 : i32
    %add3A_86 = arith.addi %mul3A_2, %add3A_85 : i32
    %multiple_of3A_87 = tpu.assume_multiple %add3A_86, 8 : i32
    %dma_start3A_88 = arith.constant 3 : i32
    %dma_start3A_89 = arith.constant 0 : i32
    %dma_start3A_90 = tpu.memref_slice %arg7[%dma_start3A_88, %dma_start3A_89] : memref<4x80xi32, #tpu.memory_space<vmem>> -> memref<1x80xi32, #tpu.memory_space<vmem>>
    %dma_start3A_91 = tpu.memref_squeeze %dma_start3A_90 : memref<1x80xi32, #tpu.memory_space<vmem>> -> memref<80xi32, #tpu.memory_space<vmem>>
    %dma_start3A_92 = tpu.memref_slice %arg3[%multiple_of3A_87] : memref<640000xi32, #tpu.memory_space<hbm>> -> memref<80xi32, #tpu.memory_space<hbm>>
    %dma_start3A_93 = arith.constant 0 : i32
    %dma_start3A_94 = tpu.memref_slice %arg7[%dma_start3A_88, %dma_start3A_93] : memref<4x80xi32, #tpu.memory_space<vmem>> -> memref<1x80xi32, #tpu.memory_space<vmem>>
    %dma_start3A_95 = tpu.memref_squeeze %dma_start3A_94 : memref<1x80xi32, #tpu.memory_space<vmem>> -> memref<80xi32, #tpu.memory_space<vmem>>
    %dma_start3A_96 = tpu.memref_slice %arg3[%multiple_of3A_87] : memref<640000xi32, #tpu.memory_space<hbm>> -> memref<80xi32, #tpu.memory_space<hbm>>
    tpu.enqueue_dma source(%dma_start3A_96 : memref<80xi32, #tpu.memory_space<hbm>>) target(%dma_start3A_95 : memref<80xi32, #tpu.memory_space<vmem>>) target_semaphore(%arg19 : memref<!tpu.dma_semaphore, #tpu.memory_space<semaphore_mem>>)
    %add3A_97 = arith.constant 320000 : i32
    %add3A_98 = arith.addi %add3A_97, %mul3A_2 : i32
    %add3A_99 = arith.constant 240 : i32
    %add3A_100 = arith.addi %add3A_98, %add3A_99 : i32
    %multiple_of3A_101 = tpu.assume_multiple %add3A_100, 8 : i32
    %dma_start3A_102 = arith.constant 3 : i32
    %dma_start3A_103 = arith.constant 0 : i32
    %dma_start3A_104 = tpu.memref_slice %arg8[%dma_start3A_102, %dma_start3A_103] : memref<4x80xi32, #tpu.memory_space<vmem>> -> memref<1x80xi32, #tpu.memory_space<vmem>>
    %dma_start3A_105 = tpu.memref_squeeze %dma_start3A_104 : memref<1x80xi32, #tpu.memory_space<vmem>> -> memref<80xi32, #tpu.memory_space<vmem>>
    %dma_start3A_106 = tpu.memref_slice %arg3[%multiple_of3A_101] : memref<640000xi32, #tpu.memory_space<hbm>> -> memref<80xi32, #tpu.memory_space<hbm>>
    %dma_start3A_107 = arith.constant 0 : i32
    %dma_start3A_108 = tpu.memref_slice %arg8[%dma_start3A_102, %dma_start3A_107] : memref<4x80xi32, #tpu.memory_space<vmem>> -> memref<1x80xi32, #tpu.memory_space<vmem>>
    %dma_start3A_109 = tpu.memref_squeeze %dma_start3A_108 : memref<1x80xi32, #tpu.memory_space<vmem>> -> memref<80xi32, #tpu.memory_space<vmem>>
    %dma_start3A_110 = tpu.memref_slice %arg3[%multiple_of3A_101] : memref<640000xi32, #tpu.memory_space<hbm>> -> memref<80xi32, #tpu.memory_space<hbm>>
    tpu.enqueue_dma source(%dma_start3A_110 : memref<80xi32, #tpu.memory_space<hbm>>) target(%dma_start3A_109 : memref<80xi32, #tpu.memory_space<vmem>>) target_semaphore(%arg23 : memref<!tpu.dma_semaphore, #tpu.memory_space<semaphore_mem>>)
    %add3A_111 = arith.constant 0 : i32
    %add3A_112 = arith.addi %mul3A_2, %add3A_111 : i32
    %multiple_of3A_113 = tpu.assume_multiple %add3A_112, 8 : i32
    %dma_wait3A = arith.constant 0 : i32
    %dma_wait3A_114 = arith.constant 0 : i32
    %dma_wait3A_115 = tpu.memref_slice %arg7[%dma_wait3A, %dma_wait3A_114] : memref<4x80xi32, #tpu.memory_space<vmem>> -> memref<1x80xi32, #tpu.memory_space<vmem>>
    %dma_wait3A_116 = tpu.memref_squeeze %dma_wait3A_115 : memref<1x80xi32, #tpu.memory_space<vmem>> -> memref<80xi32, #tpu.memory_space<vmem>>
    %dma_wait3A_117 = tpu.memref_slice %arg3[%multiple_of3A_113] : memref<640000xi32, #tpu.memory_space<hbm>> -> memref<80xi32, #tpu.memory_space<hbm>>
    %dma_wait3A_118 = arith.constant 0 : i32
    %dma_wait3A_119 = tpu.memref_slice %arg7[%dma_wait3A, %dma_wait3A_118] : memref<4x80xi32, #tpu.memory_space<vmem>> -> memref<1x80xi32, #tpu.memory_space<vmem>>
    %dma_wait3A_120 = tpu.memref_squeeze %dma_wait3A_119 : memref<1x80xi32, #tpu.memory_space<vmem>> -> memref<80xi32, #tpu.memory_space<vmem>>
    %dma_wait3A_121 = tpu.memref_slice %arg3[%multiple_of3A_113] : memref<640000xi32, #tpu.memory_space<hbm>> -> memref<80xi32, #tpu.memory_space<hbm>>
    tpu.wait_dma2 semaphore(%arg16 : memref<!tpu.dma_semaphore, #tpu.memory_space<semaphore_mem>>) src(%dma_wait3A_121 : memref<80xi32, #tpu.memory_space<hbm>>) dst(%dma_wait3A_120 : memref<80xi32, #tpu.memory_space<vmem>>)
    %dma_start3A_122 = arith.constant 0 : i32
    %dma_start3A_123 = arith.constant 0 : i32
    %dma_start3A_124 = arith.constant 0 : i32
    %dma_start3A_125 = arith.constant 0 : i32
    %dma_start3A_126 = tpu.memref_slice %arg9[%dma_start3A_123, %dma_start3A_124, %dma_start3A_125] : memref<4x80x128xf32, #tpu.memory_space<vmem>> -> memref<1x80x128xf32, #tpu.memory_space<vmem>>
    %dma_start3A_127 = tpu.memref_squeeze %dma_start3A_126 : memref<1x80x128xf32, #tpu.memory_space<vmem>> -> memref<80x128xf32, #tpu.memory_space<vmem>>
    %dma_start3A_128 = arith.constant 0 : i32
    %dma_start3A_129 = tpu.memref_slice %arg7[%dma_start3A_122, %dma_start3A_128] : memref<4x80xi32, #tpu.memory_space<vmem>> -> memref<1x80xi32, #tpu.memory_space<vmem>>
    %dma_start3A_130 = tpu.memref_squeeze %dma_start3A_129 : memref<1x80xi32, #tpu.memory_space<vmem>> -> memref<80xi32, #tpu.memory_space<vmem>>
    %dma_start3A_131 = arith.constant 0 : i32
    %dma_start3A_132 = arith.constant 0 : i32
    %dma_start3A_133 = tpu.memref_slice %arg2[%dma_start3A_131, %dma_start3A_132] : memref<10000x128xf32, #tpu.memory_space<hbm>> -> memref<10000x128xf32, #tpu.memory_space<hbm>>
    tpu.enqueue_indirect_dma source(%dma_start3A_133 : memref<10000x128xf32, #tpu.memory_space<hbm>>) target(%dma_start3A_127 : memref<80x128xf32, #tpu.memory_space<vmem>>) offsets(%dma_start3A_130 : memref<80xi32, #tpu.memory_space<vmem>>) semaphore(%arg12 : memref<!tpu.dma_semaphore, #tpu.memory_space<semaphore_mem>>)
    %add3A_134 = arith.constant 80 : i32
    %add3A_135 = arith.addi %mul3A_2, %add3A_134 : i32
    %multiple_of3A_136 = tpu.assume_multiple %add3A_135, 8 : i32
    %dma_wait3A_137 = arith.constant 1 : i32
    %dma_wait3A_138 = arith.constant 0 : i32
    %dma_wait3A_139 = tpu.memref_slice %arg7[%dma_wait3A_137, %dma_wait3A_138] : memref<4x80xi32, #tpu.memory_space<vmem>> -> memref<1x80xi32, #tpu.memory_space<vmem>>
    %dma_wait3A_140 = tpu.memref_squeeze %dma_wait3A_139 : memref<1x80xi32, #tpu.memory_space<vmem>> -> memref<80xi32, #tpu.memory_space<vmem>>
    %dma_wait3A_141 = tpu.memref_slice %arg3[%multiple_of3A_136] : memref<640000xi32, #tpu.memory_space<hbm>> -> memref<80xi32, #tpu.memory_space<hbm>>
    %dma_wait3A_142 = arith.constant 0 : i32
    %dma_wait3A_143 = tpu.memref_slice %arg7[%dma_wait3A_137, %dma_wait3A_142] : memref<4x80xi32, #tpu.memory_space<vmem>> -> memref<1x80xi32, #tpu.memory_space<vmem>>
    %dma_wait3A_144 = tpu.memref_squeeze %dma_wait3A_143 : memref<1x80xi32, #tpu.memory_space<vmem>> -> memref<80xi32, #tpu.memory_space<vmem>>
    %dma_wait3A_145 = tpu.memref_slice %arg3[%multiple_of3A_136] : memref<640000xi32, #tpu.memory_space<hbm>> -> memref<80xi32, #tpu.memory_space<hbm>>
    tpu.wait_dma2 semaphore(%arg17 : memref<!tpu.dma_semaphore, #tpu.memory_space<semaphore_mem>>) src(%dma_wait3A_145 : memref<80xi32, #tpu.memory_space<hbm>>) dst(%dma_wait3A_144 : memref<80xi32, #tpu.memory_space<vmem>>)
    %dma_start3A_146 = arith.constant 1 : i32
    %dma_start3A_147 = arith.constant 1 : i32
    %dma_start3A_148 = arith.constant 0 : i32
    %dma_start3A_149 = arith.constant 0 : i32
    %dma_start3A_150 = tpu.memref_slice %arg9[%dma_start3A_147, %dma_start3A_148, %dma_start3A_149] : memref<4x80x128xf32, #tpu.memory_space<vmem>> -> memref<1x80x128xf32, #tpu.memory_space<vmem>>
    %dma_start3A_151 = tpu.memref_squeeze %dma_start3A_150 : memref<1x80x128xf32, #tpu.memory_space<vmem>> -> memref<80x128xf32, #tpu.memory_space<vmem>>
    %dma_start3A_152 = arith.constant 0 : i32
    %dma_start3A_153 = tpu.memref_slice %arg7[%dma_start3A_146, %dma_start3A_152] : memref<4x80xi32, #tpu.memory_space<vmem>> -> memref<1x80xi32, #tpu.memory_space<vmem>>
    %dma_start3A_154 = tpu.memref_squeeze %dma_start3A_153 : memref<1x80xi32, #tpu.memory_space<vmem>> -> memref<80xi32, #tpu.memory_space<vmem>>
    %dma_start3A_155 = arith.constant 0 : i32
    %dma_start3A_156 = arith.constant 0 : i32
    %dma_start3A_157 = tpu.memref_slice %arg2[%dma_start3A_155, %dma_start3A_156] : memref<10000x128xf32, #tpu.memory_space<hbm>> -> memref<10000x128xf32, #tpu.memory_space<hbm>>
    tpu.enqueue_indirect_dma source(%dma_start3A_157 : memref<10000x128xf32, #tpu.memory_space<hbm>>) target(%dma_start3A_151 : memref<80x128xf32, #tpu.memory_space<vmem>>) offsets(%dma_start3A_154 : memref<80xi32, #tpu.memory_space<vmem>>) semaphore(%arg13 : memref<!tpu.dma_semaphore, #tpu.memory_space<semaphore_mem>>)
    %add3A_158 = arith.constant 160 : i32
    %add3A_159 = arith.addi %mul3A_2, %add3A_158 : i32
    %multiple_of3A_160 = tpu.assume_multiple %add3A_159, 8 : i32
    %dma_wait3A_161 = arith.constant 2 : i32
    %dma_wait3A_162 = arith.constant 0 : i32
    %dma_wait3A_163 = tpu.memref_slice %arg7[%dma_wait3A_161, %dma_wait3A_162] : memref<4x80xi32, #tpu.memory_space<vmem>> -> memref<1x80xi32, #tpu.memory_space<vmem>>
    %dma_wait3A_164 = tpu.memref_squeeze %dma_wait3A_163 : memref<1x80xi32, #tpu.memory_space<vmem>> -> memref<80xi32, #tpu.memory_space<vmem>>
    %dma_wait3A_165 = tpu.memref_slice %arg3[%multiple_of3A_160] : memref<640000xi32, #tpu.memory_space<hbm>> -> memref<80xi32, #tpu.memory_space<hbm>>
    %dma_wait3A_166 = arith.constant 0 : i32
    %dma_wait3A_167 = tpu.memref_slice %arg7[%dma_wait3A_161, %dma_wait3A_166] : memref<4x80xi32, #tpu.memory_space<vmem>> -> memref<1x80xi32, #tpu.memory_space<vmem>>
    %dma_wait3A_168 = tpu.memref_squeeze %dma_wait3A_167 : memref<1x80xi32, #tpu.memory_space<vmem>> -> memref<80xi32, #tpu.memory_space<vmem>>
    %dma_wait3A_169 = tpu.memref_slice %arg3[%multiple_of3A_160] : memref<640000xi32, #tpu.memory_space<hbm>> -> memref<80xi32, #tpu.memory_space<hbm>>
    tpu.wait_dma2 semaphore(%arg18 : memref<!tpu.dma_semaphore, #tpu.memory_space<semaphore_mem>>) src(%dma_wait3A_169 : memref<80xi32, #tpu.memory_space<hbm>>) dst(%dma_wait3A_168 : memref<80xi32, #tpu.memory_space<vmem>>)
    %dma_start3A_170 = arith.constant 2 : i32
    %dma_start3A_171 = arith.constant 2 : i32
    %dma_start3A_172 = arith.constant 0 : i32
    %dma_start3A_173 = arith.constant 0 : i32
    %dma_start3A_174 = tpu.memref_slice %arg9[%dma_start3A_171, %dma_start3A_172, %dma_start3A_173] : memref<4x80x128xf32, #tpu.memory_space<vmem>> -> memref<1x80x128xf32, #tpu.memory_space<vmem>>
    %dma_start3A_175 = tpu.memref_squeeze %dma_start3A_174 : memref<1x80x128xf32, #tpu.memory_space<vmem>> -> memref<80x128xf32, #tpu.memory_space<vmem>>
    %dma_start3A_176 = arith.constant 0 : i32
    %dma_start3A_177 = tpu.memref_slice %arg7[%dma_start3A_170, %dma_start3A_176] : memref<4x80xi32, #tpu.memory_space<vmem>> -> memref<1x80xi32, #tpu.memory_space<vmem>>
    %dma_start3A_178 = tpu.memref_squeeze %dma_start3A_177 : memref<1x80xi32, #tpu.memory_space<vmem>> -> memref<80xi32, #tpu.memory_space<vmem>>
    %dma_start3A_179 = arith.constant 0 : i32
    %dma_start3A_180 = arith.constant 0 : i32
    %dma_start3A_181 = tpu.memref_slice %arg2[%dma_start3A_179, %dma_start3A_180] : memref<10000x128xf32, #tpu.memory_space<hbm>> -> memref<10000x128xf32, #tpu.memory_space<hbm>>
    tpu.enqueue_indirect_dma source(%dma_start3A_181 : memref<10000x128xf32, #tpu.memory_space<hbm>>) target(%dma_start3A_175 : memref<80x128xf32, #tpu.memory_space<vmem>>) offsets(%dma_start3A_178 : memref<80xi32, #tpu.memory_space<vmem>>) semaphore(%arg14 : memref<!tpu.dma_semaphore, #tpu.memory_space<semaphore_mem>>)
    %not3A_182 = arith.constant true
    %not3A_183 = arith.xori %eq3A_3, %not3A_182 : i1
    %convert_element_type3A_184 = arith.extui %not3A_183 : i1 to i32
    %cond3A_185 = arith.constant 0 : i32
    %cond3A_186 = arith.cmpi ne, %convert_element_type3A_184, %cond3A_185 : i32
    scf.if %cond3A_186 {
      %mul3A_279 = arith.constant 632 : i32
      %mul3A_280 = arith.muli %arg1, %mul3A_279 : i32
      %add3A_281 = arith.constant 0 : i32
      %add3A_282 = arith.addi %mul3A_280, %add3A_281 : i32
      %mul3A_283 = arith.constant 632 : i32
      %mul3A_284 = arith.muli %arg1, %mul3A_283 : i32
      %add3A_285 = arith.constant 80 : i32
      %add3A_286 = arith.addi %mul3A_284, %add3A_285 : i32
      %mul3A_287 = arith.constant 632 : i32
      %mul3A_288 = arith.muli %arg1, %mul3A_287 : i32
      %add3A_289 = arith.constant 160 : i32
      %add3A_290 = arith.addi %mul3A_288, %add3A_289 : i32
      %mul3A_291 = arith.constant 632 : i32
      %mul3A_292 = arith.muli %arg1, %mul3A_291 : i32
      %add3A_293 = arith.constant 240 : i32
      %add3A_294 = arith.addi %mul3A_292, %add3A_293 : i32
      %mul3A_295 = arith.constant 632 : i32
      %mul3A_296 = arith.muli %arg1, %mul3A_295 : i32
      %add3A_297 = arith.constant 320 : i32
      %add3A_298 = arith.addi %mul3A_296, %add3A_297 : i32
      %mul3A_299 = arith.constant 632 : i32
      %mul3A_300 = arith.muli %arg1, %mul3A_299 : i32
      %add3A_301 = arith.constant 400 : i32
      %add3A_302 = arith.addi %mul3A_300, %add3A_301 : i32
      %mul3A_303 = arith.constant 632 : i32
      %mul3A_304 = arith.muli %arg1, %mul3A_303 : i32
      %add3A_305 = arith.constant 480 : i32
      %add3A_306 = arith.addi %mul3A_304, %add3A_305 : i32
      %mul3A_307 = arith.constant 632 : i32
      %mul3A_308 = arith.muli %arg1, %mul3A_307 : i32
      %add3A_309 = arith.constant 560 : i32
      %add3A_310 = arith.addi %mul3A_308, %add3A_309 : i32
      %dma_wait3A_311 = arith.constant 3 : i32
      %dma_wait3A_312 = arith.constant 0 : i32
      %dma_wait3A_313 = arith.constant 0 : i32
      %dma_wait3A_314 = tpu.memref_slice %arg9[%dma_wait3A_311, %dma_wait3A_312, %dma_wait3A_313] : memref<4x80x128xf32, #tpu.memory_space<vmem>> -> memref<1x80x128xf32, #tpu.memory_space<vmem>>
      %dma_wait3A_315 = tpu.memref_squeeze %dma_wait3A_314 : memref<1x80x128xf32, #tpu.memory_space<vmem>> -> memref<80x128xf32, #tpu.memory_space<vmem>>
      %dma_wait3A_316 = arith.constant 0 : i32
      %dma_wait3A_317 = tpu.memref_slice %arg6[%add3A_282, %dma_wait3A_316] : memref<10000x128xf32, #tpu.memory_space<vmem_shared>> -> memref<80x128xf32, #tpu.memory_space<vmem_shared>>
      %dma_wait3A_318 = arith.constant 0 : i32
      %dma_wait3A_319 = tpu.memref_slice %arg6[%add3A_282, %dma_wait3A_318] : memref<10000x128xf32, #tpu.memory_space<vmem_shared>> -> memref<80x128xf32, #tpu.memory_space<vmem_shared>>
      %dma_wait3A_320 = arith.constant 0 : i32
      %dma_wait3A_321 = arith.constant 0 : i32
      %dma_wait3A_322 = tpu.memref_slice %arg9[%dma_wait3A_311, %dma_wait3A_320, %dma_wait3A_321] : memref<4x80x128xf32, #tpu.memory_space<vmem>> -> memref<1x80x128xf32, #tpu.memory_space<vmem>>
      %dma_wait3A_323 = tpu.memref_squeeze %dma_wait3A_322 : memref<1x80x128xf32, #tpu.memory_space<vmem>> -> memref<80x128xf32, #tpu.memory_space<vmem>>
      tpu.wait_dma2 semaphore(%arg28 : memref<!tpu.dma_semaphore, #tpu.memory_space<semaphore_mem>>) src(%dma_wait3A_323 : memref<80x128xf32, #tpu.memory_space<vmem>>) dst(%dma_wait3A_319 : memref<80x128xf32, #tpu.memory_space<vmem_shared>>)
      %dma_wait3A_324 = arith.constant 3 : i32
      %dma_wait3A_325 = arith.constant 0 : i32
      %dma_wait3A_326 = arith.constant 0 : i32
      %dma_wait3A_327 = tpu.memref_slice %arg9[%dma_wait3A_324, %dma_wait3A_325, %dma_wait3A_326] : memref<4x80x128xf32, #tpu.memory_space<vmem>> -> memref<1x80x128xf32, #tpu.memory_space<vmem>>
      %dma_wait3A_328 = tpu.memref_squeeze %dma_wait3A_327 : memref<1x80x128xf32, #tpu.memory_space<vmem>> -> memref<80x128xf32, #tpu.memory_space<vmem>>
      %dma_wait3A_329 = arith.constant 0 : i32
      %dma_wait3A_330 = tpu.memref_slice %arg6[%add3A_286, %dma_wait3A_329] : memref<10000x128xf32, #tpu.memory_space<vmem_shared>> -> memref<80x128xf32, #tpu.memory_space<vmem_shared>>
      %dma_wait3A_331 = arith.constant 0 : i32
      %dma_wait3A_332 = tpu.memref_slice %arg6[%add3A_286, %dma_wait3A_331] : memref<10000x128xf32, #tpu.memory_space<vmem_shared>> -> memref<80x128xf32, #tpu.memory_space<vmem_shared>>
      %dma_wait3A_333 = arith.constant 0 : i32
      %dma_wait3A_334 = arith.constant 0 : i32
      %dma_wait3A_335 = tpu.memref_slice %arg9[%dma_wait3A_324, %dma_wait3A_333, %dma_wait3A_334] : memref<4x80x128xf32, #tpu.memory_space<vmem>> -> memref<1x80x128xf32, #tpu.memory_space<vmem>>
      %dma_wait3A_336 = tpu.memref_squeeze %dma_wait3A_335 : memref<1x80x128xf32, #tpu.memory_space<vmem>> -> memref<80x128xf32, #tpu.memory_space<vmem>>
      tpu.wait_dma2 semaphore(%arg28 : memref<!tpu.dma_semaphore, #tpu.memory_space<semaphore_mem>>) src(%dma_wait3A_336 : memref<80x128xf32, #tpu.memory_space<vmem>>) dst(%dma_wait3A_332 : memref<80x128xf32, #tpu.memory_space<vmem_shared>>)
      %dma_wait3A_337 = arith.constant 3 : i32
      %dma_wait3A_338 = arith.constant 0 : i32
      %dma_wait3A_339 = arith.constant 0 : i32
      %dma_wait3A_340 = tpu.memref_slice %arg9[%dma_wait3A_337, %dma_wait3A_338, %dma_wait3A_339] : memref<4x80x128xf32, #tpu.memory_space<vmem>> -> memref<1x80x128xf32, #tpu.memory_space<vmem>>
      %dma_wait3A_341 = tpu.memref_squeeze %dma_wait3A_340 : memref<1x80x128xf32, #tpu.memory_space<vmem>> -> memref<80x128xf32, #tpu.memory_space<vmem>>
      %dma_wait3A_342 = arith.constant 0 : i32
      %dma_wait3A_343 = tpu.memref_slice %arg6[%add3A_290, %dma_wait3A_342] : memref<10000x128xf32, #tpu.memory_space<vmem_shared>> -> memref<80x128xf32, #tpu.memory_space<vmem_shared>>
      %dma_wait3A_344 = arith.constant 0 : i32
      %dma_wait3A_345 = tpu.memref_slice %arg6[%add3A_290, %dma_wait3A_344] : memref<10000x128xf32, #tpu.memory_space<vmem_shared>> -> memref<80x128xf32, #tpu.memory_space<vmem_shared>>
      %dma_wait3A_346 = arith.constant 0 : i32
      %dma_wait3A_347 = arith.constant 0 : i32
      %dma_wait3A_348 = tpu.memref_slice %arg9[%dma_wait3A_337, %dma_wait3A_346, %dma_wait3A_347] : memref<4x80x128xf32, #tpu.memory_space<vmem>> -> memref<1x80x128xf32, #tpu.memory_space<vmem>>
      %dma_wait3A_349 = tpu.memref_squeeze %dma_wait3A_348 : memref<1x80x128xf32, #tpu.memory_space<vmem>> -> memref<80x128xf32, #tpu.memory_space<vmem>>
      tpu.wait_dma2 semaphore(%arg28 : memref<!tpu.dma_semaphore, #tpu.memory_space<semaphore_mem>>) src(%dma_wait3A_349 : memref<80x128xf32, #tpu.memory_space<vmem>>) dst(%dma_wait3A_345 : memref<80x128xf32, #tpu.memory_space<vmem_shared>>)
      %dma_wait3A_350 = arith.constant 3 : i32
      %dma_wait3A_351 = arith.constant 0 : i32
      %dma_wait3A_352 = arith.constant 0 : i32
      %dma_wait3A_353 = tpu.memref_slice %arg9[%dma_wait3A_350, %dma_wait3A_351, %dma_wait3A_352] : memref<4x80x128xf32, #tpu.memory_space<vmem>> -> memref<1x80x128xf32, #tpu.memory_space<vmem>>
      %dma_wait3A_354 = tpu.memref_squeeze %dma_wait3A_353 : memref<1x80x128xf32, #tpu.memory_space<vmem>> -> memref<80x128xf32, #tpu.memory_space<vmem>>
      %dma_wait3A_355 = arith.constant 0 : i32
      %dma_wait3A_356 = tpu.memref_slice %arg6[%add3A_294, %dma_wait3A_355] : memref<10000x128xf32, #tpu.memory_space<vmem_shared>> -> memref<80x128xf32, #tpu.memory_space<vmem_shared>>
      %dma_wait3A_357 = arith.constant 0 : i32
      %dma_wait3A_358 = tpu.memref_slice %arg6[%add3A_294, %dma_wait3A_357] : memref<10000x128xf32, #tpu.memory_space<vmem_shared>> -> memref<80x128xf32, #tpu.memory_space<vmem_shared>>
      %dma_wait3A_359 = arith.constant 0 : i32
      %dma_wait3A_360 = arith.constant 0 : i32
      %dma_wait3A_361 = tpu.memref_slice %arg9[%dma_wait3A_350, %dma_wait3A_359, %dma_wait3A_360] : memref<4x80x128xf32, #tpu.memory_space<vmem>> -> memref<1x80x128xf32, #tpu.memory_space<vmem>>
      %dma_wait3A_362 = tpu.memref_squeeze %dma_wait3A_361 : memref<1x80x128xf32, #tpu.memory_space<vmem>> -> memref<80x128xf32, #tpu.memory_space<vmem>>
      tpu.wait_dma2 semaphore(%arg28 : memref<!tpu.dma_semaphore, #tpu.memory_space<semaphore_mem>>) src(%dma_wait3A_362 : memref<80x128xf32, #tpu.memory_space<vmem>>) dst(%dma_wait3A_358 : memref<80x128xf32, #tpu.memory_space<vmem_shared>>)
      %dma_wait3A_363 = arith.constant 3 : i32
      %dma_wait3A_364 = arith.constant 0 : i32
      %dma_wait3A_365 = arith.constant 0 : i32
      %dma_wait3A_366 = tpu.memref_slice %arg9[%dma_wait3A_363, %dma_wait3A_364, %dma_wait3A_365] : memref<4x80x128xf32, #tpu.memory_space<vmem>> -> memref<1x80x128xf32, #tpu.memory_space<vmem>>
      %dma_wait3A_367 = tpu.memref_squeeze %dma_wait3A_366 : memref<1x80x128xf32, #tpu.memory_space<vmem>> -> memref<80x128xf32, #tpu.memory_space<vmem>>
      %dma_wait3A_368 = arith.constant 0 : i32
      %dma_wait3A_369 = tpu.memref_slice %arg6[%add3A_298, %dma_wait3A_368] : memref<10000x128xf32, #tpu.memory_space<vmem_shared>> -> memref<80x128xf32, #tpu.memory_space<vmem_shared>>
      %dma_wait3A_370 = arith.constant 0 : i32
      %dma_wait3A_371 = tpu.memref_slice %arg6[%add3A_298, %dma_wait3A_370] : memref<10000x128xf32, #tpu.memory_space<vmem_shared>> -> memref<80x128xf32, #tpu.memory_space<vmem_shared>>
      %dma_wait3A_372 = arith.constant 0 : i32
      %dma_wait3A_373 = arith.constant 0 : i32
      %dma_wait3A_374 = tpu.memref_slice %arg9[%dma_wait3A_363, %dma_wait3A_372, %dma_wait3A_373] : memref<4x80x128xf32, #tpu.memory_space<vmem>> -> memref<1x80x128xf32, #tpu.memory_space<vmem>>
      %dma_wait3A_375 = tpu.memref_squeeze %dma_wait3A_374 : memref<1x80x128xf32, #tpu.memory_space<vmem>> -> memref<80x128xf32, #tpu.memory_space<vmem>>
      tpu.wait_dma2 semaphore(%arg28 : memref<!tpu.dma_semaphore, #tpu.memory_space<semaphore_mem>>) src(%dma_wait3A_375 : memref<80x128xf32, #tpu.memory_space<vmem>>) dst(%dma_wait3A_371 : memref<80x128xf32, #tpu.memory_space<vmem_shared>>)
      %dma_wait3A_376 = arith.constant 3 : i32
      %dma_wait3A_377 = arith.constant 0 : i32
      %dma_wait3A_378 = arith.constant 0 : i32
      %dma_wait3A_379 = tpu.memref_slice %arg9[%dma_wait3A_376, %dma_wait3A_377, %dma_wait3A_378] : memref<4x80x128xf32, #tpu.memory_space<vmem>> -> memref<1x80x128xf32, #tpu.memory_space<vmem>>
      %dma_wait3A_380 = tpu.memref_squeeze %dma_wait3A_379 : memref<1x80x128xf32, #tpu.memory_space<vmem>> -> memref<80x128xf32, #tpu.memory_space<vmem>>
      %dma_wait3A_381 = arith.constant 0 : i32
      %dma_wait3A_382 = tpu.memref_slice %arg6[%add3A_302, %dma_wait3A_381] : memref<10000x128xf32, #tpu.memory_space<vmem_shared>> -> memref<80x128xf32, #tpu.memory_space<vmem_shared>>
      %dma_wait3A_383 = arith.constant 0 : i32
      %dma_wait3A_384 = tpu.memref_slice %arg6[%add3A_302, %dma_wait3A_383] : memref<10000x128xf32, #tpu.memory_space<vmem_shared>> -> memref<80x128xf32, #tpu.memory_space<vmem_shared>>
      %dma_wait3A_385 = arith.constant 0 : i32
      %dma_wait3A_386 = arith.constant 0 : i32
      %dma_wait3A_387 = tpu.memref_slice %arg9[%dma_wait3A_376, %dma_wait3A_385, %dma_wait3A_386] : memref<4x80x128xf32, #tpu.memory_space<vmem>> -> memref<1x80x128xf32, #tpu.memory_space<vmem>>
      %dma_wait3A_388 = tpu.memref_squeeze %dma_wait3A_387 : memref<1x80x128xf32, #tpu.memory_space<vmem>> -> memref<80x128xf32, #tpu.memory_space<vmem>>
      tpu.wait_dma2 semaphore(%arg28 : memref<!tpu.dma_semaphore, #tpu.memory_space<semaphore_mem>>) src(%dma_wait3A_388 : memref<80x128xf32, #tpu.memory_space<vmem>>) dst(%dma_wait3A_384 : memref<80x128xf32, #tpu.memory_space<vmem_shared>>)
      %dma_wait3A_389 = arith.constant 3 : i32
      %dma_wait3A_390 = arith.constant 0 : i32
      %dma_wait3A_391 = arith.constant 0 : i32
      %dma_wait3A_392 = tpu.memref_slice %arg9[%dma_wait3A_389, %dma_wait3A_390, %dma_wait3A_391] : memref<4x80x128xf32, #tpu.memory_space<vmem>> -> memref<1x80x128xf32, #tpu.memory_space<vmem>>
      %dma_wait3A_393 = tpu.memref_squeeze %dma_wait3A_392 : memref<1x80x128xf32, #tpu.memory_space<vmem>> -> memref<80x128xf32, #tpu.memory_space<vmem>>
      %dma_wait3A_394 = arith.constant 0 : i32
      %dma_wait3A_395 = tpu.memref_slice %arg6[%add3A_306, %dma_wait3A_394] : memref<10000x128xf32, #tpu.memory_space<vmem_shared>> -> memref<80x128xf32, #tpu.memory_space<vmem_shared>>
      %dma_wait3A_396 = arith.constant 0 : i32
      %dma_wait3A_397 = tpu.memref_slice %arg6[%add3A_306, %dma_wait3A_396] : memref<10000x128xf32, #tpu.memory_space<vmem_shared>> -> memref<80x128xf32, #tpu.memory_space<vmem_shared>>
      %dma_wait3A_398 = arith.constant 0 : i32
      %dma_wait3A_399 = arith.constant 0 : i32
      %dma_wait3A_400 = tpu.memref_slice %arg9[%dma_wait3A_389, %dma_wait3A_398, %dma_wait3A_399] : memref<4x80x128xf32, #tpu.memory_space<vmem>> -> memref<1x80x128xf32, #tpu.memory_space<vmem>>
      %dma_wait3A_401 = tpu.memref_squeeze %dma_wait3A_400 : memref<1x80x128xf32, #tpu.memory_space<vmem>> -> memref<80x128xf32, #tpu.memory_space<vmem>>
      tpu.wait_dma2 semaphore(%arg28 : memref<!tpu.dma_semaphore, #tpu.memory_space<semaphore_mem>>) src(%dma_wait3A_401 : memref<80x128xf32, #tpu.memory_space<vmem>>) dst(%dma_wait3A_397 : memref<80x128xf32, #tpu.memory_space<vmem_shared>>)
      %dma_wait3A_402 = arith.constant 3 : i32
      %dma_wait3A_403 = arith.constant 0 : i32
      %dma_wait3A_404 = arith.constant 0 : i32
      %dma_wait3A_405 = tpu.memref_slice %arg9[%dma_wait3A_402, %dma_wait3A_403, %dma_wait3A_404] : memref<4x80x128xf32, #tpu.memory_space<vmem>> -> memref<1x80x128xf32, #tpu.memory_space<vmem>>
      %dma_wait3A_406 = tpu.memref_squeeze %dma_wait3A_405 : memref<1x80x128xf32, #tpu.memory_space<vmem>> -> memref<80x128xf32, #tpu.memory_space<vmem>>
      %dma_wait3A_407 = arith.constant 0 : i32
      %dma_wait3A_408 = arith.constant 0 : i32
      %dma_wait3A_409 = tpu.memref_slice %dma_wait3A_406[%dma_wait3A_407, %dma_wait3A_408] : memref<80x128xf32, #tpu.memory_space<vmem>> -> memref<72x128xf32, #tpu.memory_space<vmem>>
      %dma_wait3A_410 = arith.constant 0 : i32
      %dma_wait3A_411 = tpu.memref_slice %arg6[%add3A_310, %dma_wait3A_410] : memref<10000x128xf32, #tpu.memory_space<vmem_shared>> -> memref<72x128xf32, #tpu.memory_space<vmem_shared>>
      %dma_wait3A_412 = arith.constant 0 : i32
      %dma_wait3A_413 = tpu.memref_slice %arg6[%add3A_310, %dma_wait3A_412] : memref<10000x128xf32, #tpu.memory_space<vmem_shared>> -> memref<72x128xf32, #tpu.memory_space<vmem_shared>>
      %dma_wait3A_414 = arith.constant 0 : i32
      %dma_wait3A_415 = arith.constant 0 : i32
      %dma_wait3A_416 = tpu.memref_slice %arg9[%dma_wait3A_402, %dma_wait3A_414, %dma_wait3A_415] : memref<4x80x128xf32, #tpu.memory_space<vmem>> -> memref<1x80x128xf32, #tpu.memory_space<vmem>>
      %dma_wait3A_417 = tpu.memref_squeeze %dma_wait3A_416 : memref<1x80x128xf32, #tpu.memory_space<vmem>> -> memref<80x128xf32, #tpu.memory_space<vmem>>
      %dma_wait3A_418 = arith.constant 0 : i32
      %dma_wait3A_419 = arith.constant 0 : i32
      %dma_wait3A_420 = tpu.memref_slice %dma_wait3A_417[%dma_wait3A_418, %dma_wait3A_419] : memref<80x128xf32, #tpu.memory_space<vmem>> -> memref<72x128xf32, #tpu.memory_space<vmem>>
      tpu.wait_dma2 semaphore(%arg28 : memref<!tpu.dma_semaphore, #tpu.memory_space<semaphore_mem>>) src(%dma_wait3A_420 : memref<72x128xf32, #tpu.memory_space<vmem>>) dst(%dma_wait3A_413 : memref<72x128xf32, #tpu.memory_space<vmem_shared>>)
    } else {
    }
    %convert_element_type3A_187 = arith.extui %eq3A_3 : i1 to i32
    %cond3A_188 = arith.constant 0 : i32
    %cond3A_189 = arith.cmpi ne, %convert_element_type3A_187, %cond3A_188 : i32
    scf.if %cond3A_189 {
      %mul3A_279 = arith.constant 632 : i32
      %mul3A_280 = arith.muli %arg1, %mul3A_279 : i32
      %add3A_281 = arith.constant 0 : i32
      %add3A_282 = arith.addi %mul3A_280, %add3A_281 : i32
      %mul3A_283 = arith.constant 632 : i32
      %mul3A_284 = arith.muli %arg1, %mul3A_283 : i32
      %add3A_285 = arith.constant 80 : i32
      %add3A_286 = arith.addi %mul3A_284, %add3A_285 : i32
      %mul3A_287 = arith.constant 632 : i32
      %mul3A_288 = arith.muli %arg1, %mul3A_287 : i32
      %add3A_289 = arith.constant 160 : i32
      %add3A_290 = arith.addi %mul3A_288, %add3A_289 : i32
      %mul3A_291 = arith.constant 632 : i32
      %mul3A_292 = arith.muli %arg1, %mul3A_291 : i32
      %add3A_293 = arith.constant 240 : i32
      %add3A_294 = arith.addi %mul3A_292, %add3A_293 : i32
      %mul3A_295 = arith.constant 632 : i32
      %mul3A_296 = arith.muli %arg1, %mul3A_295 : i32
      %add3A_297 = arith.constant 320 : i32
      %add3A_298 = arith.addi %mul3A_296, %add3A_297 : i32
      %mul3A_299 = arith.constant 632 : i32
      %mul3A_300 = arith.muli %arg1, %mul3A_299 : i32
      %add3A_301 = arith.constant 400 : i32
      %add3A_302 = arith.addi %mul3A_300, %add3A_301 : i32
      %mul3A_303 = arith.constant 632 : i32
      %mul3A_304 = arith.muli %arg1, %mul3A_303 : i32
      %add3A_305 = arith.constant 480 : i32
      %add3A_306 = arith.addi %mul3A_304, %add3A_305 : i32
      %dma_wait3A_307 = arith.constant 3 : i32
      %dma_wait3A_308 = arith.constant 0 : i32
      %dma_wait3A_309 = arith.constant 0 : i32
      %dma_wait3A_310 = tpu.memref_slice %arg9[%dma_wait3A_307, %dma_wait3A_308, %dma_wait3A_309] : memref<4x80x128xf32, #tpu.memory_space<vmem>> -> memref<1x80x128xf32, #tpu.memory_space<vmem>>
      %dma_wait3A_311 = tpu.memref_squeeze %dma_wait3A_310 : memref<1x80x128xf32, #tpu.memory_space<vmem>> -> memref<80x128xf32, #tpu.memory_space<vmem>>
      %dma_wait3A_312 = arith.constant 0 : i32
      %dma_wait3A_313 = tpu.memref_slice %arg6[%add3A_282, %dma_wait3A_312] : memref<10000x128xf32, #tpu.memory_space<vmem_shared>> -> memref<80x128xf32, #tpu.memory_space<vmem_shared>>
      %dma_wait3A_314 = arith.constant 0 : i32
      %dma_wait3A_315 = tpu.memref_slice %arg6[%add3A_282, %dma_wait3A_314] : memref<10000x128xf32, #tpu.memory_space<vmem_shared>> -> memref<80x128xf32, #tpu.memory_space<vmem_shared>>
      %dma_wait3A_316 = arith.constant 0 : i32
      %dma_wait3A_317 = arith.constant 0 : i32
      %dma_wait3A_318 = tpu.memref_slice %arg9[%dma_wait3A_307, %dma_wait3A_316, %dma_wait3A_317] : memref<4x80x128xf32, #tpu.memory_space<vmem>> -> memref<1x80x128xf32, #tpu.memory_space<vmem>>
      %dma_wait3A_319 = tpu.memref_squeeze %dma_wait3A_318 : memref<1x80x128xf32, #tpu.memory_space<vmem>> -> memref<80x128xf32, #tpu.memory_space<vmem>>
      tpu.wait_dma2 semaphore(%arg28 : memref<!tpu.dma_semaphore, #tpu.memory_space<semaphore_mem>>) src(%dma_wait3A_319 : memref<80x128xf32, #tpu.memory_space<vmem>>) dst(%dma_wait3A_315 : memref<80x128xf32, #tpu.memory_space<vmem_shared>>)
      %dma_wait3A_320 = arith.constant 3 : i32
      %dma_wait3A_321 = arith.constant 0 : i32
      %dma_wait3A_322 = arith.constant 0 : i32
      %dma_wait3A_323 = tpu.memref_slice %arg9[%dma_wait3A_320, %dma_wait3A_321, %dma_wait3A_322] : memref<4x80x128xf32, #tpu.memory_space<vmem>> -> memref<1x80x128xf32, #tpu.memory_space<vmem>>
      %dma_wait3A_324 = tpu.memref_squeeze %dma_wait3A_323 : memref<1x80x128xf32, #tpu.memory_space<vmem>> -> memref<80x128xf32, #tpu.memory_space<vmem>>
      %dma_wait3A_325 = arith.constant 0 : i32
      %dma_wait3A_326 = tpu.memref_slice %arg6[%add3A_286, %dma_wait3A_325] : memref<10000x128xf32, #tpu.memory_space<vmem_shared>> -> memref<80x128xf32, #tpu.memory_space<vmem_shared>>
      %dma_wait3A_327 = arith.constant 0 : i32
      %dma_wait3A_328 = tpu.memref_slice %arg6[%add3A_286, %dma_wait3A_327] : memref<10000x128xf32, #tpu.memory_space<vmem_shared>> -> memref<80x128xf32, #tpu.memory_space<vmem_shared>>
      %dma_wait3A_329 = arith.constant 0 : i32
      %dma_wait3A_330 = arith.constant 0 : i32
      %dma_wait3A_331 = tpu.memref_slice %arg9[%dma_wait3A_320, %dma_wait3A_329, %dma_wait3A_330] : memref<4x80x128xf32, #tpu.memory_space<vmem>> -> memref<1x80x128xf32, #tpu.memory_space<vmem>>
      %dma_wait3A_332 = tpu.memref_squeeze %dma_wait3A_331 : memref<1x80x128xf32, #tpu.memory_space<vmem>> -> memref<80x128xf32, #tpu.memory_space<vmem>>
      tpu.wait_dma2 semaphore(%arg28 : memref<!tpu.dma_semaphore, #tpu.memory_space<semaphore_mem>>) src(%dma_wait3A_332 : memref<80x128xf32, #tpu.memory_space<vmem>>) dst(%dma_wait3A_328 : memref<80x128xf32, #tpu.memory_space<vmem_shared>>)
      %dma_wait3A_333 = arith.constant 3 : i32
      %dma_wait3A_334 = arith.constant 0 : i32
      %dma_wait3A_335 = arith.constant 0 : i32
      %dma_wait3A_336 = tpu.memref_slice %arg9[%dma_wait3A_333, %dma_wait3A_334, %dma_wait3A_335] : memref<4x80x128xf32, #tpu.memory_space<vmem>> -> memref<1x80x128xf32, #tpu.memory_space<vmem>>
      %dma_wait3A_337 = tpu.memref_squeeze %dma_wait3A_336 : memref<1x80x128xf32, #tpu.memory_space<vmem>> -> memref<80x128xf32, #tpu.memory_space<vmem>>
      %dma_wait3A_338 = arith.constant 0 : i32
      %dma_wait3A_339 = tpu.memref_slice %arg6[%add3A_290, %dma_wait3A_338] : memref<10000x128xf32, #tpu.memory_space<vmem_shared>> -> memref<80x128xf32, #tpu.memory_space<vmem_shared>>
      %dma_wait3A_340 = arith.constant 0 : i32
      %dma_wait3A_341 = tpu.memref_slice %arg6[%add3A_290, %dma_wait3A_340] : memref<10000x128xf32, #tpu.memory_space<vmem_shared>> -> memref<80x128xf32, #tpu.memory_space<vmem_shared>>
      %dma_wait3A_342 = arith.constant 0 : i32
      %dma_wait3A_343 = arith.constant 0 : i32
      %dma_wait3A_344 = tpu.memref_slice %arg9[%dma_wait3A_333, %dma_wait3A_342, %dma_wait3A_343] : memref<4x80x128xf32, #tpu.memory_space<vmem>> -> memref<1x80x128xf32, #tpu.memory_space<vmem>>
      %dma_wait3A_345 = tpu.memref_squeeze %dma_wait3A_344 : memref<1x80x128xf32, #tpu.memory_space<vmem>> -> memref<80x128xf32, #tpu.memory_space<vmem>>
      tpu.wait_dma2 semaphore(%arg28 : memref<!tpu.dma_semaphore, #tpu.memory_space<semaphore_mem>>) src(%dma_wait3A_345 : memref<80x128xf32, #tpu.memory_space<vmem>>) dst(%dma_wait3A_341 : memref<80x128xf32, #tpu.memory_space<vmem_shared>>)
      %dma_wait3A_346 = arith.constant 3 : i32
      %dma_wait3A_347 = arith.constant 0 : i32
      %dma_wait3A_348 = arith.constant 0 : i32
      %dma_wait3A_349 = tpu.memref_slice %arg9[%dma_wait3A_346, %dma_wait3A_347, %dma_wait3A_348] : memref<4x80x128xf32, #tpu.memory_space<vmem>> -> memref<1x80x128xf32, #tpu.memory_space<vmem>>
      %dma_wait3A_350 = tpu.memref_squeeze %dma_wait3A_349 : memref<1x80x128xf32, #tpu.memory_space<vmem>> -> memref<80x128xf32, #tpu.memory_space<vmem>>
      %dma_wait3A_351 = arith.constant 0 : i32
      %dma_wait3A_352 = tpu.memref_slice %arg6[%add3A_294, %dma_wait3A_351] : memref<10000x128xf32, #tpu.memory_space<vmem_shared>> -> memref<80x128xf32, #tpu.memory_space<vmem_shared>>
      %dma_wait3A_353 = arith.constant 0 : i32
      %dma_wait3A_354 = tpu.memref_slice %arg6[%add3A_294, %dma_wait3A_353] : memref<10000x128xf32, #tpu.memory_space<vmem_shared>> -> memref<80x128xf32, #tpu.memory_space<vmem_shared>>
      %dma_wait3A_355 = arith.constant 0 : i32
      %dma_wait3A_356 = arith.constant 0 : i32
      %dma_wait3A_357 = tpu.memref_slice %arg9[%dma_wait3A_346, %dma_wait3A_355, %dma_wait3A_356] : memref<4x80x128xf32, #tpu.memory_space<vmem>> -> memref<1x80x128xf32, #tpu.memory_space<vmem>>
      %dma_wait3A_358 = tpu.memref_squeeze %dma_wait3A_357 : memref<1x80x128xf32, #tpu.memory_space<vmem>> -> memref<80x128xf32, #tpu.memory_space<vmem>>
      tpu.wait_dma2 semaphore(%arg28 : memref<!tpu.dma_semaphore, #tpu.memory_space<semaphore_mem>>) src(%dma_wait3A_358 : memref<80x128xf32, #tpu.memory_space<vmem>>) dst(%dma_wait3A_354 : memref<80x128xf32, #tpu.memory_space<vmem_shared>>)
      %dma_wait3A_359 = arith.constant 3 : i32
      %dma_wait3A_360 = arith.constant 0 : i32
      %dma_wait3A_361 = arith.constant 0 : i32
      %dma_wait3A_362 = tpu.memref_slice %arg9[%dma_wait3A_359, %dma_wait3A_360, %dma_wait3A_361] : memref<4x80x128xf32, #tpu.memory_space<vmem>> -> memref<1x80x128xf32, #tpu.memory_space<vmem>>
      %dma_wait3A_363 = tpu.memref_squeeze %dma_wait3A_362 : memref<1x80x128xf32, #tpu.memory_space<vmem>> -> memref<80x128xf32, #tpu.memory_space<vmem>>
      %dma_wait3A_364 = arith.constant 0 : i32
      %dma_wait3A_365 = tpu.memref_slice %arg6[%add3A_298, %dma_wait3A_364] : memref<10000x128xf32, #tpu.memory_space<vmem_shared>> -> memref<80x128xf32, #tpu.memory_space<vmem_shared>>
      %dma_wait3A_366 = arith.constant 0 : i32
      %dma_wait3A_367 = tpu.memref_slice %arg6[%add3A_298, %dma_wait3A_366] : memref<10000x128xf32, #tpu.memory_space<vmem_shared>> -> memref<80x128xf32, #tpu.memory_space<vmem_shared>>
      %dma_wait3A_368 = arith.constant 0 : i32
      %dma_wait3A_369 = arith.constant 0 : i32
      %dma_wait3A_370 = tpu.memref_slice %arg9[%dma_wait3A_359, %dma_wait3A_368, %dma_wait3A_369] : memref<4x80x128xf32, #tpu.memory_space<vmem>> -> memref<1x80x128xf32, #tpu.memory_space<vmem>>
      %dma_wait3A_371 = tpu.memref_squeeze %dma_wait3A_370 : memref<1x80x128xf32, #tpu.memory_space<vmem>> -> memref<80x128xf32, #tpu.memory_space<vmem>>
      tpu.wait_dma2 semaphore(%arg28 : memref<!tpu.dma_semaphore, #tpu.memory_space<semaphore_mem>>) src(%dma_wait3A_371 : memref<80x128xf32, #tpu.memory_space<vmem>>) dst(%dma_wait3A_367 : memref<80x128xf32, #tpu.memory_space<vmem_shared>>)
      %dma_wait3A_372 = arith.constant 3 : i32
      %dma_wait3A_373 = arith.constant 0 : i32
      %dma_wait3A_374 = arith.constant 0 : i32
      %dma_wait3A_375 = tpu.memref_slice %arg9[%dma_wait3A_372, %dma_wait3A_373, %dma_wait3A_374] : memref<4x80x128xf32, #tpu.memory_space<vmem>> -> memref<1x80x128xf32, #tpu.memory_space<vmem>>
      %dma_wait3A_376 = tpu.memref_squeeze %dma_wait3A_375 : memref<1x80x128xf32, #tpu.memory_space<vmem>> -> memref<80x128xf32, #tpu.memory_space<vmem>>
      %dma_wait3A_377 = arith.constant 0 : i32
      %dma_wait3A_378 = tpu.memref_slice %arg6[%add3A_302, %dma_wait3A_377] : memref<10000x128xf32, #tpu.memory_space<vmem_shared>> -> memref<80x128xf32, #tpu.memory_space<vmem_shared>>
      %dma_wait3A_379 = arith.constant 0 : i32
      %dma_wait3A_380 = tpu.memref_slice %arg6[%add3A_302, %dma_wait3A_379] : memref<10000x128xf32, #tpu.memory_space<vmem_shared>> -> memref<80x128xf32, #tpu.memory_space<vmem_shared>>
      %dma_wait3A_381 = arith.constant 0 : i32
      %dma_wait3A_382 = arith.constant 0 : i32
      %dma_wait3A_383 = tpu.memref_slice %arg9[%dma_wait3A_372, %dma_wait3A_381, %dma_wait3A_382] : memref<4x80x128xf32, #tpu.memory_space<vmem>> -> memref<1x80x128xf32, #tpu.memory_space<vmem>>
      %dma_wait3A_384 = tpu.memref_squeeze %dma_wait3A_383 : memref<1x80x128xf32, #tpu.memory_space<vmem>> -> memref<80x128xf32, #tpu.memory_space<vmem>>
      tpu.wait_dma2 semaphore(%arg28 : memref<!tpu.dma_semaphore, #tpu.memory_space<semaphore_mem>>) src(%dma_wait3A_384 : memref<80x128xf32, #tpu.memory_space<vmem>>) dst(%dma_wait3A_380 : memref<80x128xf32, #tpu.memory_space<vmem_shared>>)
      %dma_wait3A_385 = arith.constant 3 : i32
      %dma_wait3A_386 = arith.constant 0 : i32
      %dma_wait3A_387 = arith.constant 0 : i32
      %dma_wait3A_388 = tpu.memref_slice %arg9[%dma_wait3A_385, %dma_wait3A_386, %dma_wait3A_387] : memref<4x80x128xf32, #tpu.memory_space<vmem>> -> memref<1x80x128xf32, #tpu.memory_space<vmem>>
      %dma_wait3A_389 = tpu.memref_squeeze %dma_wait3A_388 : memref<1x80x128xf32, #tpu.memory_space<vmem>> -> memref<80x128xf32, #tpu.memory_space<vmem>>
      %dma_wait3A_390 = arith.constant 0 : i32
      %dma_wait3A_391 = arith.constant 0 : i32
      %dma_wait3A_392 = tpu.memref_slice %dma_wait3A_389[%dma_wait3A_390, %dma_wait3A_391] : memref<80x128xf32, #tpu.memory_space<vmem>> -> memref<40x128xf32, #tpu.memory_space<vmem>>
      %dma_wait3A_393 = arith.constant 0 : i32
      %dma_wait3A_394 = tpu.memref_slice %arg6[%add3A_306, %dma_wait3A_393] : memref<10000x128xf32, #tpu.memory_space<vmem_shared>> -> memref<40x128xf32, #tpu.memory_space<vmem_shared>>
      %dma_wait3A_395 = arith.constant 0 : i32
      %dma_wait3A_396 = tpu.memref_slice %arg6[%add3A_306, %dma_wait3A_395] : memref<10000x128xf32, #tpu.memory_space<vmem_shared>> -> memref<40x128xf32, #tpu.memory_space<vmem_shared>>
      %dma_wait3A_397 = arith.constant 0 : i32
      %dma_wait3A_398 = arith.constant 0 : i32
      %dma_wait3A_399 = tpu.memref_slice %arg9[%dma_wait3A_385, %dma_wait3A_397, %dma_wait3A_398] : memref<4x80x128xf32, #tpu.memory_space<vmem>> -> memref<1x80x128xf32, #tpu.memory_space<vmem>>
      %dma_wait3A_400 = tpu.memref_squeeze %dma_wait3A_399 : memref<1x80x128xf32, #tpu.memory_space<vmem>> -> memref<80x128xf32, #tpu.memory_space<vmem>>
      %dma_wait3A_401 = arith.constant 0 : i32
      %dma_wait3A_402 = arith.constant 0 : i32
      %dma_wait3A_403 = tpu.memref_slice %dma_wait3A_400[%dma_wait3A_401, %dma_wait3A_402] : memref<80x128xf32, #tpu.memory_space<vmem>> -> memref<40x128xf32, #tpu.memory_space<vmem>>
      tpu.wait_dma2 semaphore(%arg28 : memref<!tpu.dma_semaphore, #tpu.memory_space<semaphore_mem>>) src(%dma_wait3A_403 : memref<40x128xf32, #tpu.memory_space<vmem>>) dst(%dma_wait3A_396 : memref<40x128xf32, #tpu.memory_space<vmem_shared>>)
    } else {
    }
    %add3A_190 = arith.constant 240 : i32
    %add3A_191 = arith.addi %mul3A_2, %add3A_190 : i32
    %multiple_of3A_192 = tpu.assume_multiple %add3A_191, 8 : i32
    %dma_wait3A_193 = arith.constant 3 : i32
    %dma_wait3A_194 = arith.constant 0 : i32
    %dma_wait3A_195 = tpu.memref_slice %arg7[%dma_wait3A_193, %dma_wait3A_194] : memref<4x80xi32, #tpu.memory_space<vmem>> -> memref<1x80xi32, #tpu.memory_space<vmem>>
    %dma_wait3A_196 = tpu.memref_squeeze %dma_wait3A_195 : memref<1x80xi32, #tpu.memory_space<vmem>> -> memref<80xi32, #tpu.memory_space<vmem>>
    %dma_wait3A_197 = tpu.memref_slice %arg3[%multiple_of3A_192] : memref<640000xi32, #tpu.memory_space<hbm>> -> memref<80xi32, #tpu.memory_space<hbm>>
    %dma_wait3A_198 = arith.constant 0 : i32
    %dma_wait3A_199 = tpu.memref_slice %arg7[%dma_wait3A_193, %dma_wait3A_198] : memref<4x80xi32, #tpu.memory_space<vmem>> -> memref<1x80xi32, #tpu.memory_space<vmem>>
    %dma_wait3A_200 = tpu.memref_squeeze %dma_wait3A_199 : memref<1x80xi32, #tpu.memory_space<vmem>> -> memref<80xi32, #tpu.memory_space<vmem>>
    %dma_wait3A_201 = tpu.memref_slice %arg3[%multiple_of3A_192] : memref<640000xi32, #tpu.memory_space<hbm>> -> memref<80xi32, #tpu.memory_space<hbm>>
    tpu.wait_dma2 semaphore(%arg19 : memref<!tpu.dma_semaphore, #tpu.memory_space<semaphore_mem>>) src(%dma_wait3A_201 : memref<80xi32, #tpu.memory_space<hbm>>) dst(%dma_wait3A_200 : memref<80xi32, #tpu.memory_space<vmem>>)
    %dma_start3A_202 = arith.constant 3 : i32
    %dma_start3A_203 = arith.constant 3 : i32
    %dma_start3A_204 = arith.constant 0 : i32
    %dma_start3A_205 = arith.constant 0 : i32
    %dma_start3A_206 = tpu.memref_slice %arg9[%dma_start3A_203, %dma_start3A_204, %dma_start3A_205] : memref<4x80x128xf32, #tpu.memory_space<vmem>> -> memref<1x80x128xf32, #tpu.memory_space<vmem>>
    %dma_start3A_207 = tpu.memref_squeeze %dma_start3A_206 : memref<1x80x128xf32, #tpu.memory_space<vmem>> -> memref<80x128xf32, #tpu.memory_space<vmem>>
    %dma_start3A_208 = arith.constant 0 : i32
    %dma_start3A_209 = tpu.memref_slice %arg7[%dma_start3A_202, %dma_start3A_208] : memref<4x80xi32, #tpu.memory_space<vmem>> -> memref<1x80xi32, #tpu.memory_space<vmem>>
    %dma_start3A_210 = tpu.memref_squeeze %dma_start3A_209 : memref<1x80xi32, #tpu.memory_space<vmem>> -> memref<80xi32, #tpu.memory_space<vmem>>
    %dma_start3A_211 = arith.constant 0 : i32
    %dma_start3A_212 = arith.constant 0 : i32
    %dma_start3A_213 = tpu.memref_slice %arg2[%dma_start3A_211, %dma_start3A_212] : memref<10000x128xf32, #tpu.memory_space<hbm>> -> memref<10000x128xf32, #tpu.memory_space<hbm>>
    tpu.enqueue_indirect_dma source(%dma_start3A_213 : memref<10000x128xf32, #tpu.memory_space<hbm>>) target(%dma_start3A_207 : memref<80x128xf32, #tpu.memory_space<vmem>>) offsets(%dma_start3A_210 : memref<80xi32, #tpu.memory_space<vmem>>) semaphore(%arg15 : memref<!tpu.dma_semaphore, #tpu.memory_space<semaphore_mem>>)
    %barrier3A = arith.constant 0 : index
    tpu.barrier barrier_id(%barrier3A)
    %scan3A = arith.constant 0 : i32
    %scan3A_214 = arith.constant 0 : i32
    %scan3A_215 = arith.constant 31 : i32
    %scan3A_216 = arith.addi %scan3A_214, %scan3A_215 : i32
    %scan3A_217 = arith.constant 1 : i32
    scf.for %scan3A_279 = %scan3A_214 to %scan3A_216 step %scan3A_217  : i32 {
      %mul3A_280 = arith.constant 4 : i32
      %mul3A_281 = arith.muli %scan3A_279, %mul3A_280 : i32
      %add3A_282 = arith.constant 0 : i32
      %add3A_283 = arith.addi %mul3A_281, %add3A_282 : i32
      %dma_wait3A_284 = arith.constant 0 : i32
      %dma_wait3A_285 = arith.constant 0 : i32
      %dma_wait3A_286 = arith.constant 0 : i32
      %dma_wait3A_287 = arith.constant 0 : i32
      %dma_wait3A_288 = tpu.memref_slice %arg9[%dma_wait3A_285, %dma_wait3A_286, %dma_wait3A_287] : memref<4x80x128xf32, #tpu.memory_space<vmem>> -> memref<1x80x128xf32, #tpu.memory_space<vmem>>
      %dma_wait3A_289 = tpu.memref_squeeze %dma_wait3A_288 : memref<1x80x128xf32, #tpu.memory_space<vmem>> -> memref<80x128xf32, #tpu.memory_space<vmem>>
      %dma_wait3A_290 = arith.constant 0 : i32
      %dma_wait3A_291 = tpu.memref_slice %arg7[%dma_wait3A_284, %dma_wait3A_290] : memref<4x80xi32, #tpu.memory_space<vmem>> -> memref<1x80xi32, #tpu.memory_space<vmem>>
      %dma_wait3A_292 = tpu.memref_squeeze %dma_wait3A_291 : memref<1x80xi32, #tpu.memory_space<vmem>> -> memref<80xi32, #tpu.memory_space<vmem>>
      %dma_wait3A_293 = arith.constant 0 : i32
      %dma_wait3A_294 = arith.constant 0 : i32
      %dma_wait3A_295 = tpu.memref_slice %arg2[%dma_wait3A_293, %dma_wait3A_294] : memref<10000x128xf32, #tpu.memory_space<hbm>> -> memref<10000x128xf32, #tpu.memory_space<hbm>>
      tpu.wait_indirect_dma semaphore(%arg12 : memref<!tpu.dma_semaphore, #tpu.memory_space<semaphore_mem>>) src(%dma_wait3A_295 : memref<10000x128xf32, #tpu.memory_space<hbm>>) dst(%dma_wait3A_289 : memref<80x128xf32, #tpu.memory_space<vmem>>)
      %add3A_296 = arith.constant 320000 : i32
      %add3A_297 = arith.addi %add3A_296, %mul3A_2 : i32
      %mul3A_298 = arith.constant 80 : i32
      %mul3A_299 = arith.muli %add3A_283, %mul3A_298 : i32
      %add3A_300 = arith.addi %add3A_297, %mul3A_299 : i32
      %multiple_of3A_301 = tpu.assume_multiple %add3A_300, 8 : i32
      %dma_wait3A_302 = arith.constant 0 : i32
      %dma_wait3A_303 = arith.constant 0 : i32
      %dma_wait3A_304 = tpu.memref_slice %arg8[%dma_wait3A_302, %dma_wait3A_303] : memref<4x80xi32, #tpu.memory_space<vmem>> -> memref<1x80xi32, #tpu.memory_space<vmem>>
      %dma_wait3A_305 = tpu.memref_squeeze %dma_wait3A_304 : memref<1x80xi32, #tpu.memory_space<vmem>> -> memref<80xi32, #tpu.memory_space<vmem>>
      %dma_wait3A_306 = tpu.memref_slice %arg3[%multiple_of3A_301] : memref<640000xi32, #tpu.memory_space<hbm>> -> memref<80xi32, #tpu.memory_space<hbm>>
      %dma_wait3A_307 = arith.constant 0 : i32
      %dma_wait3A_308 = tpu.memref_slice %arg8[%dma_wait3A_302, %dma_wait3A_307] : memref<4x80xi32, #tpu.memory_space<vmem>> -> memref<1x80xi32, #tpu.memory_space<vmem>>
      %dma_wait3A_309 = tpu.memref_squeeze %dma_wait3A_308 : memref<1x80xi32, #tpu.memory_space<vmem>> -> memref<80xi32, #tpu.memory_space<vmem>>
      %dma_wait3A_310 = tpu.memref_slice %arg3[%multiple_of3A_301] : memref<640000xi32, #tpu.memory_space<hbm>> -> memref<80xi32, #tpu.memory_space<hbm>>
      tpu.wait_dma2 semaphore(%arg20 : memref<!tpu.dma_semaphore, #tpu.memory_space<semaphore_mem>>) src(%dma_wait3A_310 : memref<80xi32, #tpu.memory_space<hbm>>) dst(%dma_wait3A_309 : memref<80xi32, #tpu.memory_space<vmem>>)
      %dma_start3A_311 = arith.constant 0 : i32
      %dma_start3A_312 = arith.constant 0 : i32
      %dma_start3A_313 = arith.constant 0 : i32
      %dma_start3A_314 = arith.constant 0 : i32
      %dma_start3A_315 = tpu.memref_slice %arg9[%dma_start3A_311, %dma_start3A_313, %dma_start3A_314] : memref<4x80x128xf32, #tpu.memory_space<vmem>> -> memref<1x80x128xf32, #tpu.memory_space<vmem>>
      %dma_start3A_316 = tpu.memref_squeeze %dma_start3A_315 : memref<1x80x128xf32, #tpu.memory_space<vmem>> -> memref<80x128xf32, #tpu.memory_space<vmem>>
      %dma_start3A_317 = arith.constant 0 : i32
      %dma_start3A_318 = tpu.memref_slice %arg8[%dma_start3A_312, %dma_start3A_317] : memref<4x80xi32, #tpu.memory_space<vmem>> -> memref<1x80xi32, #tpu.memory_space<vmem>>
      %dma_start3A_319 = tpu.memref_squeeze %dma_start3A_318 : memref<1x80xi32, #tpu.memory_space<vmem>> -> memref<80xi32, #tpu.memory_space<vmem>>
      %dma_start3A_320 = arith.constant 0 : i32
      %dma_start3A_321 = arith.constant 0 : i32
      %dma_start3A_322 = tpu.memref_slice %arg6[%dma_start3A_320, %dma_start3A_321] : memref<10000x128xf32, #tpu.memory_space<vmem_shared>> -> memref<10000x128xf32, #tpu.memory_space<vmem_shared>>
      tpu.enqueue_indirect_dma source(%dma_start3A_316 : memref<80x128xf32, #tpu.memory_space<vmem>>) target(%dma_start3A_322 : memref<10000x128xf32, #tpu.memory_space<vmem_shared>>) offsets(%dma_start3A_319 : memref<80xi32, #tpu.memory_space<vmem>>) semaphore(%arg24 : memref<!tpu.dma_semaphore, #tpu.memory_space<semaphore_mem>>) {add = true}
      %add3A_323 = arith.constant 4 : i32
      %add3A_324 = arith.addi %add3A_283, %add3A_323 : i32
      %lt3A_325 = arith.constant 125 : i32
      %lt3A_326 = arith.cmpi slt, %add3A_324, %lt3A_325 : i32
      %convert_element_type3A_327 = arith.extui %lt3A_326 : i1 to i32
      %cond3A_328 = arith.constant 0 : i32
      %cond3A_329 = arith.cmpi ne, %convert_element_type3A_327, %cond3A_328 : i32
      scf.if %cond3A_329 {
        %add3A_567 = arith.constant 4 : i32
        %add3A_568 = arith.addi %add3A_283, %add3A_567 : i32
        %mul3A_569 = arith.constant 80 : i32
        %mul3A_570 = arith.muli %add3A_568, %mul3A_569 : i32
        %add3A_571 = arith.addi %mul3A_2, %mul3A_570 : i32
        %multiple_of3A_572 = tpu.assume_multiple %add3A_571, 8 : i32
        %dma_start3A_573 = arith.constant 0 : i32
        %dma_start3A_574 = arith.constant 0 : i32
        %dma_start3A_575 = tpu.memref_slice %arg7[%dma_start3A_573, %dma_start3A_574] : memref<4x80xi32, #tpu.memory_space<vmem>> -> memref<1x80xi32, #tpu.memory_space<vmem>>
        %dma_start3A_576 = tpu.memref_squeeze %dma_start3A_575 : memref<1x80xi32, #tpu.memory_space<vmem>> -> memref<80xi32, #tpu.memory_space<vmem>>
        %dma_start3A_577 = tpu.memref_slice %arg3[%multiple_of3A_572] : memref<640000xi32, #tpu.memory_space<hbm>> -> memref<80xi32, #tpu.memory_space<hbm>>
        %dma_start3A_578 = arith.constant 0 : i32
        %dma_start3A_579 = tpu.memref_slice %arg7[%dma_start3A_573, %dma_start3A_578] : memref<4x80xi32, #tpu.memory_space<vmem>> -> memref<1x80xi32, #tpu.memory_space<vmem>>
        %dma_start3A_580 = tpu.memref_squeeze %dma_start3A_579 : memref<1x80xi32, #tpu.memory_space<vmem>> -> memref<80xi32, #tpu.memory_space<vmem>>
        %dma_start3A_581 = tpu.memref_slice %arg3[%multiple_of3A_572] : memref<640000xi32, #tpu.memory_space<hbm>> -> memref<80xi32, #tpu.memory_space<hbm>>
        tpu.enqueue_dma source(%dma_start3A_581 : memref<80xi32, #tpu.memory_space<hbm>>) target(%dma_start3A_580 : memref<80xi32, #tpu.memory_space<vmem>>) target_semaphore(%arg16 : memref<!tpu.dma_semaphore, #tpu.memory_space<semaphore_mem>>)
      } else {
      }
      %mul3A_330 = arith.constant 4 : i32
      %mul3A_331 = arith.muli %scan3A_279, %mul3A_330 : i32
      %add3A_332 = arith.constant 1 : i32
      %add3A_333 = arith.addi %mul3A_331, %add3A_332 : i32
      %dma_wait3A_334 = arith.constant 1 : i32
      %dma_wait3A_335 = arith.constant 1 : i32
      %dma_wait3A_336 = arith.constant 0 : i32
      %dma_wait3A_337 = arith.constant 0 : i32
      %dma_wait3A_338 = tpu.memref_slice %arg9[%dma_wait3A_335, %dma_wait3A_336, %dma_wait3A_337] : memref<4x80x128xf32, #tpu.memory_space<vmem>> -> memref<1x80x128xf32, #tpu.memory_space<vmem>>
      %dma_wait3A_339 = tpu.memref_squeeze %dma_wait3A_338 : memref<1x80x128xf32, #tpu.memory_space<vmem>> -> memref<80x128xf32, #tpu.memory_space<vmem>>
      %dma_wait3A_340 = arith.constant 0 : i32
      %dma_wait3A_341 = tpu.memref_slice %arg7[%dma_wait3A_334, %dma_wait3A_340] : memref<4x80xi32, #tpu.memory_space<vmem>> -> memref<1x80xi32, #tpu.memory_space<vmem>>
      %dma_wait3A_342 = tpu.memref_squeeze %dma_wait3A_341 : memref<1x80xi32, #tpu.memory_space<vmem>> -> memref<80xi32, #tpu.memory_space<vmem>>
      %dma_wait3A_343 = arith.constant 0 : i32
      %dma_wait3A_344 = arith.constant 0 : i32
      %dma_wait3A_345 = tpu.memref_slice %arg2[%dma_wait3A_343, %dma_wait3A_344] : memref<10000x128xf32, #tpu.memory_space<hbm>> -> memref<10000x128xf32, #tpu.memory_space<hbm>>
      tpu.wait_indirect_dma semaphore(%arg13 : memref<!tpu.dma_semaphore, #tpu.memory_space<semaphore_mem>>) src(%dma_wait3A_345 : memref<10000x128xf32, #tpu.memory_space<hbm>>) dst(%dma_wait3A_339 : memref<80x128xf32, #tpu.memory_space<vmem>>)
      %add3A_346 = arith.constant 320000 : i32
      %add3A_347 = arith.addi %add3A_346, %mul3A_2 : i32
      %mul3A_348 = arith.constant 80 : i32
      %mul3A_349 = arith.muli %add3A_333, %mul3A_348 : i32
      %add3A_350 = arith.addi %add3A_347, %mul3A_349 : i32
      %multiple_of3A_351 = tpu.assume_multiple %add3A_350, 8 : i32
      %dma_wait3A_352 = arith.constant 1 : i32
      %dma_wait3A_353 = arith.constant 0 : i32
      %dma_wait3A_354 = tpu.memref_slice %arg8[%dma_wait3A_352, %dma_wait3A_353] : memref<4x80xi32, #tpu.memory_space<vmem>> -> memref<1x80xi32, #tpu.memory_space<vmem>>
      %dma_wait3A_355 = tpu.memref_squeeze %dma_wait3A_354 : memref<1x80xi32, #tpu.memory_space<vmem>> -> memref<80xi32, #tpu.memory_space<vmem>>
      %dma_wait3A_356 = tpu.memref_slice %arg3[%multiple_of3A_351] : memref<640000xi32, #tpu.memory_space<hbm>> -> memref<80xi32, #tpu.memory_space<hbm>>
      %dma_wait3A_357 = arith.constant 0 : i32
      %dma_wait3A_358 = tpu.memref_slice %arg8[%dma_wait3A_352, %dma_wait3A_357] : memref<4x80xi32, #tpu.memory_space<vmem>> -> memref<1x80xi32, #tpu.memory_space<vmem>>
      %dma_wait3A_359 = tpu.memref_squeeze %dma_wait3A_358 : memref<1x80xi32, #tpu.memory_space<vmem>> -> memref<80xi32, #tpu.memory_space<vmem>>
      %dma_wait3A_360 = tpu.memref_slice %arg3[%multiple_of3A_351] : memref<640000xi32, #tpu.memory_space<hbm>> -> memref<80xi32, #tpu.memory_space<hbm>>
      tpu.wait_dma2 semaphore(%arg21 : memref<!tpu.dma_semaphore, #tpu.memory_space<semaphore_mem>>) src(%dma_wait3A_360 : memref<80xi32, #tpu.memory_space<hbm>>) dst(%dma_wait3A_359 : memref<80xi32, #tpu.memory_space<vmem>>)
      %dma_wait3A_361 = arith.constant 0 : i32
      %dma_wait3A_362 = arith.constant 0 : i32
      %dma_wait3A_363 = arith.constant 0 : i32
      %dma_wait3A_364 = arith.constant 0 : i32
      %dma_wait3A_365 = tpu.memref_slice %arg9[%dma_wait3A_361, %dma_wait3A_363, %dma_wait3A_364] : memref<4x80x128xf32, #tpu.memory_space<vmem>> -> memref<1x80x128xf32, #tpu.memory_space<vmem>>
      %dma_wait3A_366 = tpu.memref_squeeze %dma_wait3A_365 : memref<1x80x128xf32, #tpu.memory_space<vmem>> -> memref<80x128xf32, #tpu.memory_space<vmem>>
      %dma_wait3A_367 = arith.constant 0 : i32
      %dma_wait3A_368 = tpu.memref_slice %arg8[%dma_wait3A_362, %dma_wait3A_367] : memref<4x80xi32, #tpu.memory_space<vmem>> -> memref<1x80xi32, #tpu.memory_space<vmem>>
      %dma_wait3A_369 = tpu.memref_squeeze %dma_wait3A_368 : memref<1x80xi32, #tpu.memory_space<vmem>> -> memref<80xi32, #tpu.memory_space<vmem>>
      %dma_wait3A_370 = arith.constant 0 : i32
      %dma_wait3A_371 = arith.constant 0 : i32
      %dma_wait3A_372 = tpu.memref_slice %arg6[%dma_wait3A_370, %dma_wait3A_371] : memref<10000x128xf32, #tpu.memory_space<vmem_shared>> -> memref<10000x128xf32, #tpu.memory_space<vmem_shared>>
      tpu.wait_indirect_dma semaphore(%arg24 : memref<!tpu.dma_semaphore, #tpu.memory_space<semaphore_mem>>) src(%dma_wait3A_366 : memref<80x128xf32, #tpu.memory_space<vmem>>) dst(%dma_wait3A_372 : memref<10000x128xf32, #tpu.memory_space<vmem_shared>>)
      %sub3A = arith.constant 1 : i32
      %sub3A_373 = arith.subi %add3A_333, %sub3A : i32
      %add3A_374 = arith.constant 4 : i32
      %add3A_375 = arith.addi %sub3A_373, %add3A_374 : i32
      %lt3A_376 = arith.constant 125 : i32
      %lt3A_377 = arith.cmpi slt, %add3A_375, %lt3A_376 : i32
      %convert_element_type3A_378 = arith.extui %lt3A_377 : i1 to i32
      %cond3A_379 = arith.constant 0 : i32
      %cond3A_380 = arith.cmpi ne, %convert_element_type3A_378, %cond3A_379 : i32
      scf.if %cond3A_380 {
        %mul3A_567 = arith.constant 80 : i32
        %mul3A_568 = arith.muli %add3A_375, %mul3A_567 : i32
        %add3A_569 = arith.addi %mul3A_2, %mul3A_568 : i32
        %multiple_of3A_570 = tpu.assume_multiple %add3A_569, 8 : i32
        %dma_wait3A_571 = arith.constant 0 : i32
        %dma_wait3A_572 = arith.constant 0 : i32
        %dma_wait3A_573 = tpu.memref_slice %arg7[%dma_wait3A_571, %dma_wait3A_572] : memref<4x80xi32, #tpu.memory_space<vmem>> -> memref<1x80xi32, #tpu.memory_space<vmem>>
        %dma_wait3A_574 = tpu.memref_squeeze %dma_wait3A_573 : memref<1x80xi32, #tpu.memory_space<vmem>> -> memref<80xi32, #tpu.memory_space<vmem>>
        %dma_wait3A_575 = tpu.memref_slice %arg3[%multiple_of3A_570] : memref<640000xi32, #tpu.memory_space<hbm>> -> memref<80xi32, #tpu.memory_space<hbm>>
        %dma_wait3A_576 = arith.constant 0 : i32
        %dma_wait3A_577 = tpu.memref_slice %arg7[%dma_wait3A_571, %dma_wait3A_576] : memref<4x80xi32, #tpu.memory_space<vmem>> -> memref<1x80xi32, #tpu.memory_space<vmem>>
        %dma_wait3A_578 = tpu.memref_squeeze %dma_wait3A_577 : memref<1x80xi32, #tpu.memory_space<vmem>> -> memref<80xi32, #tpu.memory_space<vmem>>
        %dma_wait3A_579 = tpu.memref_slice %arg3[%multiple_of3A_570] : memref<640000xi32, #tpu.memory_space<hbm>> -> memref<80xi32, #tpu.memory_space<hbm>>
        tpu.wait_dma2 semaphore(%arg16 : memref<!tpu.dma_semaphore, #tpu.memory_space<semaphore_mem>>) src(%dma_wait3A_579 : memref<80xi32, #tpu.memory_space<hbm>>) dst(%dma_wait3A_578 : memref<80xi32, #tpu.memory_space<vmem>>)
        %dma_start3A_580 = arith.constant 0 : i32
        %dma_start3A_581 = arith.constant 0 : i32
        %dma_start3A_582 = arith.constant 0 : i32
        %dma_start3A_583 = arith.constant 0 : i32
        %dma_start3A_584 = tpu.memref_slice %arg9[%dma_start3A_581, %dma_start3A_582, %dma_start3A_583] : memref<4x80x128xf32, #tpu.memory_space<vmem>> -> memref<1x80x128xf32, #tpu.memory_space<vmem>>
        %dma_start3A_585 = tpu.memref_squeeze %dma_start3A_584 : memref<1x80x128xf32, #tpu.memory_space<vmem>> -> memref<80x128xf32, #tpu.memory_space<vmem>>
        %dma_start3A_586 = arith.constant 0 : i32
        %dma_start3A_587 = tpu.memref_slice %arg7[%dma_start3A_580, %dma_start3A_586] : memref<4x80xi32, #tpu.memory_space<vmem>> -> memref<1x80xi32, #tpu.memory_space<vmem>>
        %dma_start3A_588 = tpu.memref_squeeze %dma_start3A_587 : memref<1x80xi32, #tpu.memory_space<vmem>> -> memref<80xi32, #tpu.memory_space<vmem>>
        %dma_start3A_589 = arith.constant 0 : i32
        %dma_start3A_590 = arith.constant 0 : i32
        %dma_start3A_591 = tpu.memref_slice %arg2[%dma_start3A_589, %dma_start3A_590] : memref<10000x128xf32, #tpu.memory_space<hbm>> -> memref<10000x128xf32, #tpu.memory_space<hbm>>
        tpu.enqueue_indirect_dma source(%dma_start3A_591 : memref<10000x128xf32, #tpu.memory_space<hbm>>) target(%dma_start3A_585 : memref<80x128xf32, #tpu.memory_space<vmem>>) offsets(%dma_start3A_588 : memref<80xi32, #tpu.memory_space<vmem>>) semaphore(%arg12 : memref<!tpu.dma_semaphore, #tpu.memory_space<semaphore_mem>>)
        %add3A_592 = arith.constant 320000 : i32
        %add3A_593 = arith.addi %add3A_592, %mul3A_2 : i32
        %mul3A_594 = arith.constant 80 : i32
        %mul3A_595 = arith.muli %add3A_375, %mul3A_594 : i32
        %add3A_596 = arith.addi %add3A_593, %mul3A_595 : i32
        %multiple_of3A_597 = tpu.assume_multiple %add3A_596, 8 : i32
        %dma_start3A_598 = arith.constant 0 : i32
        %dma_start3A_599 = arith.constant 0 : i32
        %dma_start3A_600 = tpu.memref_slice %arg8[%dma_start3A_598, %dma_start3A_599] : memref<4x80xi32, #tpu.memory_space<vmem>> -> memref<1x80xi32, #tpu.memory_space<vmem>>
        %dma_start3A_601 = tpu.memref_squeeze %dma_start3A_600 : memref<1x80xi32, #tpu.memory_space<vmem>> -> memref<80xi32, #tpu.memory_space<vmem>>
        %dma_start3A_602 = tpu.memref_slice %arg3[%multiple_of3A_597] : memref<640000xi32, #tpu.memory_space<hbm>> -> memref<80xi32, #tpu.memory_space<hbm>>
        %dma_start3A_603 = arith.constant 0 : i32
        %dma_start3A_604 = tpu.memref_slice %arg8[%dma_start3A_598, %dma_start3A_603] : memref<4x80xi32, #tpu.memory_space<vmem>> -> memref<1x80xi32, #tpu.memory_space<vmem>>
        %dma_start3A_605 = tpu.memref_squeeze %dma_start3A_604 : memref<1x80xi32, #tpu.memory_space<vmem>> -> memref<80xi32, #tpu.memory_space<vmem>>
        %dma_start3A_606 = tpu.memref_slice %arg3[%multiple_of3A_597] : memref<640000xi32, #tpu.memory_space<hbm>> -> memref<80xi32, #tpu.memory_space<hbm>>
        tpu.enqueue_dma source(%dma_start3A_606 : memref<80xi32, #tpu.memory_space<hbm>>) target(%dma_start3A_605 : memref<80xi32, #tpu.memory_space<vmem>>) target_semaphore(%arg20 : memref<!tpu.dma_semaphore, #tpu.memory_space<semaphore_mem>>)
      } else {
      }
      %dma_start3A_381 = arith.constant 1 : i32
      %dma_start3A_382 = arith.constant 1 : i32
      %dma_start3A_383 = arith.constant 0 : i32
      %dma_start3A_384 = arith.constant 0 : i32
      %dma_start3A_385 = tpu.memref_slice %arg9[%dma_start3A_381, %dma_start3A_383, %dma_start3A_384] : memref<4x80x128xf32, #tpu.memory_space<vmem>> -> memref<1x80x128xf32, #tpu.memory_space<vmem>>
      %dma_start3A_386 = tpu.memref_squeeze %dma_start3A_385 : memref<1x80x128xf32, #tpu.memory_space<vmem>> -> memref<80x128xf32, #tpu.memory_space<vmem>>
      %dma_start3A_387 = arith.constant 0 : i32
      %dma_start3A_388 = tpu.memref_slice %arg8[%dma_start3A_382, %dma_start3A_387] : memref<4x80xi32, #tpu.memory_space<vmem>> -> memref<1x80xi32, #tpu.memory_space<vmem>>
      %dma_start3A_389 = tpu.memref_squeeze %dma_start3A_388 : memref<1x80xi32, #tpu.memory_space<vmem>> -> memref<80xi32, #tpu.memory_space<vmem>>
      %dma_start3A_390 = arith.constant 0 : i32
      %dma_start3A_391 = arith.constant 0 : i32
      %dma_start3A_392 = tpu.memref_slice %arg6[%dma_start3A_390, %dma_start3A_391] : memref<10000x128xf32, #tpu.memory_space<vmem_shared>> -> memref<10000x128xf32, #tpu.memory_space<vmem_shared>>
      tpu.enqueue_indirect_dma source(%dma_start3A_386 : memref<80x128xf32, #tpu.memory_space<vmem>>) target(%dma_start3A_392 : memref<10000x128xf32, #tpu.memory_space<vmem_shared>>) offsets(%dma_start3A_389 : memref<80xi32, #tpu.memory_space<vmem>>) semaphore(%arg25 : memref<!tpu.dma_semaphore, #tpu.memory_space<semaphore_mem>>) {add = true}
      %add3A_393 = arith.constant 4 : i32
      %add3A_394 = arith.addi %add3A_333, %add3A_393 : i32
      %lt3A_395 = arith.constant 125 : i32
      %lt3A_396 = arith.cmpi slt, %add3A_394, %lt3A_395 : i32
      %convert_element_type3A_397 = arith.extui %lt3A_396 : i1 to i32
      %cond3A_398 = arith.constant 0 : i32
      %cond3A_399 = arith.cmpi ne, %convert_element_type3A_397, %cond3A_398 : i32
      scf.if %cond3A_399 {
        %add3A_567 = arith.constant 4 : i32
        %add3A_568 = arith.addi %add3A_333, %add3A_567 : i32
        %mul3A_569 = arith.constant 80 : i32
        %mul3A_570 = arith.muli %add3A_568, %mul3A_569 : i32
        %add3A_571 = arith.addi %mul3A_2, %mul3A_570 : i32
        %multiple_of3A_572 = tpu.assume_multiple %add3A_571, 8 : i32
        %dma_start3A_573 = arith.constant 1 : i32
        %dma_start3A_574 = arith.constant 0 : i32
        %dma_start3A_575 = tpu.memref_slice %arg7[%dma_start3A_573, %dma_start3A_574] : memref<4x80xi32, #tpu.memory_space<vmem>> -> memref<1x80xi32, #tpu.memory_space<vmem>>
        %dma_start3A_576 = tpu.memref_squeeze %dma_start3A_575 : memref<1x80xi32, #tpu.memory_space<vmem>> -> memref<80xi32, #tpu.memory_space<vmem>>
        %dma_start3A_577 = tpu.memref_slice %arg3[%multiple_of3A_572] : memref<640000xi32, #tpu.memory_space<hbm>> -> memref<80xi32, #tpu.memory_space<hbm>>
        %dma_start3A_578 = arith.constant 0 : i32
        %dma_start3A_579 = tpu.memref_slice %arg7[%dma_start3A_573, %dma_start3A_578] : memref<4x80xi32, #tpu.memory_space<vmem>> -> memref<1x80xi32, #tpu.memory_space<vmem>>
        %dma_start3A_580 = tpu.memref_squeeze %dma_start3A_579 : memref<1x80xi32, #tpu.memory_space<vmem>> -> memref<80xi32, #tpu.memory_space<vmem>>
        %dma_start3A_581 = tpu.memref_slice %arg3[%multiple_of3A_572] : memref<640000xi32, #tpu.memory_space<hbm>> -> memref<80xi32, #tpu.memory_space<hbm>>
        tpu.enqueue_dma source(%dma_start3A_581 : memref<80xi32, #tpu.memory_space<hbm>>) target(%dma_start3A_580 : memref<80xi32, #tpu.memory_space<vmem>>) target_semaphore(%arg17 : memref<!tpu.dma_semaphore, #tpu.memory_space<semaphore_mem>>)
      } else {
      }
      %mul3A_400 = arith.constant 4 : i32
      %mul3A_401 = arith.muli %scan3A_279, %mul3A_400 : i32
      %add3A_402 = arith.constant 2 : i32
      %add3A_403 = arith.addi %mul3A_401, %add3A_402 : i32
      %dma_wait3A_404 = arith.constant 2 : i32
      %dma_wait3A_405 = arith.constant 2 : i32
      %dma_wait3A_406 = arith.constant 0 : i32
      %dma_wait3A_407 = arith.constant 0 : i32
      %dma_wait3A_408 = tpu.memref_slice %arg9[%dma_wait3A_405, %dma_wait3A_406, %dma_wait3A_407] : memref<4x80x128xf32, #tpu.memory_space<vmem>> -> memref<1x80x128xf32, #tpu.memory_space<vmem>>
      %dma_wait3A_409 = tpu.memref_squeeze %dma_wait3A_408 : memref<1x80x128xf32, #tpu.memory_space<vmem>> -> memref<80x128xf32, #tpu.memory_space<vmem>>
      %dma_wait3A_410 = arith.constant 0 : i32
      %dma_wait3A_411 = tpu.memref_slice %arg7[%dma_wait3A_404, %dma_wait3A_410] : memref<4x80xi32, #tpu.memory_space<vmem>> -> memref<1x80xi32, #tpu.memory_space<vmem>>
      %dma_wait3A_412 = tpu.memref_squeeze %dma_wait3A_411 : memref<1x80xi32, #tpu.memory_space<vmem>> -> memref<80xi32, #tpu.memory_space<vmem>>
      %dma_wait3A_413 = arith.constant 0 : i32
      %dma_wait3A_414 = arith.constant 0 : i32
      %dma_wait3A_415 = tpu.memref_slice %arg2[%dma_wait3A_413, %dma_wait3A_414] : memref<10000x128xf32, #tpu.memory_space<hbm>> -> memref<10000x128xf32, #tpu.memory_space<hbm>>
      tpu.wait_indirect_dma semaphore(%arg14 : memref<!tpu.dma_semaphore, #tpu.memory_space<semaphore_mem>>) src(%dma_wait3A_415 : memref<10000x128xf32, #tpu.memory_space<hbm>>) dst(%dma_wait3A_409 : memref<80x128xf32, #tpu.memory_space<vmem>>)
      %add3A_416 = arith.constant 320000 : i32
      %add3A_417 = arith.addi %add3A_416, %mul3A_2 : i32
      %mul3A_418 = arith.constant 80 : i32
      %mul3A_419 = arith.muli %add3A_403, %mul3A_418 : i32
      %add3A_420 = arith.addi %add3A_417, %mul3A_419 : i32
      %multiple_of3A_421 = tpu.assume_multiple %add3A_420, 8 : i32
      %dma_wait3A_422 = arith.constant 2 : i32
      %dma_wait3A_423 = arith.constant 0 : i32
      %dma_wait3A_424 = tpu.memref_slice %arg8[%dma_wait3A_422, %dma_wait3A_423] : memref<4x80xi32, #tpu.memory_space<vmem>> -> memref<1x80xi32, #tpu.memory_space<vmem>>
      %dma_wait3A_425 = tpu.memref_squeeze %dma_wait3A_424 : memref<1x80xi32, #tpu.memory_space<vmem>> -> memref<80xi32, #tpu.memory_space<vmem>>
      %dma_wait3A_426 = tpu.memref_slice %arg3[%multiple_of3A_421] : memref<640000xi32, #tpu.memory_space<hbm>> -> memref<80xi32, #tpu.memory_space<hbm>>
      %dma_wait3A_427 = arith.constant 0 : i32
      %dma_wait3A_428 = tpu.memref_slice %arg8[%dma_wait3A_422, %dma_wait3A_427] : memref<4x80xi32, #tpu.memory_space<vmem>> -> memref<1x80xi32, #tpu.memory_space<vmem>>
      %dma_wait3A_429 = tpu.memref_squeeze %dma_wait3A_428 : memref<1x80xi32, #tpu.memory_space<vmem>> -> memref<80xi32, #tpu.memory_space<vmem>>
      %dma_wait3A_430 = tpu.memref_slice %arg3[%multiple_of3A_421] : memref<640000xi32, #tpu.memory_space<hbm>> -> memref<80xi32, #tpu.memory_space<hbm>>
      tpu.wait_dma2 semaphore(%arg22 : memref<!tpu.dma_semaphore, #tpu.memory_space<semaphore_mem>>) src(%dma_wait3A_430 : memref<80xi32, #tpu.memory_space<hbm>>) dst(%dma_wait3A_429 : memref<80xi32, #tpu.memory_space<vmem>>)
      %dma_wait3A_431 = arith.constant 1 : i32
      %dma_wait3A_432 = arith.constant 1 : i32
      %dma_wait3A_433 = arith.constant 0 : i32
      %dma_wait3A_434 = arith.constant 0 : i32
      %dma_wait3A_435 = tpu.memref_slice %arg9[%dma_wait3A_431, %dma_wait3A_433, %dma_wait3A_434] : memref<4x80x128xf32, #tpu.memory_space<vmem>> -> memref<1x80x128xf32, #tpu.memory_space<vmem>>
      %dma_wait3A_436 = tpu.memref_squeeze %dma_wait3A_435 : memref<1x80x128xf32, #tpu.memory_space<vmem>> -> memref<80x128xf32, #tpu.memory_space<vmem>>
      %dma_wait3A_437 = arith.constant 0 : i32
      %dma_wait3A_438 = tpu.memref_slice %arg8[%dma_wait3A_432, %dma_wait3A_437] : memref<4x80xi32, #tpu.memory_space<vmem>> -> memref<1x80xi32, #tpu.memory_space<vmem>>
      %dma_wait3A_439 = tpu.memref_squeeze %dma_wait3A_438 : memref<1x80xi32, #tpu.memory_space<vmem>> -> memref<80xi32, #tpu.memory_space<vmem>>
      %dma_wait3A_440 = arith.constant 0 : i32
      %dma_wait3A_441 = arith.constant 0 : i32
      %dma_wait3A_442 = tpu.memref_slice %arg6[%dma_wait3A_440, %dma_wait3A_441] : memref<10000x128xf32, #tpu.memory_space<vmem_shared>> -> memref<10000x128xf32, #tpu.memory_space<vmem_shared>>
      tpu.wait_indirect_dma semaphore(%arg25 : memref<!tpu.dma_semaphore, #tpu.memory_space<semaphore_mem>>) src(%dma_wait3A_436 : memref<80x128xf32, #tpu.memory_space<vmem>>) dst(%dma_wait3A_442 : memref<10000x128xf32, #tpu.memory_space<vmem_shared>>)
      %sub3A_443 = arith.constant 1 : i32
      %sub3A_444 = arith.subi %add3A_403, %sub3A_443 : i32
      %add3A_445 = arith.constant 4 : i32
      %add3A_446 = arith.addi %sub3A_444, %add3A_445 : i32
      %lt3A_447 = arith.constant 125 : i32
      %lt3A_448 = arith.cmpi slt, %add3A_446, %lt3A_447 : i32
      %convert_element_type3A_449 = arith.extui %lt3A_448 : i1 to i32
      %cond3A_450 = arith.constant 0 : i32
      %cond3A_451 = arith.cmpi ne, %convert_element_type3A_449, %cond3A_450 : i32
      scf.if %cond3A_451 {
        %mul3A_567 = arith.constant 80 : i32
        %mul3A_568 = arith.muli %add3A_446, %mul3A_567 : i32
        %add3A_569 = arith.addi %mul3A_2, %mul3A_568 : i32
        %multiple_of3A_570 = tpu.assume_multiple %add3A_569, 8 : i32
        %dma_wait3A_571 = arith.constant 1 : i32
        %dma_wait3A_572 = arith.constant 0 : i32
        %dma_wait3A_573 = tpu.memref_slice %arg7[%dma_wait3A_571, %dma_wait3A_572] : memref<4x80xi32, #tpu.memory_space<vmem>> -> memref<1x80xi32, #tpu.memory_space<vmem>>
        %dma_wait3A_574 = tpu.memref_squeeze %dma_wait3A_573 : memref<1x80xi32, #tpu.memory_space<vmem>> -> memref<80xi32, #tpu.memory_space<vmem>>
        %dma_wait3A_575 = tpu.memref_slice %arg3[%multiple_of3A_570] : memref<640000xi32, #tpu.memory_space<hbm>> -> memref<80xi32, #tpu.memory_space<hbm>>
        %dma_wait3A_576 = arith.constant 0 : i32
        %dma_wait3A_577 = tpu.memref_slice %arg7[%dma_wait3A_571, %dma_wait3A_576] : memref<4x80xi32, #tpu.memory_space<vmem>> -> memref<1x80xi32, #tpu.memory_space<vmem>>
        %dma_wait3A_578 = tpu.memref_squeeze %dma_wait3A_577 : memref<1x80xi32, #tpu.memory_space<vmem>> -> memref<80xi32, #tpu.memory_space<vmem>>
        %dma_wait3A_579 = tpu.memref_slice %arg3[%multiple_of3A_570] : memref<640000xi32, #tpu.memory_space<hbm>> -> memref<80xi32, #tpu.memory_space<hbm>>
        tpu.wait_dma2 semaphore(%arg17 : memref<!tpu.dma_semaphore, #tpu.memory_space<semaphore_mem>>) src(%dma_wait3A_579 : memref<80xi32, #tpu.memory_space<hbm>>) dst(%dma_wait3A_578 : memref<80xi32, #tpu.memory_space<vmem>>)
        %dma_start3A_580 = arith.constant 1 : i32
        %dma_start3A_581 = arith.constant 1 : i32
        %dma_start3A_582 = arith.constant 0 : i32
        %dma_start3A_583 = arith.constant 0 : i32
        %dma_start3A_584 = tpu.memref_slice %arg9[%dma_start3A_581, %dma_start3A_582, %dma_start3A_583] : memref<4x80x128xf32, #tpu.memory_space<vmem>> -> memref<1x80x128xf32, #tpu.memory_space<vmem>>
        %dma_start3A_585 = tpu.memref_squeeze %dma_start3A_584 : memref<1x80x128xf32, #tpu.memory_space<vmem>> -> memref<80x128xf32, #tpu.memory_space<vmem>>
        %dma_start3A_586 = arith.constant 0 : i32
        %dma_start3A_587 = tpu.memref_slice %arg7[%dma_start3A_580, %dma_start3A_586] : memref<4x80xi32, #tpu.memory_space<vmem>> -> memref<1x80xi32, #tpu.memory_space<vmem>>
        %dma_start3A_588 = tpu.memref_squeeze %dma_start3A_587 : memref<1x80xi32, #tpu.memory_space<vmem>> -> memref<80xi32, #tpu.memory_space<vmem>>
        %dma_start3A_589 = arith.constant 0 : i32
        %dma_start3A_590 = arith.constant 0 : i32
        %dma_start3A_591 = tpu.memref_slice %arg2[%dma_start3A_589, %dma_start3A_590] : memref<10000x128xf32, #tpu.memory_space<hbm>> -> memref<10000x128xf32, #tpu.memory_space<hbm>>
        tpu.enqueue_indirect_dma source(%dma_start3A_591 : memref<10000x128xf32, #tpu.memory_space<hbm>>) target(%dma_start3A_585 : memref<80x128xf32, #tpu.memory_space<vmem>>) offsets(%dma_start3A_588 : memref<80xi32, #tpu.memory_space<vmem>>) semaphore(%arg13 : memref<!tpu.dma_semaphore, #tpu.memory_space<semaphore_mem>>)
        %add3A_592 = arith.constant 320000 : i32
        %add3A_593 = arith.addi %add3A_592, %mul3A_2 : i32
        %mul3A_594 = arith.constant 80 : i32
        %mul3A_595 = arith.muli %add3A_446, %mul3A_594 : i32
        %add3A_596 = arith.addi %add3A_593, %mul3A_595 : i32
        %multiple_of3A_597 = tpu.assume_multiple %add3A_596, 8 : i32
        %dma_start3A_598 = arith.constant 1 : i32
        %dma_start3A_599 = arith.constant 0 : i32
        %dma_start3A_600 = tpu.memref_slice %arg8[%dma_start3A_598, %dma_start3A_599] : memref<4x80xi32, #tpu.memory_space<vmem>> -> memref<1x80xi32, #tpu.memory_space<vmem>>
        %dma_start3A_601 = tpu.memref_squeeze %dma_start3A_600 : memref<1x80xi32, #tpu.memory_space<vmem>> -> memref<80xi32, #tpu.memory_space<vmem>>
        %dma_start3A_602 = tpu.memref_slice %arg3[%multiple_of3A_597] : memref<640000xi32, #tpu.memory_space<hbm>> -> memref<80xi32, #tpu.memory_space<hbm>>
        %dma_start3A_603 = arith.constant 0 : i32
        %dma_start3A_604 = tpu.memref_slice %arg8[%dma_start3A_598, %dma_start3A_603] : memref<4x80xi32, #tpu.memory_space<vmem>> -> memref<1x80xi32, #tpu.memory_space<vmem>>
        %dma_start3A_605 = tpu.memref_squeeze %dma_start3A_604 : memref<1x80xi32, #tpu.memory_space<vmem>> -> memref<80xi32, #tpu.memory_space<vmem>>
        %dma_start3A_606 = tpu.memref_slice %arg3[%multiple_of3A_597] : memref<640000xi32, #tpu.memory_space<hbm>> -> memref<80xi32, #tpu.memory_space<hbm>>
        tpu.enqueue_dma source(%dma_start3A_606 : memref<80xi32, #tpu.memory_space<hbm>>) target(%dma_start3A_605 : memref<80xi32, #tpu.memory_space<vmem>>) target_semaphore(%arg21 : memref<!tpu.dma_semaphore, #tpu.memory_space<semaphore_mem>>)
      } else {
      }
      %dma_start3A_452 = arith.constant 2 : i32
      %dma_start3A_453 = arith.constant 2 : i32
      %dma_start3A_454 = arith.constant 0 : i32
      %dma_start3A_455 = arith.constant 0 : i32
      %dma_start3A_456 = tpu.memref_slice %arg9[%dma_start3A_452, %dma_start3A_454, %dma_start3A_455] : memref<4x80x128xf32, #tpu.memory_space<vmem>> -> memref<1x80x128xf32, #tpu.memory_space<vmem>>
      %dma_start3A_457 = tpu.memref_squeeze %dma_start3A_456 : memref<1x80x128xf32, #tpu.memory_space<vmem>> -> memref<80x128xf32, #tpu.memory_space<vmem>>
      %dma_start3A_458 = arith.constant 0 : i32
      %dma_start3A_459 = tpu.memref_slice %arg8[%dma_start3A_453, %dma_start3A_458] : memref<4x80xi32, #tpu.memory_space<vmem>> -> memref<1x80xi32, #tpu.memory_space<vmem>>
      %dma_start3A_460 = tpu.memref_squeeze %dma_start3A_459 : memref<1x80xi32, #tpu.memory_space<vmem>> -> memref<80xi32, #tpu.memory_space<vmem>>
      %dma_start3A_461 = arith.constant 0 : i32
      %dma_start3A_462 = arith.constant 0 : i32
      %dma_start3A_463 = tpu.memref_slice %arg6[%dma_start3A_461, %dma_start3A_462] : memref<10000x128xf32, #tpu.memory_space<vmem_shared>> -> memref<10000x128xf32, #tpu.memory_space<vmem_shared>>
      tpu.enqueue_indirect_dma source(%dma_start3A_457 : memref<80x128xf32, #tpu.memory_space<vmem>>) target(%dma_start3A_463 : memref<10000x128xf32, #tpu.memory_space<vmem_shared>>) offsets(%dma_start3A_460 : memref<80xi32, #tpu.memory_space<vmem>>) semaphore(%arg26 : memref<!tpu.dma_semaphore, #tpu.memory_space<semaphore_mem>>) {add = true}
      %add3A_464 = arith.constant 4 : i32
      %add3A_465 = arith.addi %add3A_403, %add3A_464 : i32
      %lt3A_466 = arith.constant 125 : i32
      %lt3A_467 = arith.cmpi slt, %add3A_465, %lt3A_466 : i32
      %convert_element_type3A_468 = arith.extui %lt3A_467 : i1 to i32
      %cond3A_469 = arith.constant 0 : i32
      %cond3A_470 = arith.cmpi ne, %convert_element_type3A_468, %cond3A_469 : i32
      scf.if %cond3A_470 {
        %add3A_567 = arith.constant 4 : i32
        %add3A_568 = arith.addi %add3A_403, %add3A_567 : i32
        %mul3A_569 = arith.constant 80 : i32
        %mul3A_570 = arith.muli %add3A_568, %mul3A_569 : i32
        %add3A_571 = arith.addi %mul3A_2, %mul3A_570 : i32
        %multiple_of3A_572 = tpu.assume_multiple %add3A_571, 8 : i32
        %dma_start3A_573 = arith.constant 2 : i32
        %dma_start3A_574 = arith.constant 0 : i32
        %dma_start3A_575 = tpu.memref_slice %arg7[%dma_start3A_573, %dma_start3A_574] : memref<4x80xi32, #tpu.memory_space<vmem>> -> memref<1x80xi32, #tpu.memory_space<vmem>>
        %dma_start3A_576 = tpu.memref_squeeze %dma_start3A_575 : memref<1x80xi32, #tpu.memory_space<vmem>> -> memref<80xi32, #tpu.memory_space<vmem>>
        %dma_start3A_577 = tpu.memref_slice %arg3[%multiple_of3A_572] : memref<640000xi32, #tpu.memory_space<hbm>> -> memref<80xi32, #tpu.memory_space<hbm>>
        %dma_start3A_578 = arith.constant 0 : i32
        %dma_start3A_579 = tpu.memref_slice %arg7[%dma_start3A_573, %dma_start3A_578] : memref<4x80xi32, #tpu.memory_space<vmem>> -> memref<1x80xi32, #tpu.memory_space<vmem>>
        %dma_start3A_580 = tpu.memref_squeeze %dma_start3A_579 : memref<1x80xi32, #tpu.memory_space<vmem>> -> memref<80xi32, #tpu.memory_space<vmem>>
        %dma_start3A_581 = tpu.memref_slice %arg3[%multiple_of3A_572] : memref<640000xi32, #tpu.memory_space<hbm>> -> memref<80xi32, #tpu.memory_space<hbm>>
        tpu.enqueue_dma source(%dma_start3A_581 : memref<80xi32, #tpu.memory_space<hbm>>) target(%dma_start3A_580 : memref<80xi32, #tpu.memory_space<vmem>>) target_semaphore(%arg18 : memref<!tpu.dma_semaphore, #tpu.memory_space<semaphore_mem>>)
      } else {
      }
      %mul3A_471 = arith.constant 4 : i32
      %mul3A_472 = arith.muli %scan3A_279, %mul3A_471 : i32
      %add3A_473 = arith.constant 3 : i32
      %add3A_474 = arith.addi %mul3A_472, %add3A_473 : i32
      %dma_wait3A_475 = arith.constant 3 : i32
      %dma_wait3A_476 = arith.constant 3 : i32
      %dma_wait3A_477 = arith.constant 0 : i32
      %dma_wait3A_478 = arith.constant 0 : i32
      %dma_wait3A_479 = tpu.memref_slice %arg9[%dma_wait3A_476, %dma_wait3A_477, %dma_wait3A_478] : memref<4x80x128xf32, #tpu.memory_space<vmem>> -> memref<1x80x128xf32, #tpu.memory_space<vmem>>
      %dma_wait3A_480 = tpu.memref_squeeze %dma_wait3A_479 : memref<1x80x128xf32, #tpu.memory_space<vmem>> -> memref<80x128xf32, #tpu.memory_space<vmem>>
      %dma_wait3A_481 = arith.constant 0 : i32
      %dma_wait3A_482 = tpu.memref_slice %arg7[%dma_wait3A_475, %dma_wait3A_481] : memref<4x80xi32, #tpu.memory_space<vmem>> -> memref<1x80xi32, #tpu.memory_space<vmem>>
      %dma_wait3A_483 = tpu.memref_squeeze %dma_wait3A_482 : memref<1x80xi32, #tpu.memory_space<vmem>> -> memref<80xi32, #tpu.memory_space<vmem>>
      %dma_wait3A_484 = arith.constant 0 : i32
      %dma_wait3A_485 = arith.constant 0 : i32
      %dma_wait3A_486 = tpu.memref_slice %arg2[%dma_wait3A_484, %dma_wait3A_485] : memref<10000x128xf32, #tpu.memory_space<hbm>> -> memref<10000x128xf32, #tpu.memory_space<hbm>>
      tpu.wait_indirect_dma semaphore(%arg15 : memref<!tpu.dma_semaphore, #tpu.memory_space<semaphore_mem>>) src(%dma_wait3A_486 : memref<10000x128xf32, #tpu.memory_space<hbm>>) dst(%dma_wait3A_480 : memref<80x128xf32, #tpu.memory_space<vmem>>)
      %add3A_487 = arith.constant 320000 : i32
      %add3A_488 = arith.addi %add3A_487, %mul3A_2 : i32
      %mul3A_489 = arith.constant 80 : i32
      %mul3A_490 = arith.muli %add3A_474, %mul3A_489 : i32
      %add3A_491 = arith.addi %add3A_488, %mul3A_490 : i32
      %multiple_of3A_492 = tpu.assume_multiple %add3A_491, 8 : i32
      %dma_wait3A_493 = arith.constant 3 : i32
      %dma_wait3A_494 = arith.constant 0 : i32
      %dma_wait3A_495 = tpu.memref_slice %arg8[%dma_wait3A_493, %dma_wait3A_494] : memref<4x80xi32, #tpu.memory_space<vmem>> -> memref<1x80xi32, #tpu.memory_space<vmem>>
      %dma_wait3A_496 = tpu.memref_squeeze %dma_wait3A_495 : memref<1x80xi32, #tpu.memory_space<vmem>> -> memref<80xi32, #tpu.memory_space<vmem>>
      %dma_wait3A_497 = tpu.memref_slice %arg3[%multiple_of3A_492] : memref<640000xi32, #tpu.memory_space<hbm>> -> memref<80xi32, #tpu.memory_space<hbm>>
      %dma_wait3A_498 = arith.constant 0 : i32
      %dma_wait3A_499 = tpu.memref_slice %arg8[%dma_wait3A_493, %dma_wait3A_498] : memref<4x80xi32, #tpu.memory_space<vmem>> -> memref<1x80xi32, #tpu.memory_space<vmem>>
      %dma_wait3A_500 = tpu.memref_squeeze %dma_wait3A_499 : memref<1x80xi32, #tpu.memory_space<vmem>> -> memref<80xi32, #tpu.memory_space<vmem>>
      %dma_wait3A_501 = tpu.memref_slice %arg3[%multiple_of3A_492] : memref<640000xi32, #tpu.memory_space<hbm>> -> memref<80xi32, #tpu.memory_space<hbm>>
      tpu.wait_dma2 semaphore(%arg23 : memref<!tpu.dma_semaphore, #tpu.memory_space<semaphore_mem>>) src(%dma_wait3A_501 : memref<80xi32, #tpu.memory_space<hbm>>) dst(%dma_wait3A_500 : memref<80xi32, #tpu.memory_space<vmem>>)
      %dma_wait3A_502 = arith.constant 2 : i32
      %dma_wait3A_503 = arith.constant 2 : i32
      %dma_wait3A_504 = arith.constant 0 : i32
      %dma_wait3A_505 = arith.constant 0 : i32
      %dma_wait3A_506 = tpu.memref_slice %arg9[%dma_wait3A_502, %dma_wait3A_504, %dma_wait3A_505] : memref<4x80x128xf32, #tpu.memory_space<vmem>> -> memref<1x80x128xf32, #tpu.memory_space<vmem>>
      %dma_wait3A_507 = tpu.memref_squeeze %dma_wait3A_506 : memref<1x80x128xf32, #tpu.memory_space<vmem>> -> memref<80x128xf32, #tpu.memory_space<vmem>>
      %dma_wait3A_508 = arith.constant 0 : i32
      %dma_wait3A_509 = tpu.memref_slice %arg8[%dma_wait3A_503, %dma_wait3A_508] : memref<4x80xi32, #tpu.memory_space<vmem>> -> memref<1x80xi32, #tpu.memory_space<vmem>>
      %dma_wait3A_510 = tpu.memref_squeeze %dma_wait3A_509 : memref<1x80xi32, #tpu.memory_space<vmem>> -> memref<80xi32, #tpu.memory_space<vmem>>
      %dma_wait3A_511 = arith.constant 0 : i32
      %dma_wait3A_512 = arith.constant 0 : i32
      %dma_wait3A_513 = tpu.memref_slice %arg6[%dma_wait3A_511, %dma_wait3A_512] : memref<10000x128xf32, #tpu.memory_space<vmem_shared>> -> memref<10000x128xf32, #tpu.memory_space<vmem_shared>>
      tpu.wait_indirect_dma semaphore(%arg26 : memref<!tpu.dma_semaphore, #tpu.memory_space<semaphore_mem>>) src(%dma_wait3A_507 : memref<80x128xf32, #tpu.memory_space<vmem>>) dst(%dma_wait3A_513 : memref<10000x128xf32, #tpu.memory_space<vmem_shared>>)
      %sub3A_514 = arith.constant 1 : i32
      %sub3A_515 = arith.subi %add3A_474, %sub3A_514 : i32
      %add3A_516 = arith.constant 4 : i32
      %add3A_517 = arith.addi %sub3A_515, %add3A_516 : i32
      %lt3A_518 = arith.constant 125 : i32
      %lt3A_519 = arith.cmpi slt, %add3A_517, %lt3A_518 : i32
      %convert_element_type3A_520 = arith.extui %lt3A_519 : i1 to i32
      %cond3A_521 = arith.constant 0 : i32
      %cond3A_522 = arith.cmpi ne, %convert_element_type3A_520, %cond3A_521 : i32
      scf.if %cond3A_522 {
        %mul3A_567 = arith.constant 80 : i32
        %mul3A_568 = arith.muli %add3A_517, %mul3A_567 : i32
        %add3A_569 = arith.addi %mul3A_2, %mul3A_568 : i32
        %multiple_of3A_570 = tpu.assume_multiple %add3A_569, 8 : i32
        %dma_wait3A_571 = arith.constant 2 : i32
        %dma_wait3A_572 = arith.constant 0 : i32
        %dma_wait3A_573 = tpu.memref_slice %arg7[%dma_wait3A_571, %dma_wait3A_572] : memref<4x80xi32, #tpu.memory_space<vmem>> -> memref<1x80xi32, #tpu.memory_space<vmem>>
        %dma_wait3A_574 = tpu.memref_squeeze %dma_wait3A_573 : memref<1x80xi32, #tpu.memory_space<vmem>> -> memref<80xi32, #tpu.memory_space<vmem>>
        %dma_wait3A_575 = tpu.memref_slice %arg3[%multiple_of3A_570] : memref<640000xi32, #tpu.memory_space<hbm>> -> memref<80xi32, #tpu.memory_space<hbm>>
        %dma_wait3A_576 = arith.constant 0 : i32
        %dma_wait3A_577 = tpu.memref_slice %arg7[%dma_wait3A_571, %dma_wait3A_576] : memref<4x80xi32, #tpu.memory_space<vmem>> -> memref<1x80xi32, #tpu.memory_space<vmem>>
        %dma_wait3A_578 = tpu.memref_squeeze %dma_wait3A_577 : memref<1x80xi32, #tpu.memory_space<vmem>> -> memref<80xi32, #tpu.memory_space<vmem>>
        %dma_wait3A_579 = tpu.memref_slice %arg3[%multiple_of3A_570] : memref<640000xi32, #tpu.memory_space<hbm>> -> memref<80xi32, #tpu.memory_space<hbm>>
        tpu.wait_dma2 semaphore(%arg18 : memref<!tpu.dma_semaphore, #tpu.memory_space<semaphore_mem>>) src(%dma_wait3A_579 : memref<80xi32, #tpu.memory_space<hbm>>) dst(%dma_wait3A_578 : memref<80xi32, #tpu.memory_space<vmem>>)
        %dma_start3A_580 = arith.constant 2 : i32
        %dma_start3A_581 = arith.constant 2 : i32
        %dma_start3A_582 = arith.constant 0 : i32
        %dma_start3A_583 = arith.constant 0 : i32
        %dma_start3A_584 = tpu.memref_slice %arg9[%dma_start3A_581, %dma_start3A_582, %dma_start3A_583] : memref<4x80x128xf32, #tpu.memory_space<vmem>> -> memref<1x80x128xf32, #tpu.memory_space<vmem>>
        %dma_start3A_585 = tpu.memref_squeeze %dma_start3A_584 : memref<1x80x128xf32, #tpu.memory_space<vmem>> -> memref<80x128xf32, #tpu.memory_space<vmem>>
        %dma_start3A_586 = arith.constant 0 : i32
        %dma_start3A_587 = tpu.memref_slice %arg7[%dma_start3A_580, %dma_start3A_586] : memref<4x80xi32, #tpu.memory_space<vmem>> -> memref<1x80xi32, #tpu.memory_space<vmem>>
        %dma_start3A_588 = tpu.memref_squeeze %dma_start3A_587 : memref<1x80xi32, #tpu.memory_space<vmem>> -> memref<80xi32, #tpu.memory_space<vmem>>
        %dma_start3A_589 = arith.constant 0 : i32
        %dma_start3A_590 = arith.constant 0 : i32
        %dma_start3A_591 = tpu.memref_slice %arg2[%dma_start3A_589, %dma_start3A_590] : memref<10000x128xf32, #tpu.memory_space<hbm>> -> memref<10000x128xf32, #tpu.memory_space<hbm>>
        tpu.enqueue_indirect_dma source(%dma_start3A_591 : memref<10000x128xf32, #tpu.memory_space<hbm>>) target(%dma_start3A_585 : memref<80x128xf32, #tpu.memory_space<vmem>>) offsets(%dma_start3A_588 : memref<80xi32, #tpu.memory_space<vmem>>) semaphore(%arg14 : memref<!tpu.dma_semaphore, #tpu.memory_space<semaphore_mem>>)
        %add3A_592 = arith.constant 320000 : i32
        %add3A_593 = arith.addi %add3A_592, %mul3A_2 : i32
        %mul3A_594 = arith.constant 80 : i32
        %mul3A_595 = arith.muli %add3A_517, %mul3A_594 : i32
        %add3A_596 = arith.addi %add3A_593, %mul3A_595 : i32
        %multiple_of3A_597 = tpu.assume_multiple %add3A_596, 8 : i32
        %dma_start3A_598 = arith.constant 2 : i32
        %dma_start3A_599 = arith.constant 0 : i32
        %dma_start3A_600 = tpu.memref_slice %arg8[%dma_start3A_598, %dma_start3A_599] : memref<4x80xi32, #tpu.memory_space<vmem>> -> memref<1x80xi32, #tpu.memory_space<vmem>>
        %dma_start3A_601 = tpu.memref_squeeze %dma_start3A_600 : memref<1x80xi32, #tpu.memory_space<vmem>> -> memref<80xi32, #tpu.memory_space<vmem>>
        %dma_start3A_602 = tpu.memref_slice %arg3[%multiple_of3A_597] : memref<640000xi32, #tpu.memory_space<hbm>> -> memref<80xi32, #tpu.memory_space<hbm>>
        %dma_start3A_603 = arith.constant 0 : i32
        %dma_start3A_604 = tpu.memref_slice %arg8[%dma_start3A_598, %dma_start3A_603] : memref<4x80xi32, #tpu.memory_space<vmem>> -> memref<1x80xi32, #tpu.memory_space<vmem>>
        %dma_start3A_605 = tpu.memref_squeeze %dma_start3A_604 : memref<1x80xi32, #tpu.memory_space<vmem>> -> memref<80xi32, #tpu.memory_space<vmem>>
        %dma_start3A_606 = tpu.memref_slice %arg3[%multiple_of3A_597] : memref<640000xi32, #tpu.memory_space<hbm>> -> memref<80xi32, #tpu.memory_space<hbm>>
        tpu.enqueue_dma source(%dma_start3A_606 : memref<80xi32, #tpu.memory_space<hbm>>) target(%dma_start3A_605 : memref<80xi32, #tpu.memory_space<vmem>>) target_semaphore(%arg22 : memref<!tpu.dma_semaphore, #tpu.memory_space<semaphore_mem>>)
      } else {
      }
      %dma_start3A_523 = arith.constant 3 : i32
      %dma_start3A_524 = arith.constant 3 : i32
      %dma_start3A_525 = arith.constant 0 : i32
      %dma_start3A_526 = arith.constant 0 : i32
      %dma_start3A_527 = tpu.memref_slice %arg9[%dma_start3A_523, %dma_start3A_525, %dma_start3A_526] : memref<4x80x128xf32, #tpu.memory_space<vmem>> -> memref<1x80x128xf32, #tpu.memory_space<vmem>>
      %dma_start3A_528 = tpu.memref_squeeze %dma_start3A_527 : memref<1x80x128xf32, #tpu.memory_space<vmem>> -> memref<80x128xf32, #tpu.memory_space<vmem>>
      %dma_start3A_529 = arith.constant 0 : i32
      %dma_start3A_530 = tpu.memref_slice %arg8[%dma_start3A_524, %dma_start3A_529] : memref<4x80xi32, #tpu.memory_space<vmem>> -> memref<1x80xi32, #tpu.memory_space<vmem>>
      %dma_start3A_531 = tpu.memref_squeeze %dma_start3A_530 : memref<1x80xi32, #tpu.memory_space<vmem>> -> memref<80xi32, #tpu.memory_space<vmem>>
      %dma_start3A_532 = arith.constant 0 : i32
      %dma_start3A_533 = arith.constant 0 : i32
      %dma_start3A_534 = tpu.memref_slice %arg6[%dma_start3A_532, %dma_start3A_533] : memref<10000x128xf32, #tpu.memory_space<vmem_shared>> -> memref<10000x128xf32, #tpu.memory_space<vmem_shared>>
      tpu.enqueue_indirect_dma source(%dma_start3A_528 : memref<80x128xf32, #tpu.memory_space<vmem>>) target(%dma_start3A_534 : memref<10000x128xf32, #tpu.memory_space<vmem_shared>>) offsets(%dma_start3A_531 : memref<80xi32, #tpu.memory_space<vmem>>) semaphore(%arg27 : memref<!tpu.dma_semaphore, #tpu.memory_space<semaphore_mem>>) {add = true}
      %add3A_535 = arith.constant 4 : i32
      %add3A_536 = arith.addi %add3A_474, %add3A_535 : i32
      %lt3A_537 = arith.constant 125 : i32
      %lt3A_538 = arith.cmpi slt, %add3A_536, %lt3A_537 : i32
      %convert_element_type3A_539 = arith.extui %lt3A_538 : i1 to i32
      %cond3A_540 = arith.constant 0 : i32
      %cond3A_541 = arith.cmpi ne, %convert_element_type3A_539, %cond3A_540 : i32
      scf.if %cond3A_541 {
        %add3A_567 = arith.constant 4 : i32
        %add3A_568 = arith.addi %add3A_474, %add3A_567 : i32
        %mul3A_569 = arith.constant 80 : i32
        %mul3A_570 = arith.muli %add3A_568, %mul3A_569 : i32
        %add3A_571 = arith.addi %mul3A_2, %mul3A_570 : i32
        %multiple_of3A_572 = tpu.assume_multiple %add3A_571, 8 : i32
        %dma_start3A_573 = arith.constant 3 : i32
        %dma_start3A_574 = arith.constant 0 : i32
        %dma_start3A_575 = tpu.memref_slice %arg7[%dma_start3A_573, %dma_start3A_574] : memref<4x80xi32, #tpu.memory_space<vmem>> -> memref<1x80xi32, #tpu.memory_space<vmem>>
        %dma_start3A_576 = tpu.memref_squeeze %dma_start3A_575 : memref<1x80xi32, #tpu.memory_space<vmem>> -> memref<80xi32, #tpu.memory_space<vmem>>
        %dma_start3A_577 = tpu.memref_slice %arg3[%multiple_of3A_572] : memref<640000xi32, #tpu.memory_space<hbm>> -> memref<80xi32, #tpu.memory_space<hbm>>
        %dma_start3A_578 = arith.constant 0 : i32
        %dma_start3A_579 = tpu.memref_slice %arg7[%dma_start3A_573, %dma_start3A_578] : memref<4x80xi32, #tpu.memory_space<vmem>> -> memref<1x80xi32, #tpu.memory_space<vmem>>
        %dma_start3A_580 = tpu.memref_squeeze %dma_start3A_579 : memref<1x80xi32, #tpu.memory_space<vmem>> -> memref<80xi32, #tpu.memory_space<vmem>>
        %dma_start3A_581 = tpu.memref_slice %arg3[%multiple_of3A_572] : memref<640000xi32, #tpu.memory_space<hbm>> -> memref<80xi32, #tpu.memory_space<hbm>>
        tpu.enqueue_dma source(%dma_start3A_581 : memref<80xi32, #tpu.memory_space<hbm>>) target(%dma_start3A_580 : memref<80xi32, #tpu.memory_space<vmem>>) target_semaphore(%arg19 : memref<!tpu.dma_semaphore, #tpu.memory_space<semaphore_mem>>)
      } else {
      }
      %mul3A_542 = arith.constant 4 : i32
      %mul3A_543 = arith.muli %scan3A_279, %mul3A_542 : i32
      %add3A_544 = arith.constant 4 : i32
      %add3A_545 = arith.addi %mul3A_543, %add3A_544 : i32
      %sub3A_546 = arith.constant 1 : i32
      %sub3A_547 = arith.subi %add3A_545, %sub3A_546 : i32
      %dma_wait3A_548 = arith.constant 3 : i32
      %dma_wait3A_549 = arith.constant 3 : i32
      %dma_wait3A_550 = arith.constant 0 : i32
      %dma_wait3A_551 = arith.constant 0 : i32
      %dma_wait3A_552 = tpu.memref_slice %arg9[%dma_wait3A_548, %dma_wait3A_550, %dma_wait3A_551] : memref<4x80x128xf32, #tpu.memory_space<vmem>> -> memref<1x80x128xf32, #tpu.memory_space<vmem>>
      %dma_wait3A_553 = tpu.memref_squeeze %dma_wait3A_552 : memref<1x80x128xf32, #tpu.memory_space<vmem>> -> memref<80x128xf32, #tpu.memory_space<vmem>>
      %dma_wait3A_554 = arith.constant 0 : i32
      %dma_wait3A_555 = tpu.memref_slice %arg8[%dma_wait3A_549, %dma_wait3A_554] : memref<4x80xi32, #tpu.memory_space<vmem>> -> memref<1x80xi32, #tpu.memory_space<vmem>>
      %dma_wait3A_556 = tpu.memref_squeeze %dma_wait3A_555 : memref<1x80xi32, #tpu.memory_space<vmem>> -> memref<80xi32, #tpu.memory_space<vmem>>
      %dma_wait3A_557 = arith.constant 0 : i32
      %dma_wait3A_558 = arith.constant 0 : i32
      %dma_wait3A_559 = tpu.memref_slice %arg6[%dma_wait3A_557, %dma_wait3A_558] : memref<10000x128xf32, #tpu.memory_space<vmem_shared>> -> memref<10000x128xf32, #tpu.memory_space<vmem_shared>>
      tpu.wait_indirect_dma semaphore(%arg27 : memref<!tpu.dma_semaphore, #tpu.memory_space<semaphore_mem>>) src(%dma_wait3A_553 : memref<80x128xf32, #tpu.memory_space<vmem>>) dst(%dma_wait3A_559 : memref<10000x128xf32, #tpu.memory_space<vmem_shared>>)
      %add3A_560 = arith.constant 4 : i32
      %add3A_561 = arith.addi %sub3A_547, %add3A_560 : i32
      %lt3A_562 = arith.constant 125 : i32
      %lt3A_563 = arith.cmpi slt, %add3A_561, %lt3A_562 : i32
      %convert_element_type3A_564 = arith.extui %lt3A_563 : i1 to i32
      %cond3A_565 = arith.constant 0 : i32
      %cond3A_566 = arith.cmpi ne, %convert_element_type3A_564, %cond3A_565 : i32
      scf.if %cond3A_566 {
        %mul3A_567 = arith.constant 80 : i32
        %mul3A_568 = arith.muli %add3A_561, %mul3A_567 : i32
        %add3A_569 = arith.addi %mul3A_2, %mul3A_568 : i32
        %multiple_of3A_570 = tpu.assume_multiple %add3A_569, 8 : i32
        %dma_wait3A_571 = arith.constant 3 : i32
        %dma_wait3A_572 = arith.constant 0 : i32
        %dma_wait3A_573 = tpu.memref_slice %arg7[%dma_wait3A_571, %dma_wait3A_572] : memref<4x80xi32, #tpu.memory_space<vmem>> -> memref<1x80xi32, #tpu.memory_space<vmem>>
        %dma_wait3A_574 = tpu.memref_squeeze %dma_wait3A_573 : memref<1x80xi32, #tpu.memory_space<vmem>> -> memref<80xi32, #tpu.memory_space<vmem>>
        %dma_wait3A_575 = tpu.memref_slice %arg3[%multiple_of3A_570] : memref<640000xi32, #tpu.memory_space<hbm>> -> memref<80xi32, #tpu.memory_space<hbm>>
        %dma_wait3A_576 = arith.constant 0 : i32
        %dma_wait3A_577 = tpu.memref_slice %arg7[%dma_wait3A_571, %dma_wait3A_576] : memref<4x80xi32, #tpu.memory_space<vmem>> -> memref<1x80xi32, #tpu.memory_space<vmem>>
        %dma_wait3A_578 = tpu.memref_squeeze %dma_wait3A_577 : memref<1x80xi32, #tpu.memory_space<vmem>> -> memref<80xi32, #tpu.memory_space<vmem>>
        %dma_wait3A_579 = tpu.memref_slice %arg3[%multiple_of3A_570] : memref<640000xi32, #tpu.memory_space<hbm>> -> memref<80xi32, #tpu.memory_space<hbm>>
        tpu.wait_dma2 semaphore(%arg19 : memref<!tpu.dma_semaphore, #tpu.memory_space<semaphore_mem>>) src(%dma_wait3A_579 : memref<80xi32, #tpu.memory_space<hbm>>) dst(%dma_wait3A_578 : memref<80xi32, #tpu.memory_space<vmem>>)
        %dma_start3A_580 = arith.constant 3 : i32
        %dma_start3A_581 = arith.constant 3 : i32
        %dma_start3A_582 = arith.constant 0 : i32
        %dma_start3A_583 = arith.constant 0 : i32
        %dma_start3A_584 = tpu.memref_slice %arg9[%dma_start3A_581, %dma_start3A_582, %dma_start3A_583] : memref<4x80x128xf32, #tpu.memory_space<vmem>> -> memref<1x80x128xf32, #tpu.memory_space<vmem>>
        %dma_start3A_585 = tpu.memref_squeeze %dma_start3A_584 : memref<1x80x128xf32, #tpu.memory_space<vmem>> -> memref<80x128xf32, #tpu.memory_space<vmem>>
        %dma_start3A_586 = arith.constant 0 : i32
        %dma_start3A_587 = tpu.memref_slice %arg7[%dma_start3A_580, %dma_start3A_586] : memref<4x80xi32, #tpu.memory_space<vmem>> -> memref<1x80xi32, #tpu.memory_space<vmem>>
        %dma_start3A_588 = tpu.memref_squeeze %dma_start3A_587 : memref<1x80xi32, #tpu.memory_space<vmem>> -> memref<80xi32, #tpu.memory_space<vmem>>
        %dma_start3A_589 = arith.constant 0 : i32
        %dma_start3A_590 = arith.constant 0 : i32
        %dma_start3A_591 = tpu.memref_slice %arg2[%dma_start3A_589, %dma_start3A_590] : memref<10000x128xf32, #tpu.memory_space<hbm>> -> memref<10000x128xf32, #tpu.memory_space<hbm>>
        tpu.enqueue_indirect_dma source(%dma_start3A_591 : memref<10000x128xf32, #tpu.memory_space<hbm>>) target(%dma_start3A_585 : memref<80x128xf32, #tpu.memory_space<vmem>>) offsets(%dma_start3A_588 : memref<80xi32, #tpu.memory_space<vmem>>) semaphore(%arg15 : memref<!tpu.dma_semaphore, #tpu.memory_space<semaphore_mem>>)
        %add3A_592 = arith.constant 320000 : i32
        %add3A_593 = arith.addi %add3A_592, %mul3A_2 : i32
        %mul3A_594 = arith.constant 80 : i32
        %mul3A_595 = arith.muli %add3A_561, %mul3A_594 : i32
        %add3A_596 = arith.addi %add3A_593, %mul3A_595 : i32
        %multiple_of3A_597 = tpu.assume_multiple %add3A_596, 8 : i32
        %dma_start3A_598 = arith.constant 3 : i32
        %dma_start3A_599 = arith.constant 0 : i32
        %dma_start3A_600 = tpu.memref_slice %arg8[%dma_start3A_598, %dma_start3A_599] : memref<4x80xi32, #tpu.memory_space<vmem>> -> memref<1x80xi32, #tpu.memory_space<vmem>>
        %dma_start3A_601 = tpu.memref_squeeze %dma_start3A_600 : memref<1x80xi32, #tpu.memory_space<vmem>> -> memref<80xi32, #tpu.memory_space<vmem>>
        %dma_start3A_602 = tpu.memref_slice %arg3[%multiple_of3A_597] : memref<640000xi32, #tpu.memory_space<hbm>> -> memref<80xi32, #tpu.memory_space<hbm>>
        %dma_start3A_603 = arith.constant 0 : i32
        %dma_start3A_604 = tpu.memref_slice %arg8[%dma_start3A_598, %dma_start3A_603] : memref<4x80xi32, #tpu.memory_space<vmem>> -> memref<1x80xi32, #tpu.memory_space<vmem>>
        %dma_start3A_605 = tpu.memref_squeeze %dma_start3A_604 : memref<1x80xi32, #tpu.memory_space<vmem>> -> memref<80xi32, #tpu.memory_space<vmem>>
        %dma_start3A_606 = tpu.memref_slice %arg3[%multiple_of3A_597] : memref<640000xi32, #tpu.memory_space<hbm>> -> memref<80xi32, #tpu.memory_space<hbm>>
        tpu.enqueue_dma source(%dma_start3A_606 : memref<80xi32, #tpu.memory_space<hbm>>) target(%dma_start3A_605 : memref<80xi32, #tpu.memory_space<vmem>>) target_semaphore(%arg23 : memref<!tpu.dma_semaphore, #tpu.memory_space<semaphore_mem>>)
      } else {
      }
    }
    %scan3A_218 = arith.constant 31 : i32
    %dma_wait3A_219 = arith.constant 0 : i32
    %dma_wait3A_220 = arith.constant 0 : i32
    %dma_wait3A_221 = arith.constant 0 : i32
    %dma_wait3A_222 = arith.constant 0 : i32
    %dma_wait3A_223 = tpu.memref_slice %arg9[%dma_wait3A_220, %dma_wait3A_221, %dma_wait3A_222] : memref<4x80x128xf32, #tpu.memory_space<vmem>> -> memref<1x80x128xf32, #tpu.memory_space<vmem>>
    %dma_wait3A_224 = tpu.memref_squeeze %dma_wait3A_223 : memref<1x80x128xf32, #tpu.memory_space<vmem>> -> memref<80x128xf32, #tpu.memory_space<vmem>>
    %dma_wait3A_225 = arith.constant 0 : i32
    %dma_wait3A_226 = tpu.memref_slice %arg7[%dma_wait3A_219, %dma_wait3A_225] : memref<4x80xi32, #tpu.memory_space<vmem>> -> memref<1x80xi32, #tpu.memory_space<vmem>>
    %dma_wait3A_227 = tpu.memref_squeeze %dma_wait3A_226 : memref<1x80xi32, #tpu.memory_space<vmem>> -> memref<80xi32, #tpu.memory_space<vmem>>
    %dma_wait3A_228 = arith.constant 0 : i32
    %dma_wait3A_229 = arith.constant 0 : i32
    %dma_wait3A_230 = tpu.memref_slice %arg2[%dma_wait3A_228, %dma_wait3A_229] : memref<10000x128xf32, #tpu.memory_space<hbm>> -> memref<10000x128xf32, #tpu.memory_space<hbm>>
    tpu.wait_indirect_dma semaphore(%arg12 : memref<!tpu.dma_semaphore, #tpu.memory_space<semaphore_mem>>) src(%dma_wait3A_230 : memref<10000x128xf32, #tpu.memory_space<hbm>>) dst(%dma_wait3A_224 : memref<80x128xf32, #tpu.memory_space<vmem>>)
    %add3A_231 = arith.constant 320000 : i32
    %add3A_232 = arith.addi %add3A_231, %mul3A_2 : i32
    %add3A_233 = arith.constant 9920 : i32
    %add3A_234 = arith.addi %add3A_232, %add3A_233 : i32
    %multiple_of3A_235 = tpu.assume_multiple %add3A_234, 8 : i32
    %dma_wait3A_236 = arith.constant 0 : i32
    %dma_wait3A_237 = arith.constant 0 : i32
    %dma_wait3A_238 = tpu.memref_slice %arg8[%dma_wait3A_236, %dma_wait3A_237] : memref<4x80xi32, #tpu.memory_space<vmem>> -> memref<1x80xi32, #tpu.memory_space<vmem>>
    %dma_wait3A_239 = tpu.memref_squeeze %dma_wait3A_238 : memref<1x80xi32, #tpu.memory_space<vmem>> -> memref<80xi32, #tpu.memory_space<vmem>>
    %dma_wait3A_240 = tpu.memref_slice %arg3[%multiple_of3A_235] : memref<640000xi32, #tpu.memory_space<hbm>> -> memref<80xi32, #tpu.memory_space<hbm>>
    %dma_wait3A_241 = arith.constant 0 : i32
    %dma_wait3A_242 = tpu.memref_slice %arg8[%dma_wait3A_236, %dma_wait3A_241] : memref<4x80xi32, #tpu.memory_space<vmem>> -> memref<1x80xi32, #tpu.memory_space<vmem>>
    %dma_wait3A_243 = tpu.memref_squeeze %dma_wait3A_242 : memref<1x80xi32, #tpu.memory_space<vmem>> -> memref<80xi32, #tpu.memory_space<vmem>>
    %dma_wait3A_244 = tpu.memref_slice %arg3[%multiple_of3A_235] : memref<640000xi32, #tpu.memory_space<hbm>> -> memref<80xi32, #tpu.memory_space<hbm>>
    tpu.wait_dma2 semaphore(%arg20 : memref<!tpu.dma_semaphore, #tpu.memory_space<semaphore_mem>>) src(%dma_wait3A_244 : memref<80xi32, #tpu.memory_space<hbm>>) dst(%dma_wait3A_243 : memref<80xi32, #tpu.memory_space<vmem>>)
    %dma_start3A_245 = arith.constant 0 : i32
    %dma_start3A_246 = arith.constant 0 : i32
    %dma_start3A_247 = arith.constant 0 : i32
    %dma_start3A_248 = arith.constant 0 : i32
    %dma_start3A_249 = tpu.memref_slice %arg9[%dma_start3A_245, %dma_start3A_247, %dma_start3A_248] : memref<4x80x128xf32, #tpu.memory_space<vmem>> -> memref<1x80x128xf32, #tpu.memory_space<vmem>>
    %dma_start3A_250 = tpu.memref_squeeze %dma_start3A_249 : memref<1x80x128xf32, #tpu.memory_space<vmem>> -> memref<80x128xf32, #tpu.memory_space<vmem>>
    %dma_start3A_251 = arith.constant 0 : i32
    %dma_start3A_252 = tpu.memref_slice %arg8[%dma_start3A_246, %dma_start3A_251] : memref<4x80xi32, #tpu.memory_space<vmem>> -> memref<1x80xi32, #tpu.memory_space<vmem>>
    %dma_start3A_253 = tpu.memref_squeeze %dma_start3A_252 : memref<1x80xi32, #tpu.memory_space<vmem>> -> memref<80xi32, #tpu.memory_space<vmem>>
    %dma_start3A_254 = arith.constant 0 : i32
    %dma_start3A_255 = arith.constant 0 : i32
    %dma_start3A_256 = tpu.memref_slice %arg6[%dma_start3A_254, %dma_start3A_255] : memref<10000x128xf32, #tpu.memory_space<vmem_shared>> -> memref<10000x128xf32, #tpu.memory_space<vmem_shared>>
    tpu.enqueue_indirect_dma source(%dma_start3A_250 : memref<80x128xf32, #tpu.memory_space<vmem>>) target(%dma_start3A_256 : memref<10000x128xf32, #tpu.memory_space<vmem_shared>>) offsets(%dma_start3A_253 : memref<80xi32, #tpu.memory_space<vmem>>) semaphore(%arg24 : memref<!tpu.dma_semaphore, #tpu.memory_space<semaphore_mem>>) {add = true}
    %dma_wait3A_257 = arith.constant 0 : i32
    %dma_wait3A_258 = arith.constant 0 : i32
    %dma_wait3A_259 = arith.constant 0 : i32
    %dma_wait3A_260 = arith.constant 0 : i32
    %dma_wait3A_261 = tpu.memref_slice %arg9[%dma_wait3A_257, %dma_wait3A_259, %dma_wait3A_260] : memref<4x80x128xf32, #tpu.memory_space<vmem>> -> memref<1x80x128xf32, #tpu.memory_space<vmem>>
    %dma_wait3A_262 = tpu.memref_squeeze %dma_wait3A_261 : memref<1x80x128xf32, #tpu.memory_space<vmem>> -> memref<80x128xf32, #tpu.memory_space<vmem>>
    %dma_wait3A_263 = arith.constant 0 : i32
    %dma_wait3A_264 = tpu.memref_slice %arg8[%dma_wait3A_258, %dma_wait3A_263] : memref<4x80xi32, #tpu.memory_space<vmem>> -> memref<1x80xi32, #tpu.memory_space<vmem>>
    %dma_wait3A_265 = tpu.memref_squeeze %dma_wait3A_264 : memref<1x80xi32, #tpu.memory_space<vmem>> -> memref<80xi32, #tpu.memory_space<vmem>>
    %dma_wait3A_266 = arith.constant 0 : i32
    %dma_wait3A_267 = arith.constant 0 : i32
    %dma_wait3A_268 = tpu.memref_slice %arg6[%dma_wait3A_266, %dma_wait3A_267] : memref<10000x128xf32, #tpu.memory_space<vmem_shared>> -> memref<10000x128xf32, #tpu.memory_space<vmem_shared>>
    tpu.wait_indirect_dma semaphore(%arg24 : memref<!tpu.dma_semaphore, #tpu.memory_space<semaphore_mem>>) src(%dma_wait3A_262 : memref<80x128xf32, #tpu.memory_space<vmem>>) dst(%dma_wait3A_268 : memref<10000x128xf32, #tpu.memory_space<vmem_shared>>)
    %barrier3A_269 = arith.constant 0 : index
    tpu.barrier barrier_id(%barrier3A_269)
    %lt3A = arith.constant 15 : i32
    %lt3A_270 = arith.cmpi slt, %arg1, %lt3A : i32
    %convert_element_type3A_271 = arith.extui %lt3A_270 : i1 to i32
    %cond3A_272 = arith.constant 0 : i32
    %cond3A_273 = arith.cmpi ne, %convert_element_type3A_271, %cond3A_272 : i32
    scf.if %cond3A_273 {
      %mul3A_279 = arith.constant 632 : i32
      %mul3A_280 = arith.muli %arg1, %mul3A_279 : i32
      %mul3A_281 = arith.constant 10000 : i32
      %mul3A_282 = arith.muli %arg0, %mul3A_281 : i32
      %mul3A_283 = arith.constant 632 : i32
      %mul3A_284 = arith.muli %arg1, %mul3A_283 : i32
      %add3A_285 = arith.addi %mul3A_282, %mul3A_284 : i32
      "tpu.region"() ({
        %run_scoped3A_286 = tpu.sem_alloc : memref<!tpu.dma_semaphore, #tpu.memory_space<semaphore_mem>>
        %dma_start3A_287 = arith.constant 0 : i32
        %dma_start3A_288 = tpu.memref_slice %arg5[%add3A_285, %dma_start3A_287] : memref<20000x128xf32, #tpu.memory_space<hbm>> -> memref<632x128xf32, #tpu.memory_space<hbm>>
        %dma_start3A_289 = arith.constant 0 : i32
        %dma_start3A_290 = tpu.memref_slice %arg6[%mul3A_280, %dma_start3A_289] : memref<10000x128xf32, #tpu.memory_space<vmem_shared>> -> memref<632x128xf32, #tpu.memory_space<vmem_shared>>
        tpu.enqueue_dma source(%dma_start3A_290 : memref<632x128xf32, #tpu.memory_space<vmem_shared>>) target(%dma_start3A_288 : memref<632x128xf32, #tpu.memory_space<hbm>>) target_semaphore(%run_scoped3A_286 : memref<!tpu.dma_semaphore, #tpu.memory_space<semaphore_mem>>)
        %dma_wait3A_291 = arith.constant 0 : i32
        %dma_wait3A_292 = tpu.memref_slice %arg5[%add3A_285, %dma_wait3A_291] : memref<20000x128xf32, #tpu.memory_space<hbm>> -> memref<632x128xf32, #tpu.memory_space<hbm>>
        %dma_wait3A_293 = arith.constant 0 : i32
        %dma_wait3A_294 = tpu.memref_slice %arg6[%mul3A_280, %dma_wait3A_293] : memref<10000x128xf32, #tpu.memory_space<vmem_shared>> -> memref<632x128xf32, #tpu.memory_space<vmem_shared>>
        tpu.wait_dma2 semaphore(%run_scoped3A_286 : memref<!tpu.dma_semaphore, #tpu.memory_space<semaphore_mem>>) src(%dma_wait3A_294 : memref<632x128xf32, #tpu.memory_space<vmem_shared>>) dst(%dma_wait3A_292 : memref<632x128xf32, #tpu.memory_space<hbm>>)
        tpu.yield
      }) : () -> ()
    } else {
    }
    %eq3A_274 = arith.constant 15 : i32
    %eq3A_275 = arith.cmpi eq, %arg1, %eq3A_274 : i32
    %convert_element_type3A_276 = arith.extui %eq3A_275 : i1 to i32
    %cond3A_277 = arith.constant 0 : i32
    %cond3A_278 = arith.cmpi ne, %convert_element_type3A_276, %cond3A_277 : i32
    scf.if %cond3A_278 {
      %mul3A_279 = arith.constant 632 : i32
      %mul3A_280 = arith.muli %arg1, %mul3A_279 : i32
      %mul3A_281 = arith.constant 10000 : i32
      %mul3A_282 = arith.muli %arg0, %mul3A_281 : i32
      %mul3A_283 = arith.constant 632 : i32
      %mul3A_284 = arith.muli %arg1, %mul3A_283 : i32
      %add3A_285 = arith.addi %mul3A_282, %mul3A_284 : i32
      "tpu.region"() ({
        %run_scoped3A_286 = tpu.sem_alloc : memref<!tpu.dma_semaphore, #tpu.memory_space<semaphore_mem>>
        %dma_start3A_287 = arith.constant 0 : i32
        %dma_start3A_288 = tpu.memref_slice %arg5[%add3A_285, %dma_start3A_287] : memref<20000x128xf32, #tpu.memory_space<hbm>> -> memref<520x128xf32, #tpu.memory_space<hbm>>
        %dma_start3A_289 = arith.constant 0 : i32
        %dma_start3A_290 = tpu.memref_slice %arg6[%mul3A_280, %dma_start3A_289] : memref<10000x128xf32, #tpu.memory_space<vmem_shared>> -> memref<520x128xf32, #tpu.memory_space<vmem_shared>>
        tpu.enqueue_dma source(%dma_start3A_290 : memref<520x128xf32, #tpu.memory_space<vmem_shared>>) target(%dma_start3A_288 : memref<520x128xf32, #tpu.memory_space<hbm>>) target_semaphore(%run_scoped3A_286 : memref<!tpu.dma_semaphore, #tpu.memory_space<semaphore_mem>>)
        %dma_wait3A_291 = arith.constant 0 : i32
        %dma_wait3A_292 = tpu.memref_slice %arg5[%add3A_285, %dma_wait3A_291] : memref<20000x128xf32, #tpu.memory_space<hbm>> -> memref<520x128xf32, #tpu.memory_space<hbm>>
        %dma_wait3A_293 = arith.constant 0 : i32
        %dma_wait3A_294 = tpu.memref_slice %arg6[%mul3A_280, %dma_wait3A_293] : memref<10000x128xf32, #tpu.memory_space<vmem_shared>> -> memref<520x128xf32, #tpu.memory_space<vmem_shared>>
        tpu.wait_dma2 semaphore(%run_scoped3A_286 : memref<!tpu.dma_semaphore, #tpu.memory_space<semaphore_mem>>) src(%dma_wait3A_294 : memref<520x128xf32, #tpu.memory_space<vmem_shared>>) dst(%dma_wait3A_292 : memref<520x128xf32, #tpu.memory_space<hbm>>)
        tpu.yield
      }) : () -> ()
    } else {
    }
    return
  }
}

module attributes {stable_mosaic.version = 14 : i64} {
  func.func @fused(%arg0: i32, %arg1: i32, %arg2: memref<2000x128xf32, #tpu.memory_space<vmem>>, %arg3: memref<2000x128xf32, #tpu.memory_space<vmem>>, %arg4: memref<2000x128xf32, #tpu.memory_space<vmem>>, %arg5: memref<1xf32, #tpu.memory_space<smem>>, %arg6: memref<128x128xf32, #tpu.memory_space<vmem>>, %arg7: memref<1x128xf32, #tpu.memory_space<vmem>>, %arg8: memref<1x128xf32, #tpu.memory_space<vmem>>, %arg9: memref<1x128xf32, #tpu.memory_space<vmem>>, %arg10: memref<128x128xf32, #tpu.memory_space<vmem>>, %arg11: memref<1x128xf32, #tpu.memory_space<vmem>>, %arg12: memref<1x128xf32, #tpu.memory_space<vmem>>, %arg13: memref<1x128xf32, #tpu.memory_space<vmem>>, %arg14: memref<2000x128xf32, #tpu.memory_space<vmem>>, %arg15: memref<10000x128xf32, #tpu.memory_space<vmem>>, %arg16: memref<4x128xf32, #tpu.memory_space<vmem>>) attributes {dimension_semantics = [#tpu.dimension_semantics<arbitrary>, #tpu.dimension_semantics<arbitrary>], iteration_bounds = array<i64: 3, 5>, scalar_prefetch = 0 : i64, scratch_operands = 2 : i64, tpu.core_type = #tpu.core_type<tc>, window_params = [{transform_indices = @transform_0, window_bounds = array<i64: 2000, 128>}, {transform_indices = @transform_1, window_bounds = array<i64: 2000, 128>}, {transform_indices = @transform_2, window_bounds = array<i64: 2000, 128>}, {transform_indices = @transform_3, window_bounds = array<i64: 1>}, {pipeline_mode = #tpu.pipeline_mode<synchronous>, transform_indices = @transform_4, window_bounds = array<i64: 128, 128>}, {pipeline_mode = #tpu.pipeline_mode<synchronous>, transform_indices = @transform_5, window_bounds = array<i64: 1, 128>}, {pipeline_mode = #tpu.pipeline_mode<synchronous>, transform_indices = @transform_6, window_bounds = array<i64: 1, 128>}, {pipeline_mode = #tpu.pipeline_mode<synchronous>, transform_indices = @transform_7, window_bounds = array<i64: 1, 128>}, {pipeline_mode = #tpu.pipeline_mode<synchronous>, transform_indices = @transform_8, window_bounds = array<i64: 128, 128>}, {pipeline_mode = #tpu.pipeline_mode<synchronous>, transform_indices = @transform_9, window_bounds = array<i64: 1, 128>}, {pipeline_mode = #tpu.pipeline_mode<synchronous>, transform_indices = @transform_10, window_bounds = array<i64: 1, 128>}, {pipeline_mode = #tpu.pipeline_mode<synchronous>, transform_indices = @transform_11, window_bounds = array<i64: 1, 128>}, {transform_indices = @transform_12, window_bounds = array<i64: 2000, 128>}]} {
    %mul3A = arith.constant 2000 : i32
    %mul3A_0 = arith.muli %arg1, %mul3A : i32
    %eq3A = arith.constant 0 : i32
    %eq3A_1 = arith.cmpi eq, %arg0, %eq3A : i32
    %convert_element_type3A = arith.extui %eq3A_1 : i1 to i32
    %cond3A = arith.constant 0 : i32
    %cond3A_2 = arith.cmpi ne, %convert_element_type3A, %cond3A : i32
    scf.if %cond3A_2 {
      %eq3A_13 = arith.constant 0 : i32
      %eq3A_14 = arith.cmpi eq, %arg1, %eq3A_13 : i32
      %convert_element_type3A_15 = arith.extui %eq3A_14 : i1 to i32
      %cond3A_16 = arith.constant 0 : i32
      %cond3A_17 = arith.cmpi ne, %convert_element_type3A_15, %cond3A_16 : i32
      scf.if %cond3A_17 {
        %broadcast_in_dim3A_63 = arith.constant 0.000000e+00 : f32
        %broadcast_in_dim3A_64 = vector.broadcast %broadcast_in_dim3A_63 : f32 to vector<4x128xf32>
        %swap3A_65 = arith.constant 0 : index
        %swap3A_66 = arith.constant 0 : index
        %swap3A_67 = vector.load %arg16[%swap3A_65, %swap3A_66] : memref<4x128xf32, #tpu.memory_space<vmem>>, vector<4x128xf32>
        tpu.vector_store %arg16[%swap3A_65, %swap3A_66], %broadcast_in_dim3A_64 {strides = array<i32>} : memref<4x128xf32, #tpu.memory_space<vmem>>, vector<4x128xf32>,
      } else {
      }
      %get3A = arith.constant 0 : index
      %get3A_18 = memref.load %arg5[%get3A] : memref<1xf32, #tpu.memory_space<smem>>
      %add3A = arith.constant 1.000000e+00 : f32
      %add3A_19 = arith.addf %add3A, %get3A_18 : f32
      %get3A_20 = arith.constant 0 : index
      %get3A_21 = arith.constant 0 : index
      %get3A_22 = vector.load %arg2[%get3A_20, %get3A_21] : memref<2000x128xf32, #tpu.memory_space<vmem>>, vector<2000x128xf32>
      %mul3A_23 = vector.broadcast %add3A_19 : f32 to vector<2000x128xf32>
      %mul3A_24 = arith.mulf %mul3A_23, %get3A_22 : vector<2000x128xf32>
      %get3A_25 = arith.constant 0 : index
      %get3A_26 = arith.constant 0 : index
      %get3A_27 = vector.load %arg3[%get3A_25, %get3A_26] : memref<2000x128xf32, #tpu.memory_space<vmem>>, vector<2000x128xf32>
      %add3A_28 = arith.addf %mul3A_24, %get3A_27 : vector<2000x128xf32>
      %get3A_29 = arith.constant 0 : index
      %get3A_30 = arith.constant 0 : index
      %get3A_31 = vector.load %arg4[%get3A_29, %get3A_30] : memref<2000x128xf32, #tpu.memory_space<vmem>>, vector<2000x128xf32>
      %add3A_32 = arith.addf %add3A_28, %get3A_31 : vector<2000x128xf32>
      %get3A_33 = arith.constant 0 : index
      %get3A_34 = arith.constant 0 : index
      %get3A_35 = vector.load %arg6[%get3A_33, %get3A_34] : memref<128x128xf32, #tpu.memory_space<vmem>>, vector<128x128xf32>
      %dot_general3A = arith.constant dense<0.000000e+00> : vector<2000x128xf32>
      %dot_general3A_36 = tpu.matmul %add3A_32, %get3A_35, %dot_general3A {dimension_numbers = #tpu.dot_dimension_numbers<[1], [0], [0], [1], [0, 0, 1, 1], [], []>, transpose_lhs_hint = false} : vector<2000x128xf32>, vector<128x128xf32>, vector<2000x128xf32> -> vector<2000x128xf32>
      %get3A_37 = arith.constant 0 : index
      %get3A_38 = arith.constant 0 : index
      %get3A_39 = vector.load %arg7[%get3A_37, %get3A_38] : memref<1x128xf32, #tpu.memory_space<vmem>>, vector<1x128xf32>
      %add3A_40 = vector.broadcast %get3A_39 : vector<1x128xf32> to vector<2000x128xf32>
      %add3A_41 = arith.addf %dot_general3A_36, %add3A_40 : vector<2000x128xf32>
      %swap3A = arith.index_cast %mul3A_0 : i32 to index
      %swap3A_42 = arith.constant 0 : index
      %swap3A_43 = vector.load %arg15[%swap3A, %swap3A_42] : memref<10000x128xf32, #tpu.memory_space<vmem>>, vector<2000x128xf32>
      tpu.vector_store %arg15[%swap3A, %swap3A_42], %add3A_41 {strides = array<i32>} : memref<10000x128xf32, #tpu.memory_space<vmem>>, vector<2000x128xf32>,
      %get3A_44 = arith.constant 0 : index
      %get3A_45 = arith.constant 0 : index
      %get3A_46 = vector.load %arg16[%get3A_44, %get3A_45] : memref<4x128xf32, #tpu.memory_space<vmem>>, vector<1x128xf32>
      %reduce_sum3A = arith.constant dense<0.000000e+00> : vector<128xf32>
      %reduce_sum3A_47 = vector.multi_reduction <add>, %add3A_41, %reduce_sum3A [0] : vector<2000x128xf32> to vector<128xf32>
      %broadcast_in_dim3A = vector.shape_cast %reduce_sum3A_47 : vector<128xf32> to vector<1x128xf32>
      %add3A_48 = arith.addf %get3A_46, %broadcast_in_dim3A : vector<1x128xf32>
      %swap3A_49 = arith.constant 0 : index
      %swap3A_50 = arith.constant 0 : index
      %swap3A_51 = vector.load %arg16[%swap3A_49, %swap3A_50] : memref<4x128xf32, #tpu.memory_space<vmem>>, vector<1x128xf32>
      tpu.vector_store %arg16[%swap3A_49, %swap3A_50], %add3A_48 {strides = array<i32>} : memref<4x128xf32, #tpu.memory_space<vmem>>, vector<1x128xf32>,
      %get3A_52 = arith.constant 1 : index
      %get3A_53 = arith.constant 0 : index
      %get3A_54 = vector.load %arg16[%get3A_52, %get3A_53] : memref<4x128xf32, #tpu.memory_space<vmem>>, vector<1x128xf32>
      %mul3A_55 = arith.mulf %add3A_41, %add3A_41 : vector<2000x128xf32>
      %reduce_sum3A_56 = arith.constant dense<0.000000e+00> : vector<128xf32>
      %reduce_sum3A_57 = vector.multi_reduction <add>, %mul3A_55, %reduce_sum3A_56 [0] : vector<2000x128xf32> to vector<128xf32>
      %broadcast_in_dim3A_58 = vector.shape_cast %reduce_sum3A_57 : vector<128xf32> to vector<1x128xf32>
      %add3A_59 = arith.addf %get3A_54, %broadcast_in_dim3A_58 : vector<1x128xf32>
      %swap3A_60 = arith.constant 1 : index
      %swap3A_61 = arith.constant 0 : index
      %swap3A_62 = vector.load %arg16[%swap3A_60, %swap3A_61] : memref<4x128xf32, #tpu.memory_space<vmem>>, vector<1x128xf32>
      tpu.vector_store %arg16[%swap3A_60, %swap3A_61], %add3A_59 {strides = array<i32>} : memref<4x128xf32, #tpu.memory_space<vmem>>, vector<1x128xf32>,
    } else {
    }
    %eq3A_3 = arith.constant 1 : i32
    %eq3A_4 = arith.cmpi eq, %arg0, %eq3A_3 : i32
    %convert_element_type3A_5 = arith.extui %eq3A_4 : i1 to i32
    %cond3A_6 = arith.constant 0 : i32
    %cond3A_7 = arith.cmpi ne, %convert_element_type3A_5, %cond3A_6 : i32
    scf.if %cond3A_7 {
      %get3A = arith.constant 0 : index
      %get3A_13 = arith.constant 0 : index
      %get3A_14 = vector.load %arg16[%get3A, %get3A_13] : memref<4x128xf32, #tpu.memory_space<vmem>>, vector<1x128xf32>
      %mul3A_15 = arith.constant 9.99999974E-5 : f32
      %mul3A_16 = vector.broadcast %mul3A_15 : f32 to vector<1x128xf32>
      %mul3A_17 = arith.mulf %get3A_14, %mul3A_16 : vector<1x128xf32>
      %get3A_18 = arith.constant 1 : index
      %get3A_19 = arith.constant 0 : index
      %get3A_20 = vector.load %arg16[%get3A_18, %get3A_19] : memref<4x128xf32, #tpu.memory_space<vmem>>, vector<1x128xf32>
      %mul3A_21 = arith.constant 9.99999974E-5 : f32
      %mul3A_22 = vector.broadcast %mul3A_21 : f32 to vector<1x128xf32>
      %mul3A_23 = arith.mulf %get3A_20, %mul3A_22 : vector<1x128xf32>
      %mul3A_24 = arith.mulf %mul3A_17, %mul3A_17 : vector<1x128xf32>
      %sub3A = arith.subf %mul3A_23, %mul3A_24 : vector<1x128xf32>
      %add3A = arith.constant 9.99999974E-6 : f32
      %add3A_25 = vector.broadcast %add3A : f32 to vector<1x128xf32>
      %add3A_26 = arith.addf %sub3A, %add3A_25 : vector<1x128xf32>
      %rsqrt3A = math.rsqrt %add3A_26 : vector<1x128xf32>
      %get3A_27 = arith.constant 0 : index
      %get3A_28 = arith.constant 0 : index
      %get3A_29 = vector.load %arg8[%get3A_27, %get3A_28] : memref<1x128xf32, #tpu.memory_space<vmem>>, vector<1x128xf32>
      %mul3A_30 = arith.mulf %rsqrt3A, %get3A_29 : vector<1x128xf32>
      %get3A_31 = arith.index_cast %mul3A_0 : i32 to index
      %get3A_32 = arith.constant 0 : index
      %get3A_33 = vector.load %arg15[%get3A_31, %get3A_32] : memref<10000x128xf32, #tpu.memory_space<vmem>>, vector<2000x128xf32>
      %sub3A_34 = vector.broadcast %mul3A_17 : vector<1x128xf32> to vector<2000x128xf32>
      %sub3A_35 = arith.subf %get3A_33, %sub3A_34 : vector<2000x128xf32>
      %mul3A_36 = vector.broadcast %mul3A_30 : vector<1x128xf32> to vector<2000x128xf32>
      %mul3A_37 = arith.mulf %sub3A_35, %mul3A_36 : vector<2000x128xf32>
      %get3A_38 = arith.constant 0 : index
      %get3A_39 = arith.constant 0 : index
      %get3A_40 = vector.load %arg9[%get3A_38, %get3A_39] : memref<1x128xf32, #tpu.memory_space<vmem>>, vector<1x128xf32>
      %add3A_41 = vector.broadcast %get3A_40 : vector<1x128xf32> to vector<2000x128xf32>
      %add3A_42 = arith.addf %mul3A_37, %add3A_41 : vector<2000x128xf32>
      %max3A = arith.constant 0.000000e+00 : f32
      %max3A_43 = vector.broadcast %max3A : f32 to vector<2000x128xf32>
      %max3A_44 = arith.maximumf %add3A_42, %max3A_43 : vector<2000x128xf32>
      %get3A_45 = arith.constant 0 : index
      %get3A_46 = arith.constant 0 : index
      %get3A_47 = vector.load %arg10[%get3A_45, %get3A_46] : memref<128x128xf32, #tpu.memory_space<vmem>>, vector<128x128xf32>
      %dot_general3A = arith.constant dense<0.000000e+00> : vector<2000x128xf32>
      %dot_general3A_48 = tpu.matmul %max3A_44, %get3A_47, %dot_general3A {dimension_numbers = #tpu.dot_dimension_numbers<[1], [0], [0], [1], [0, 0, 1, 1], [], []>, transpose_lhs_hint = false} : vector<2000x128xf32>, vector<128x128xf32>, vector<2000x128xf32> -> vector<2000x128xf32>
      %get3A_49 = arith.constant 0 : index
      %get3A_50 = arith.constant 0 : index
      %get3A_51 = vector.load %arg11[%get3A_49, %get3A_50] : memref<1x128xf32, #tpu.memory_space<vmem>>, vector<1x128xf32>
      %add3A_52 = vector.broadcast %get3A_51 : vector<1x128xf32> to vector<2000x128xf32>
      %add3A_53 = arith.addf %dot_general3A_48, %add3A_52 : vector<2000x128xf32>
      %swap3A = arith.index_cast %mul3A_0 : i32 to index
      %swap3A_54 = arith.constant 0 : index
      %swap3A_55 = vector.load %arg15[%swap3A, %swap3A_54] : memref<10000x128xf32, #tpu.memory_space<vmem>>, vector<2000x128xf32>
      tpu.vector_store %arg15[%swap3A, %swap3A_54], %add3A_53 {strides = array<i32>} : memref<10000x128xf32, #tpu.memory_space<vmem>>, vector<2000x128xf32>,
      %get3A_56 = arith.constant 2 : index
      %get3A_57 = arith.constant 0 : index
      %get3A_58 = vector.load %arg16[%get3A_56, %get3A_57] : memref<4x128xf32, #tpu.memory_space<vmem>>, vector<1x128xf32>
      %reduce_sum3A = arith.constant dense<0.000000e+00> : vector<128xf32>
      %reduce_sum3A_59 = vector.multi_reduction <add>, %add3A_53, %reduce_sum3A [0] : vector<2000x128xf32> to vector<128xf32>
      %broadcast_in_dim3A = vector.shape_cast %reduce_sum3A_59 : vector<128xf32> to vector<1x128xf32>
      %add3A_60 = arith.addf %get3A_58, %broadcast_in_dim3A : vector<1x128xf32>
      %swap3A_61 = arith.constant 2 : index
      %swap3A_62 = arith.constant 0 : index
      %swap3A_63 = vector.load %arg16[%swap3A_61, %swap3A_62] : memref<4x128xf32, #tpu.memory_space<vmem>>, vector<1x128xf32>
      tpu.vector_store %arg16[%swap3A_61, %swap3A_62], %add3A_60 {strides = array<i32>} : memref<4x128xf32, #tpu.memory_space<vmem>>, vector<1x128xf32>,
      %get3A_64 = arith.constant 3 : index
      %get3A_65 = arith.constant 0 : index
      %get3A_66 = vector.load %arg16[%get3A_64, %get3A_65] : memref<4x128xf32, #tpu.memory_space<vmem>>, vector<1x128xf32>
      %mul3A_67 = arith.mulf %add3A_53, %add3A_53 : vector<2000x128xf32>
      %reduce_sum3A_68 = arith.constant dense<0.000000e+00> : vector<128xf32>
      %reduce_sum3A_69 = vector.multi_reduction <add>, %mul3A_67, %reduce_sum3A_68 [0] : vector<2000x128xf32> to vector<128xf32>
      %broadcast_in_dim3A_70 = vector.shape_cast %reduce_sum3A_69 : vector<128xf32> to vector<1x128xf32>
      %add3A_71 = arith.addf %get3A_66, %broadcast_in_dim3A_70 : vector<1x128xf32>
      %swap3A_72 = arith.constant 3 : index
      %swap3A_73 = arith.constant 0 : index
      %swap3A_74 = vector.load %arg16[%swap3A_72, %swap3A_73] : memref<4x128xf32, #tpu.memory_space<vmem>>, vector<1x128xf32>
      tpu.vector_store %arg16[%swap3A_72, %swap3A_73], %add3A_71 {strides = array<i32>} : memref<4x128xf32, #tpu.memory_space<vmem>>, vector<1x128xf32>,
    } else {
    }
    %eq3A_8 = arith.constant 2 : i32
    %eq3A_9 = arith.cmpi eq, %arg0, %eq3A_8 : i32
    %convert_element_type3A_10 = arith.extui %eq3A_9 : i1 to i32
    %cond3A_11 = arith.constant 0 : i32
    %cond3A_12 = arith.cmpi ne, %convert_element_type3A_10, %cond3A_11 : i32
    scf.if %cond3A_12 {
      %get3A = arith.constant 2 : index
      %get3A_13 = arith.constant 0 : index
      %get3A_14 = vector.load %arg16[%get3A, %get3A_13] : memref<4x128xf32, #tpu.memory_space<vmem>>, vector<1x128xf32>
      %mul3A_15 = arith.constant 9.99999974E-5 : f32
      %mul3A_16 = vector.broadcast %mul3A_15 : f32 to vector<1x128xf32>
      %mul3A_17 = arith.mulf %get3A_14, %mul3A_16 : vector<1x128xf32>
      %get3A_18 = arith.constant 3 : index
      %get3A_19 = arith.constant 0 : index
      %get3A_20 = vector.load %arg16[%get3A_18, %get3A_19] : memref<4x128xf32, #tpu.memory_space<vmem>>, vector<1x128xf32>
      %mul3A_21 = arith.constant 9.99999974E-5 : f32
      %mul3A_22 = vector.broadcast %mul3A_21 : f32 to vector<1x128xf32>
      %mul3A_23 = arith.mulf %get3A_20, %mul3A_22 : vector<1x128xf32>
      %mul3A_24 = arith.mulf %mul3A_17, %mul3A_17 : vector<1x128xf32>
      %sub3A = arith.subf %mul3A_23, %mul3A_24 : vector<1x128xf32>
      %add3A = arith.constant 9.99999974E-6 : f32
      %add3A_25 = vector.broadcast %add3A : f32 to vector<1x128xf32>
      %add3A_26 = arith.addf %sub3A, %add3A_25 : vector<1x128xf32>
      %rsqrt3A = math.rsqrt %add3A_26 : vector<1x128xf32>
      %get3A_27 = arith.constant 0 : index
      %get3A_28 = arith.constant 0 : index
      %get3A_29 = vector.load %arg12[%get3A_27, %get3A_28] : memref<1x128xf32, #tpu.memory_space<vmem>>, vector<1x128xf32>
      %mul3A_30 = arith.mulf %rsqrt3A, %get3A_29 : vector<1x128xf32>
      %get3A_31 = arith.index_cast %mul3A_0 : i32 to index
      %get3A_32 = arith.constant 0 : index
      %get3A_33 = vector.load %arg15[%get3A_31, %get3A_32] : memref<10000x128xf32, #tpu.memory_space<vmem>>, vector<2000x128xf32>
      %sub3A_34 = vector.broadcast %mul3A_17 : vector<1x128xf32> to vector<2000x128xf32>
      %sub3A_35 = arith.subf %get3A_33, %sub3A_34 : vector<2000x128xf32>
      %mul3A_36 = vector.broadcast %mul3A_30 : vector<1x128xf32> to vector<2000x128xf32>
      %mul3A_37 = arith.mulf %sub3A_35, %mul3A_36 : vector<2000x128xf32>
      %get3A_38 = arith.constant 0 : index
      %get3A_39 = arith.constant 0 : index
      %get3A_40 = vector.load %arg13[%get3A_38, %get3A_39] : memref<1x128xf32, #tpu.memory_space<vmem>>, vector<1x128xf32>
      %add3A_41 = vector.broadcast %get3A_40 : vector<1x128xf32> to vector<2000x128xf32>
      %add3A_42 = arith.addf %mul3A_37, %add3A_41 : vector<2000x128xf32>
      %max3A = arith.constant 0.000000e+00 : f32
      %max3A_43 = vector.broadcast %max3A : f32 to vector<2000x128xf32>
      %max3A_44 = arith.maximumf %add3A_42, %max3A_43 : vector<2000x128xf32>
      %swap3A = arith.constant 0 : index
      %swap3A_45 = arith.constant 0 : index
      %swap3A_46 = vector.load %arg14[%swap3A, %swap3A_45] : memref<2000x128xf32, #tpu.memory_space<vmem>>, vector<2000x128xf32>
      tpu.vector_store %arg14[%swap3A, %swap3A_45], %max3A_44 {strides = array<i32>} : memref<2000x128xf32, #tpu.memory_space<vmem>>, vector<2000x128xf32>,
    } else {
    }
    return
  }
  func.func @transform_0(%arg0: i32, %arg1: i32) -> (i32, i32) {
    %eq3A = arith.constant 0 : i32
    %eq3A_0 = arith.cmpi eq, %arg0, %eq3A : i32
    %jit3A = arith.constant 4 : i32
    %select_n3A = arith.select %eq3A_0, %arg1, %jit3A : i32
    %c0_i32 = arith.constant 0 : i32
    %c0_i32_1 = arith.constant 0 : i32
    return %select_n3A, %c0_i32 : i32, i32
  }
  func.func @transform_1(%arg0: i32, %arg1: i32) -> (i32, i32) {
    %eq3A = arith.constant 0 : i32
    %eq3A_0 = arith.cmpi eq, %arg0, %eq3A : i32
    %jit3A = arith.constant 4 : i32
    %select_n3A = arith.select %eq3A_0, %arg1, %jit3A : i32
    %c0_i32 = arith.constant 0 : i32
    %c0_i32_1 = arith.constant 0 : i32
    return %select_n3A, %c0_i32 : i32, i32
  }
  func.func @transform_2(%arg0: i32, %arg1: i32) -> (i32, i32) {
    %eq3A = arith.constant 0 : i32
    %eq3A_0 = arith.cmpi eq, %arg0, %eq3A : i32
    %jit3A = arith.constant 4 : i32
    %select_n3A = arith.select %eq3A_0, %arg1, %jit3A : i32
    %add3A = arith.constant 5 : i32
    %add3A_1 = arith.addi %add3A, %select_n3A : i32
    %c0_i32 = arith.constant 0 : i32
    %c0_i32_2 = arith.constant 0 : i32
    return %add3A_1, %c0_i32 : i32, i32
  }
  func.func @transform_3(%arg0: i32, %arg1: i32) -> i32 {
    %c0_i32 = arith.constant 0 : i32
    %c0_i32_0 = arith.constant 0 : i32
    return %c0_i32 : i32
  }
  func.func @transform_4(%arg0: i32, %arg1: i32) -> (i32, i32) {
    %c0_i32 = arith.constant 0 : i32
    %c0_i32_0 = arith.constant 0 : i32
    %c0_i32_1 = arith.constant 0 : i32
    return %c0_i32, %c0_i32_0 : i32, i32
  }
  func.func @transform_5(%arg0: i32, %arg1: i32) -> (i32, i32) {
    %c0_i32 = arith.constant 0 : i32
    %c0_i32_0 = arith.constant 0 : i32
    %c0_i32_1 = arith.constant 0 : i32
    return %c0_i32, %c0_i32_0 : i32, i32
  }
  func.func @transform_6(%arg0: i32, %arg1: i32) -> (i32, i32) {
    %c0_i32 = arith.constant 0 : i32
    %c0_i32_0 = arith.constant 0 : i32
    %c0_i32_1 = arith.constant 0 : i32
    return %c0_i32, %c0_i32_0 : i32, i32
  }
  func.func @transform_7(%arg0: i32, %arg1: i32) -> (i32, i32) {
    %c0_i32 = arith.constant 0 : i32
    %c0_i32_0 = arith.constant 0 : i32
    %c0_i32_1 = arith.constant 0 : i32
    return %c0_i32, %c0_i32_0 : i32, i32
  }
  func.func @transform_8(%arg0: i32, %arg1: i32) -> (i32, i32) {
    %c0_i32 = arith.constant 0 : i32
    %c0_i32_0 = arith.constant 0 : i32
    %c0_i32_1 = arith.constant 0 : i32
    return %c0_i32, %c0_i32_0 : i32, i32
  }
  func.func @transform_9(%arg0: i32, %arg1: i32) -> (i32, i32) {
    %c0_i32 = arith.constant 0 : i32
    %c0_i32_0 = arith.constant 0 : i32
    %c0_i32_1 = arith.constant 0 : i32
    return %c0_i32, %c0_i32_0 : i32, i32
  }
  func.func @transform_10(%arg0: i32, %arg1: i32) -> (i32, i32) {
    %c0_i32 = arith.constant 0 : i32
    %c0_i32_0 = arith.constant 0 : i32
    %c0_i32_1 = arith.constant 0 : i32
    return %c0_i32, %c0_i32_0 : i32, i32
  }
  func.func @transform_11(%arg0: i32, %arg1: i32) -> (i32, i32) {
    %c0_i32 = arith.constant 0 : i32
    %c0_i32_0 = arith.constant 0 : i32
    %c0_i32_1 = arith.constant 0 : i32
    return %c0_i32, %c0_i32_0 : i32, i32
  }
  func.func @transform_12(%arg0: i32, %arg1: i32) -> (i32, i32) {
    %eq3A = arith.constant 2 : i32
    %eq3A_0 = arith.cmpi eq, %arg0, %eq3A : i32
    %jit3A = arith.constant 0 : i32
    %select_n3A = arith.select %eq3A_0, %arg1, %jit3A : i32
    %c0_i32 = arith.constant 0 : i32
    %c0_i32_1 = arith.constant 0 : i32
    return %select_n3A, %c0_i32 : i32, i32
  }
}

</mosaic_0001>

<sc_bundles>
// kernel: kernel.4.cloned.1.call-start
scs
__scs_entry_jumppad:
0x0: {  	(pc) =	sbr.rel $0x88, $3  }
0x1: {  	(tag) =	ssettag $0x0;
	lr =	simm.s32 $0x1  }
0x2: {  	[smem:$0x3F96] =	sst lr;
	_ =	strace $0xD0000000  }
0x3: {  	_ = 	snop  }
0x4: {  	_ = 	snop  }
0x5: {  	_ = 	snop  }
0x6: {  	_ = 	snop  }
0x7: {  	_ = 	snop  }
__scs_overlays_trampoline_lowered:
0x8: {  	[smem:$0x3FA5] =	sst s0  }
0x9: {  	[smem:$0x3FA6] =	sst s1  }
0xa: {  	[smem:$0x3FA7] =	sst s2  }
0xb: {  	[smem:$0x3FA8] =	sst s3  }
0xc: {  	[smem:$0x3FA9] =	sst s4  }
0xd: {  	[smem:$0x3FAA] =	sst s5  }
0xe: {  	[smem:$0x3FAB] =	sst s6  }
0xf: {  	[smem:$0x3FAC] =	sst s7  }
0x10: {  	[smem:$0x3FAD] =	sst s8  }
0x11: {  	[smem:$0x3FAE] =	sst s9;
	s0 =	simm.s32 @!p0 $0x0  }
0x12: {  	s1 =	sld [smem:$0x3F94];
	s0 =	simm.s32 @p0 $0x1  }
0x13: {  	[smem:$0x3FAF] =	sst s0;
	s0 =	simm.s32 @!p1 $0x0  }
0x14: {  	s2 =	sld [smem:$0x3F93];
	s0 =	simm.s32 @p1 $0x1  }
0x15: {  	[smem:$0x3FB0] =	sst s0;
	s0 =	simm.s32 @!p2 $0x0  }
0x16: {  	s3 =	sld [smem:$0x3FDB];
	s0 =	simm.s32 @p2 $0x1  }
0x17: {  	s4 =	simm.s32 $0x1BF5;
	[smem:$0x3FB2] =	sst s0  }
0x18: {  	s0 =	sld [smem:$0x3F95];
	_ =	swait.ge [sflag:s4], $0x0  }
0x19: {  	s7 =	sld [smem:$0x3F96]  }
0x1a: {  	s8 =	sadd.s32 $0xFFFFE003, lr  }
0x1b: {  	s9 =	sadd.s32 $0xFFFFFEF7, lr;
	s5 =	simm.s32 $0xFFFFFFFF;
	p2 =	slt.u32 s8, $0xFFFFF086  }
0x1c: {  	p1 =	slt.u32 s9, $0xF7A;
	s5 =	simm.s32 @!p2 $0x0  }
0x1d: {  	s5 =	simm.s32 @p1 $0x1;
	p0 =	seq.s32 s7, s2  }
0x1e: {  	s7 =	smul.u32 @!p0 $0xF7A, s2;
	p2 =	seq.s32 @!p0 s5, $0x0  }
0x1f: {  	s9 =	smul.u32 $0xF7A, s1;
	s8 =	simm.s32 @!p0 $0x1BF5;
	p2 =	por !p2, p0  }
0x20: {  	[sflag:s8] =	ssyncset.s32 @!p0 $0xFFFFF086;
	s6 =	sadd.s32 @!p0 s3, s7;
	s7 =	simm.s32 @!p0 $0x108  }
0x21: {  	s3 =	sadd.s32 s3, s9;
	s6 =	sadd.s32 @!p0 $0x88, s6;
	s7 =	simm.s32 @p2 $0x1082  }
0x22: {  	[simem:s7], [sflag:s8] =	dma.local @!p0 [hbm:s6], $0xF7A  }
0x23: {  	s9 =	sor.u32 $0xD0000000, s2;
	s6 =	simm.s32 $0x108;
	_ =	swait.ge @!p0 [sflag:s8], $0x0  }
0x24: {  	s3 =	sadd.s32 $0x88, s3;
	s6 =	simm.s32 @!p1 $0x1082;
	[sflag:s4] =	ssyncset.s32 $0xFFFFF086  }
0x25: {  	[simem:s6], [sflag:s4] =	dma.local [hbm:s3], $0xF7A  }
0x26: {  	[smem:$0x3F96] =	sst s1;
	(tag) =	ssettag s2;
	_ =	strace s9  }
0x27: {  	s1 =	sld [smem:$0x3FA6]  }
0x28: {  	s2 =	sld [smem:$0x3FA7]  }
0x29: {  	s4 =	sld [smem:$0x3FA9]  }
0x2a: {  	p0 =	seq.s32 s5, $0x0;
	s5 =	sld [smem:$0x3FAA]  }
0x2b: {  	s6 =	sld [smem:$0x3FAB]  }
0x2c: {  	s7 =	sld [smem:$0x3FAC]  }
0x2d: {  	s3 =	simm.s32 $0x108;
	s8 =	sld [smem:$0x3FAD]  }
0x2e: {  	s3 =	simm.s32 @!p0 $0x1082;
	s9 =	sld [smem:$0x3FAE]  }
0x2f: {  	lr =	sadd.s32 s0, s3;
	s0 =	sld [smem:$0x3FA5]  }
0x30: {  	s3 =	sld [smem:$0x3FA8]  }
0x31: {  	[smem:$0x3FB1] =	sst s10  }
0x32: {  	s10 =	sld [smem:$0x3FAF];
	_ =	sdelay $0x3  }
0x33: {  	p0 =	seq.s32 s10, $0x1;
	s10 =	sld [smem:$0x3FB1];
	_ =	sdelay $0x3  }
0x34: {  	[smem:$0x3FB1] =	sst s10  }
0x35: {  	s10 =	sld [smem:$0x3FB0];
	_ =	sdelay $0x3  }
0x36: {  	p1 =	seq.s32 s10, $0x1;
	s10 =	sld [smem:$0x3FB1];
	_ =	sdelay $0x3  }
0x37: {  	[smem:$0x3FB1] =	sst s10  }
0x38: {  	s10 =	sld [smem:$0x3FB2]  }
0x39: {  	_ = 	snop;
	(pc) =	sbr.ind lr, $3  }
0x3a: {  	_ = 	snop  }
0x3b: {  	_ = 	snop  }
0x3c: {  	p2 =	seq.s32 s10, $0x1;
	s10 =	sld [smem:$0x3FB1]  }
0x3d: {  	_ =	shalt  }
0x3e: {  	_ =	shalt  }
0x3f: {  	_ =	shalt  }
0x40: {  	_ =	shalt  }
0x41: {  	_ =	shalt  }
0x42: {  	_ =	shalt  }
0x43: {  	_ =	shalt  }
0x44: {  	_ =	shalt  }
0x45: {  	_ =	shalt  }
0x46: {  	_ =	shalt  }
0x47: {  	_ =	shalt  }
0x48: {  	_ =	shalt  }
0x49: {  	_ =	shalt  }
0x4a: {  	_ =	shalt  }
0x4b: {  	_ =	shalt  }
0x4c: {  	_ =	shalt  }
0x4d: {  	_ =	shalt  }
0x4e: {  	_ =	shalt  }
0x4f: {  	_ =	shalt  }
0x50: {  	_ =	shalt  }
0x51: {  	_ =	shalt  }
0x52: {  	_ =	shalt  }
0x53: {  	_ =	shalt  }
0x54: {  	_ =	shalt  }
0x55: {  	_ =	shalt  }
0x56: {  	_ =	shalt  }
0x57: {  	_ =	shalt  }
0x58: {  	_ =	shalt  }
0x59: {  	_ =	shalt  }
0x5a: {  	_ =	shalt  }
0x5b: {  	_ =	shalt  }
0x5c: {  	_ =	shalt  }
0x5d: {  	_ =	shalt  }
0x5e: {  	_ =	shalt  }
0x5f: {  	_ =	shalt  }
0x60: {  	_ =	shalt  }
0x61: {  	_ =	shalt  }
0x62: {  	_ =	shalt  }
0x63: {  	_ =	shalt  }
0x64: {  	_ =	shalt  }
0x65: {  	_ =	shalt  }
0x66: {  	_ =	shalt  }
0x67: {  	_ =	shalt  }
0x68: {  	_ =	shalt  }
0x69: {  	_ =	shalt  }
0x6a: {  	_ =	shalt  }
0x6b: {  	_ =	shalt  }
0x6c: {  	_ =	shalt  }
0x6d: {  	_ =	shalt  }
0x6e: {  	_ =	shalt  }
0x6f: {  	_ =	shalt  }
0x70: {  	_ =	shalt  }
0x71: {  	_ =	shalt  }
0x72: {  	_ =	shalt  }
0x73: {  	_ =	shalt  }
0x74: {  	_ =	shalt  }
0x75: {  	_ =	shalt  }
0x76: {  	_ =	shalt  }
0x77: {  	_ =	shalt  }
0x78: {  	_ =	shalt  }
0x79: {  	_ =	shalt  }
0x7a: {  	_ =	shalt  }
0x7b: {  	_ =	shalt  }
0x7c: {  	_ =	shalt  }
0x7d: {  	_ =	shalt  }
0x7e: {  	_ =	shalt  }
0x7f: {  	_ =	shalt  }
0x80: {  	_ =	shalt  }
0x81: {  	_ =	shalt  }
0x82: {  	_ =	shalt  }
0x83: {  	_ =	shalt  }
0x84: {  	_ =	shalt  }
0x85: {  	_ =	shalt  }
0x86: {  	_ =	shalt  }
0x87: {  	_ =	shalt  }
.Lfunc_end0:
.L_simem_size_0:
called_computation_lowered:
.L_overlay_start_0:
0x88: {  	s2 =	sld [smem:$0x3FD9]  }
0x89: {  	s3 =	sld [smem:$0x3FFE];
	_ =	sdelay $0x1  }
0x8a: {  	s1 =	srdreg.scid  }
0x8b: {  	s0 =	sand.u32 $0x1, s1  }
0x8c: {  	s17 =	sshll.u32 s0, $0xA;
	s2 =	sadd.s32 s3, s2  }
0x8d: {  	s2 =	sadd.s32 s2, s17  }
0x8e: {  	[smem:$0x3FBD] =	sst s2  }
0x8f: {  	_ = 	snop  }
0x90: {  	s2 =	sld [smem:$0x3FC9]  }
0x91: {  	s18 =	sld [smem:$0x3FD0];
	(tm) =	ssettm $0x1  }
0x92: {  	s4 =	sld [smem:$0x3FFB];
	_ =	sdelay $0x3  }
0x93: {  	_ =	strace s4  }
0x94: {  	s4 =	sld [smem:$0x3FFC];
	_ =	sdelay $0x3  }
0x95: {  	_ =	strace s4  }
0x96: {  	s4 =	sld [smem:$0x3FFD];
	_ =	sdelay $0x3  }
0x97: {  	_ =	strace s4  }
0x98: {  	_ =	strace $0x8FFFFFFF  }
0x99: {  	s19 =	sld [smem:$0x3FDB];
	_ =	sdelay $0x1  }
0x9a: {  	s5 =	simm.s32 $_scs_section_size  }
0x9b: {  	s6 =	simm.s32 $_size__tile_overlayer_lowered;
	s7 =	simm.s32 $_tile_overlayer_lowered  }
0x9c: {  	s22 =	simm.s32 $0x1BFF;
	s21 =	sshll.u32 s7, $0x1;
	s4 =	sadd.s32 s5, s19  }
0x9d: {  	s8 =	simm.s32 $0x0;
	s20 =	sshll.u32 s6, $0x1;
	s6 =	sadd.s32 s21, s4  }
0x9e: {  	[timem:s8], [sflag:s22] =	dma.local [hbm:s6], s20  }
0x9f: {  	_ =	swait.ge [sflag:s22], s20  }
0xa0: {  	s5 =	ssub.s32 $0x0, s20;
	[sflag:s22] =	ssyncset.done $0x0  }
0xa1: {  	[sflag:s22] =	ssyncadd.s32 s5;
	_ =	sdelay $0x1  }
0xa2: {  	s23 =	simm.s32 $0x1B8B  }
0xa3: {  	_ =	swait.ge [sflag:s23], $0x1  }
0xa4: {  	[sflag:s23] =	ssyncset.done $0x0  }
0xa5: {  	s25 =	simm.s32 $0x1B8E;
	s24 =	sld [smem:$0x3FFE];
	[sflag:s23] =	ssyncadd.s32 $0xFFFFFFFF  }
0xa6: {  	s26 =	simm.s32 $execute0_lowered;
	[smem:$0x3FD2] =	sst s25  }
0xa7: {  	s6 =	sshll.u32 s26, $0x1;
	_ =	strace $0x80000046;
	[dreg:$0x1] =	wrdreg $0xFFFFFFFF  }
0xa8: {  	s28 =	simm.s32 $_size_execute0_lowered;
	s4 =	sadd.s32 s4, s6;
	[dreg:$0x0] =	wrdreg $0x0  }
0xa9: {  	s6 =	sshll.u32 s28, $0x1;
	[dreg:$0x2] =	wrdreg s4  }
0xaa: {  	[dreg:$0x3] =	wrdreg s6  }
0xab: {  	[dreg:$0x4] =	wrdreg $0xC0  }
0xac: {  	_ =	task [dreg:s8], $0x5FFFF  }
0xad: {  	[dreg:$0x1] =	wrdreg $0xFFFFFFFF  }
0xae: {  	[dreg:$0x0] =	wrdreg $0x60  }
0xaf: {  	[dreg:$0x2] =	wrdreg s2  }
0xb0: {  	[dreg:$0x3] =	wrdreg s18  }
0xb1: {  	[dreg:$0x4] =	wrdreg s24  }
0xb2: {  	[dreg:$0x5] =	wrdreg $0x0  }
0xb3: {  	[dreg:$0x6] =	wrdreg $0x9  }
0xb4: {  	_ =	task.clear_ibuf [dreg:s8], $0x7FFFF;
	_ =	strace $0x90000046  }
0xb5: {  	s29 =	simm.s32 $0x9;
	_ =	strace $0x80000048  }
0xb6: {  	_ =	swait.ge [sflag:s29], $0x1  }
0xb7: {  	[sflag:s29] =	ssyncadd.s32 $0xFFFFFFFF  }
0xb8: {  	_ =	strace $0x90000048  }
0xb9: {  	_ =	sfence  }
0xba: {  	s30 =	sld [smem:$0x0];
	_ =	sdelay $0x2  }
0xbb: {  	s31 =	sshll.u32 s1, $0xD;
	s1 =	sshrl.u32 s1, $0x2  }
0xbc: {  	s3 =	sand.u32 $0x4000, s31;
	s1 =	sadd.s32 s1, s30  }
0xbd: {  	s0 =	sor.u32 s3, s0;
	s1 =	sshll.u32 s1, $0x11  }
0xbe: {  	s0 =	sor.u32 s1, s0  }
0xbf: {  	s0 =	sadd.s32 $0x8F2B, s0  }
0xc0: {  	[sflag:s0] =	ssyncadd.remote.s32 $0x1  }
0xc1: {  	_ =	sfence.sel $0xFFFF  }
0xc2: {  	[dreg:$0x0] =	wrdreg $0xFFFFFFFF;
	(pc) =	sbr.abs _section_cstart, $3  }
0xc3: {  	[dreg:$0x1] =	wrdreg $0xFFFFFFFF  }
0xc4: {  	_ =	task.clear_ibuf [dreg:s8], $0x2FFFF;
	_ =	strace $0x9FFFFFFF  }
0xc5: {  	(tm) =	ssettm $0x7FFFFFFF  }
tec
execute0_lowered:
.L_overlay_start_1:
0x0: {  	(tag) =	ssettag $0x1  }
0x1: {  	s1 =	rddreg [dreg:$0x0]  }
0x2: {  	s10 =	rddreg [dreg:$0x1]  }
0x3: {  	s0 =	rddreg [dreg:$0x2]  }
0x4: {  	s3 =	rddreg [dreg:$0x3];
	s5 =	simm.s32 $0x0  }
0x5: {  	s2 =	srdreg.scid;
	s11 =	stileid.u32;
	s31 =	simm.s32 $0x1B480  }
0x6: {  	s28 =	simm.s32 $0x10;
	[smem:$0x7FF] =	sst s5;
	s4 =	smul.u32 $0x4F000, s11  }
0x7: {  	s2 =	sand.u32 $0x1, s2;
	s6 =	sadd.s32 $0x1E00, s0;
	s14 =	smul.u32 $0x2780, s11  }
0x8: {  	s0 =	sadd.s32 $0x2400, s0;
	s17 =	smul.u32 $0x2710, s11;
	p0 =	seq.s32 s11, $0xF  }
0x9: {  	s29 =	sadd.s32 $0x128400, s3;
	_ =	strace $0x80000047;
	[dreg:$0x5] =	wrdreg s6  }
0xa: {  	s23 =	sshll.u32 s2, $0x4;
	s7 =	ssub.s32 $0x2, s2;
	s26 =	smul.u32 $0x27100, s2  }
0xb: {  	s2 =	smul.u32 $0x138800, s2;
	[dreg:$0x18] =	wrdreg s29;
	s6 =	sor.u32 s11, s23  }
0xc: {  	s4 =	sshrl.u32 s4, $0x2;
	s8 =	sshrl.u32 s7, $0x1;
	s6 =	smul.u32 $0x2710, s6  }
0xd: {  	s30 =	sadd.s32 s4, s3;
	s18 =	sadd.s32 s14, s26;
	s14 =	sadd.s32 $0x12D400, s3  }
0xe: {  	s19 =	sadd.s32 s17, s26;
	s17 =	sadd.s32 $0x132400, s3;
	[dreg:$0x1b] =	wrdreg s14  }
0xf: {  	s24 =	ssub.s32 s7, s8;
	s2 =	sshrl.u32 s2, $0x3;
	[dreg:$0x1d] =	wrdreg s17  }
0x10: {  	s25 =	sadd.s32 $0x2800, s30;
	s12 =	sadd.s32 $0x5000, s30;
	[dreg:$0x6] =	wrdreg s30  }
0x11: {  	s13 =	sadd.s32 $0x7800, s30;
	s9 =	sadd.s32 $0xA000, s30;
	[dreg:$0x7] =	wrdreg s25  }
0x12: {  	s15 =	sadd.s32 $0xC800, s30;
	s16 =	sadd.s32 $0xF000, s30;
	[dreg:$0x8] =	wrdreg s12  }
0x13: {  	s20 =	sadd.s32 $0x230, s19;
	s21 =	sadd.s32 $0x4E430, s19;
	[dreg:$0x9] =	wrdreg s13  }
0x14: {  	s4 =	smax.u32 s24, $0x1;
	s24 =	sadd.s32 $0x1E0, s19;
	[dreg:$0xa] =	wrdreg s9  }
0x15: {  	s26 =	sadd.s32 $0x190, s19;
	s8 =	sadd.s32 $0x4E390, s19;
	[dreg:$0xb] =	wrdreg s15  }
0x16: {  	s11 =	sadd.s32 $0x11800, s30;
	s17 =	simm.s32 $0x8;
	[dreg:$0xc] =	wrdreg s16  }
0x17: {  	s14 =	simm.s32 $0x2;
	s6 =	sshrl.u32 s6, $0x3;
	[dreg:$0x10] =	wrdreg s4  }
0x18: {  	s22 =	sshrl.u32 s21, $0x3;
	s9 =	sadd.s32 $0x140, s19;
	[dreg:$0x17] =	wrdreg s11  }
0x19: {  	s25 =	sadd.s32 $0x4E3E0, s19;
	s13 =	sadd.s32 $0x12AC00, s3;
	[dreg:$0x16] =	wrdreg s9  }
0x1a: {  	s16 =	sadd.s32 $0x12FC00, s3;
	s11 =	simm.s32 $0x6;
	[dreg:$0x1a] =	wrdreg s13  }
0x1b: {  	s12 =	sadd.s32 s10, s6;
	s6 =	sadd.s32 s0, s18;
	[dreg:$0x1c] =	wrdreg s16  }
0x1c: {  	s0 =	sadd.s32 s0, s2;
	s23 =	sadd.s32 s22, s10;
	[dreg:$0xe] =	wrdreg s6  }
0x1d: {  	s4 =	sshrl.u32 s25, $0x3;
	s18 =	sadd.s32 $0x134C00, s3;
	[dreg:$0x12] =	wrdreg s23  }
0x1e: {  	s2 =	sadd.s32 $0x4E340, s19;
	s19 =	sadd.s32 $0x137400, s3;
	[dreg:$0x1f] =	wrdreg s18  }
0x1f: {  	s9 =	simm.s32 $0x50;
	s13 =	simm.s32 $0x7;
	[smem:$0x7F6] =	sst s19  }
0x20: {  	s0 =	sadd.s32 $0x25080, s0;
	s6 =	sshrl.u32 s26, $0x3;
	[dreg:$0xd] =	wrdreg s12  }
0x21: {  	s15 =	sshrl.u32 s2, $0x3;
	s21 =	sadd.s32 $0xA, s12;
	[dreg:$0xf] =	wrdreg s0  }
0x22: {  	s22 =	sadd.s32 $0x9C4A, s12;
	s23 =	sadd.s32 $0x14, s12;
	[smem:$0x7F8] =	sst s21  }
0x23: {  	s25 =	sadd.s32 $0x1E, s12;
	s26 =	sadd.s32 $0x9C5E, s12;
	[smem:$0x7F9] =	sst s22  }
0x24: {  	s2 =	simm.s32 $0xA;
	s18 =	simm.s32 $0xD;
	[smem:$0x7FA] =	sst s23  }
0x25: {  	s19 =	simm.s32 $0x3;
	s0 =	sshrl.u32 s20, $0x3;
	[smem:$0x7FC] =	sst s25  }
0x26: {  	s7 =	sadd.s32 s6, s10;
	s20 =	sadd.s32 $0x9C40, s12;
	[smem:$0x7FD] =	sst s26  }
0x27: {  	s25 =	simm.s32 $0x9;
	s21 =	simm.s32 $0xE;
	s22 =	simm.s32 $0x4  }
0x28: {  	s26 =	simm.s32 $0xC;
	s0 =	sadd.s32 s0, s10;
	[dreg:$0x15] =	wrdreg s7  }
0x29: {  	[smem:$0x7F7] =	sst s20;
	s7 =	simm.s32 $0x1;
	s20 =	simm.s32 $0xB  }
0x2a: {  	[dreg:$0x11] =	wrdreg s0;
	s0 =	sshrl.u32 s24, $0x3;
	s24 =	sadd.s32 $0x9C54, s12  }
0x2b: {  	s12 =	simm.s32 $0x16480;
	s0 =	sadd.s32 s0, s10;
	[smem:$0x7FB] =	sst s24  }
.Ltmp0:
0x2c: {  	[dreg:$0x13] =	wrdreg s0;
	s0 =	sadd.s32 s4, s10;
	(pc) =	sbr.rel .LBB2_1-.Ltmp0, $4  }
0x2d: {  	s24 =	simm.s32 $0x13A80;
	[dreg:$0x14] =	wrdreg s0;
	s0 =	sshrl.u32 s8, $0x3  }
0x2e: {  	s4 =	simm.s32 $0x0;
	s8 =	simm.s32 $0x5;
	s0 =	sadd.s32 s0, s10  }
0x2f: {  	[dreg:$0x19] =	wrdreg s0;
	s0 =	sadd.s32 s15, s10;
	s10 =	simm.s32 $0x13C80  }
0x30: {  	s15 =	simm.s32 $0x18C80;
	[dreg:$0x1e] =	wrdreg s0;
	s0 =	simm.s32 $0xF  }
.LBB2_4:
0x31: {  	_ =	swait.ge [sflag:s19], $0x2800  }
0x32: {  	[sflag:s19] =	ssyncset.done $0x0  }
0x33: {  	[sflag:s19] =	ssyncadd.s32 $0xFFFFD800  }
0x34: {  	_ =	swait.ge [sflag:s20], $0x50  }
0x35: {  	[sflag:s20] =	ssyncset.done $0x0  }
0x36: {  	[sflag:s20] =	ssyncadd.s32 $0xFFFFFFB0  }
0x37: {  	_ =	swait.ge [sflag:s21], $0x2800  }
0x38: {  	[sflag:s21] =	ssyncset.done $0x0  }
0x39: {  	s4 =	simm.s32 $0x13B80;
	[sflag:s21] =	ssyncadd.s32 $0xFFFFD800  }
0x3a: {  	[spmem:s3] =	stream.indirect.scatter.add.f32 [tilespmem:s15], [sflag:$0xF], $0x80, s4, s9, $0xb8;
	[tilespmem:$0x1DC80] =	vst v63  }
0x3b: {  	_ =	swait.ge [sflag:s22], $0x2800  }
0x3c: {  	[sflag:s22] =	ssyncset.done $0x0  }
0x3d: {  	[sflag:s22] =	ssyncadd.s32 $0xFFFFD800  }
0x3e: {  	_ =	swait.ge [sflag:s26], $0x50  }
0x3f: {  	[sflag:s26] =	ssyncset.done $0x0  }
0x40: {  	[sflag:s26] =	ssyncadd.s32 $0xFFFFFFB0  }
0x41: {  	_ =	swait.ge [sflag:s0], $0x2800  }
0x42: {  	[sflag:s0] =	ssyncset.done $0x0  }
0x43: {  	s16 =	simm.s32 $0x1B480;
	s6 =	simm.s32 $0x13C00;
	[sflag:s0] =	ssyncadd.s32 $0xFFFFD800  }
0x44: {  	[spmem:s3] =	stream.indirect.scatter.add.f32 [tilespmem:s16], [sflag:$0x10], $0x80, s6, s9, $0xb8;
	[tilespmem:$0x1DC80] =	vst v63  }
0x45: {  	_ =	swait.ge [sflag:s28], $0x2800  }
0x46: {  	[sflag:s28] =	ssyncset.done $0x0  }
0x47: {  	[sflag:s28] =	ssyncadd.s32 $0xFFFFD800  }
0x48: {  	_ =	swait.ge [sflag:s7], $0x2800  }
0x49: {  	[sflag:s7] =	ssyncset.done $0x0  }
0x4a: {  	[sflag:s7] =	ssyncadd.s32 $0xFFFFD800  }
0x4b: {  	_ =	swait.ge [sflag:s25], $0x50  }
0x4c: {  	[sflag:s25] =	ssyncset.done $0x0  }
0x4d: {  	[sflag:s25] =	ssyncadd.s32 $0xFFFFFFB0  }
0x4e: {  	[spmem:s3] =	stream.indirect.scatter.add.f32 [tilespmem:s10], [sflag:$0xD], $0x80, s24, s9, $0xb8;
	[tilespmem:$0x1DC80] =	vst v63  }
0x4f: {  	_ =	swait.ge [sflag:s18], $0x2800  }
0x50: {  	[sflag:s18] =	ssyncset.done $0x0  }
0x51: {  	[sflag:s18] =	ssyncadd.s32 $0xFFFFD800  }
0x52: {  	[bflag:$0x0] =	sbarrier.arrive $0xFFFF  }
0x53: {  	s6 =	rddreg [dreg:$0x18]  }
0x54: {  	s29 =	simm.s32 @p0 $0x1FD2;
	s30 =	rddreg [dreg:$0xf];
	s16 =	sshrl.u32 @p0 s6, $0x3  }
0x55: {  	[hbm:s30], [sflag:s29] =	dma.local @p0 [spmem:s16], $0x2080  }
0x56: {  	s16 =	simm.s32 @p0 $0x12  }
0x57: {  	_ =	swait.ge @p0 [sflag:s16], $0x2080  }
0x58: {  	s29 =	stileid.u32;
	s30 =	rddreg [dreg:$0x6]  }
0x59: {  	s29 =	sshll.u32 @!p0 s29, $0x6;
	[sflag:s16] =	ssyncset.done @p0 $0x0;
	s31 =	rddreg [dreg:$0xe]  }
0x5a: {  	[sflag:s16] =	ssyncadd.s32 @p0 $0xFFFFDF80;
	s16 =	sor.u32 @!p0 $0x1C12, s29;
	s29 =	sshrl.u32 @!p0 s30, $0x3  }
0x5b: {  	[hbm:s31], [sflag:s16] =	dma.local @!p0 [spmem:s29], $0x2780  }
0x5c: {  	s16 =	simm.s32 @!p0 $0x12  }
0x5d: {  	_ =	swait.ge @!p0 [sflag:s16], $0x2780  }
0x5e: {  	s23 =	sld [smem:$0x7F5];
	_ =	sdelay $0x2  }
0x5f: {  	s29 =	rddreg [dreg:$0x10];
	s4 =	sadd.s32 $0x1, s23  }
0x60: {  	p1 =	sne.s32 s4, s29  }
.Ltmp1:
0x61: {  	_ = 	snop;
	(pc) =	sbr.rel @!p1 .LBB2_5-.Ltmp1, $3  }
0x62: {  	_ =	sdelay $0x1  }
0x63: {  	[sflag:s16] =	ssyncset.done @!p0 $0x0  }
0x64: {  	s31 =	simm.s32 $0x1B480;
	[sflag:s16] =	ssyncadd.s32 @!p0 $0xFFFFD880;
	s29 =	smov.u32 s6  }
.LBB2_1:
0x65: {  	[smem:$0x7F5] =	sst s4  }
0x66: {  	s16 =	rddreg [dreg:$0x5];
	s23 =	simm.s32 $0x12  }
0x67: {  	[tilespmem:s31], [sflag:$0x12] =	stream.linear.gather [hbm4b:s16+s5], $0x2800, $0x38;
	[tilespmem:$0x1DC80] =	vst v63  }
0x68: {  	_ =	swait.ge [sflag:s23], $0x2800  }
0x69: {  	[sflag:s23] =	ssyncset.done $0x0  }
0x6a: {  	s16 =	simm.s32 @p0 $0x1B480;
	[sflag:s23] =	ssyncadd.s32 $0xFFFFD800  }
0x6b: {  	[spmem:s29] =	stream.linear.scatter @p0 [tilespmem:s16], [sflag:$0x11], $0x2800, $0x38;
	[tilespmem:$0x1DC80] =	vst v63  }
0x6c: {  	s29 =	rddreg [dreg:$0x1a]  }
0x6d: {  	[spmem:s29] =	stream.linear.scatter @p0 [tilespmem:s16], [sflag:$0x11], $0x2800, $0x38;
	[tilespmem:$0x1DC80] =	vst v63  }
0x6e: {  	s29 =	rddreg [dreg:$0x1b]  }
0x6f: {  	[spmem:s29] =	stream.linear.scatter @p0 [tilespmem:s16], [sflag:$0x11], $0x2800, $0x38;
	[tilespmem:$0x1DC80] =	vst v63  }
0x70: {  	s29 =	rddreg [dreg:$0x1c]  }
0x71: {  	[spmem:s29] =	stream.linear.scatter @p0 [tilespmem:s16], [sflag:$0x11], $0x2800, $0x38;
	[tilespmem:$0x1DC80] =	vst v63  }
0x72: {  	s29 =	rddreg [dreg:$0x1d]  }
0x73: {  	[spmem:s29] =	stream.linear.scatter @p0 [tilespmem:s16], [sflag:$0x11], $0x2800, $0x38;
	[tilespmem:$0x1DC80] =	vst v63  }
0x74: {  	s29 =	rddreg [dreg:$0x1f]  }
0x75: {  	[spmem:s29] =	stream.linear.scatter @p0 [tilespmem:s16], [sflag:$0x11], $0x2800, $0x38;
	[tilespmem:$0x1DC80] =	vst v63  }
0x76: {  	s29 =	sld [smem:$0x7F6];
	_ =	sdelay $0x2  }
0x77: {  	[spmem:s29] =	stream.linear.scatter @p0 [tilespmem:s16], [sflag:$0x11], $0x1400, $0x38;
	[tilespmem:$0x1DC80] =	vst v63  }
0x78: {  	s4 =	sld [smem:$0x7F7];
	s16 =	simm.s32 @!p0 $0x1B480  }
0x79: {  	[spmem:s30] =	stream.linear.scatter @!p0 [tilespmem:s16], [sflag:$0x11], $0x2800, $0x38;
	[tilespmem:$0x1DC80] =	vst v63  }
0x7a: {  	s29 =	rddreg [dreg:$0x7]  }
0x7b: {  	[spmem:s29] =	stream.linear.scatter @!p0 [tilespmem:s16], [sflag:$0x11], $0x2800, $0x38;
	[tilespmem:$0x1DC80] =	vst v63  }
0x7c: {  	s29 =	rddreg [dreg:$0x8]  }
0x7d: {  	[spmem:s29] =	stream.linear.scatter @!p0 [tilespmem:s16], [sflag:$0x11], $0x2800, $0x38;
	[tilespmem:$0x1DC80] =	vst v63  }
0x7e: {  	s29 =	rddreg [dreg:$0x9]  }
0x7f: {  	[spmem:s29] =	stream.linear.scatter @!p0 [tilespmem:s16], [sflag:$0x11], $0x2800, $0x38;
	[tilespmem:$0x1DC80] =	vst v63  }
0x80: {  	s29 =	rddreg [dreg:$0xa]  }
0x81: {  	[spmem:s29] =	stream.linear.scatter @!p0 [tilespmem:s16], [sflag:$0x11], $0x2800, $0x38;
	[tilespmem:$0x1DC80] =	vst v63  }
0x82: {  	s29 =	rddreg [dreg:$0xb]  }
0x83: {  	[spmem:s29] =	stream.linear.scatter @!p0 [tilespmem:s16], [sflag:$0x11], $0x2800, $0x38;
	[tilespmem:$0x1DC80] =	vst v63  }
0x84: {  	s29 =	rddreg [dreg:$0xc]  }
0x85: {  	[spmem:s29] =	stream.linear.scatter @!p0 [tilespmem:s16], [sflag:$0x11], $0x2800, $0x38;
	[tilespmem:$0x1DC80] =	vst v63  }
0x86: {  	s29 =	rddreg [dreg:$0x17]  }
0x87: {  	[spmem:s29] =	stream.linear.scatter @!p0 [tilespmem:s16], [sflag:$0x11], $0x2400, $0x38;
	[tilespmem:$0x1DC80] =	vst v63  }
0x88: {  	s23 =	simm.s32 $0x13880;
	s30 =	rddreg [dreg:$0xd]  }
0x89: {  	[tilespmem:s23], [sflag:$0x5] =	stream.linear.gather [hbm4b:s30+s5], $0x50, $0x38;
	[tilespmem:$0x1DC80] =	vst v63  }
0x8a: {  	s6 =	sld [smem:$0x7F8]  }
0x8b: {  	[tilespmem:s24], [sflag:$0x9] =	stream.linear.gather [hbm4b:s4+s5], $0x50, $0x38;
	[tilespmem:$0x1DC80] =	vst v63  }
0x8c: {  	s29 =	simm.s32 $0x13900;
	s30 =	sld [smem:$0x7F9]  }
0x8d: {  	[tilespmem:s29], [sflag:$0x6] =	stream.linear.gather [hbm4b:s6+s5], $0x50, $0x38;
	[tilespmem:$0x1DC80] =	vst v63  }
0x8e: {  	s16 =	sld [smem:$0x7FA];
	s4 =	simm.s32 $0x13B00  }
0x8f: {  	[tilespmem:s4], [sflag:$0xA] =	stream.linear.gather [hbm4b:s30+s5], $0x50, $0x38;
	[tilespmem:$0x1DC80] =	vst v63  }
0x90: {  	s30 =	simm.s32 $0x13980  }
0x91: {  	[tilespmem:s30], [sflag:$0x7] =	stream.linear.gather [hbm4b:s16+s5], $0x50, $0x38;
	[tilespmem:$0x1DC80] =	vst v63  }
0x92: {  	s16 =	sld [smem:$0x7FB];
	_ =	sdelay $0x1  }
0x93: {  	s6 =	simm.s32 $0x13B80  }
0x94: {  	[tilespmem:s6], [sflag:$0xB] =	stream.linear.gather [hbm4b:s16+s5], $0x50, $0x38;
	[tilespmem:$0x1DC80] =	vst v63  }
0x95: {  	s16 =	sld [smem:$0x7FC];
	_ =	sdelay $0x1  }
0x96: {  	s6 =	simm.s32 $0x13A00  }
0x97: {  	[tilespmem:s6], [sflag:$0x8] =	stream.linear.gather [hbm4b:s16+s5], $0x50, $0x38;
	[tilespmem:$0x1DC80] =	vst v63  }
0x98: {  	s16 =	sld [smem:$0x7FD];
	_ =	sdelay $0x1  }
0x99: {  	s6 =	simm.s32 $0x13C00  }
0x9a: {  	[tilespmem:s6], [sflag:$0xC] =	stream.linear.gather [hbm4b:s16+s5], $0x50, $0x38;
	[tilespmem:$0x1DC80] =	vst v63  }
0x9b: {  	_ =	swait.ge [sflag:s8], $0x50  }
0x9c: {  	[sflag:s8] =	ssyncset.done $0x0  }
0x9d: {  	[sflag:s8] =	ssyncadd.s32 $0xFFFFFFB0  }
0x9e: {  	[tilespmem:s10], [sflag:$0x1] =	stream.indirect.gather [hbm4b:s1+s9], $0x80, s23, s9, $0xb8;
	[tilespmem:$0x1DC80] =	vst v63  }
0x9f: {  	_ =	swait.ge [sflag:s11], $0x50  }
0xa0: {  	[sflag:s11] =	ssyncset.done $0x0  }
0xa1: {  	[sflag:s11] =	ssyncadd.s32 $0xFFFFFFB0  }
0xa2: {  	[tilespmem:s12], [sflag:$0x2] =	stream.indirect.gather [hbm4b:s1+s9], $0x80, s29, s9, $0xb8;
	[tilespmem:$0x1DC80] =	vst v63  }
0xa3: {  	_ =	swait.ge [sflag:s13], $0x50  }
0xa4: {  	[sflag:s13] =	ssyncset.done $0x0  }
0xa5: {  	s23 =	simm.s32 $0x11;
	[sflag:s13] =	ssyncadd.s32 $0xFFFFFFB0  }
0xa6: {  	[tilespmem:s15], [sflag:$0x3] =	stream.indirect.gather [hbm4b:s1+s9], $0x80, s30, s9, $0xb8;
	[tilespmem:$0x1DC80] =	vst v63  }
0xa7: {  	_ =	swait.ge [sflag:s23], $0x2800  }
0xa8: {  	[sflag:s23] =	ssyncset.done $0x0  }
0xa9: {  	[sflag:s23] =	ssyncadd.s32 $0xFFFFD800  }
0xaa: {  	_ =	swait.ge [sflag:s23], $0x2800  }
0xab: {  	[sflag:s23] =	ssyncset.done $0x0  }
0xac: {  	[sflag:s23] =	ssyncadd.s32 $0xFFFFD800  }
0xad: {  	_ =	swait.ge [sflag:s23], $0x2800  }
0xae: {  	[sflag:s23] =	ssyncset.done $0x0  }
0xaf: {  	[sflag:s23] =	ssyncadd.s32 $0xFFFFD800  }
0xb0: {  	_ =	swait.ge [sflag:s23], $0x2800  }
0xb1: {  	[sflag:s23] =	ssyncset.done $0x0  }
0xb2: {  	[sflag:s23] =	ssyncadd.s32 $0xFFFFD800  }
0xb3: {  	_ =	swait.ge [sflag:s23], $0x2800  }
0xb4: {  	[sflag:s23] =	ssyncset.done $0x0  }
0xb5: {  	[sflag:s23] =	ssyncadd.s32 $0xFFFFD800  }
0xb6: {  	_ =	swait.ge [sflag:s23], $0x2800  }
0xb7: {  	[sflag:s23] =	ssyncset.done $0x0  }
0xb8: {  	s16 =	simm.s32 @p0 $0x11;
	[sflag:s23] =	ssyncadd.s32 $0xFFFFD800  }
0xb9: {  	_ =	swait.ge @p0 [sflag:s16], $0x1400  }
0xba: {  	[sflag:s16] =	ssyncset.done @p0 $0x0  }
0xbb: {  	[sflag:s16] =	ssyncadd.s32 @p0 $0xFFFFEC00;
	s16 =	simm.s32 @!p0 $0x11  }
0xbc: {  	_ =	swait.ge @!p0 [sflag:s16], $0x2800  }
0xbd: {  	[sflag:s16] =	ssyncset.done @!p0 $0x0  }
0xbe: {  	[sflag:s16] =	ssyncadd.s32 @!p0 $0xFFFFD800  }
0xbf: {  	_ =	swait.ge @!p0 [sflag:s16], $0x2400  }
0xc0: {  	[sflag:s16] =	ssyncset.done @!p0 $0x0  }
0xc1: {  	[sflag:s16] =	ssyncadd.s32 @!p0 $0xFFFFDC00  }
0xc2: {  	_ =	swait.ge [sflag:s17], $0x50  }
0xc3: {  	[sflag:s17] =	ssyncset.done $0x0  }
0xc4: {  	s30 =	simm.s32 $0x13A00;
	[sflag:s17] =	ssyncadd.s32 $0xFFFFFFB0  }
0xc5: {  	[tilespmem:s31], [sflag:$0x4] =	stream.indirect.gather [hbm4b:s1+s9], $0x80, s30, s9, $0xb8;
	[tilespmem:$0x1DC80] =	vst v63  }
0xc6: {  	[bflag:$0x0] =	sbarrier.arrive $0xFFFF  }
0xc7: {  	s29 =	simm.s32 $0x0;
	s16 =	rddreg [dreg:$0x16]  }
.LBB2_2:
0xc8: {  	_ =	swait.ge [sflag:s7], $0x2800  }
0xc9: {  	[sflag:s7] =	ssyncset.done $0x0  }
0xca: {  	[sflag:s7] =	ssyncadd.s32 $0xFFFFD800  }
0xcb: {  	_ =	swait.ge [sflag:s25], $0x50  }
0xcc: {  	[sflag:s25] =	ssyncset.done $0x0  }
0xcd: {  	[sflag:s25] =	ssyncadd.s32 $0xFFFFFFB0  }
0xce: {  	[spmem:s3] =	stream.indirect.scatter.add.f32 [tilespmem:s10], [sflag:$0xD], $0x80, s24, s9, $0xb8;
	[tilespmem:$0x1DC80] =	vst v63  }
0xcf: {  	s30 =	sshrl.u32 s16, $0x3;
	s31 =	rddreg [dreg:$0x1]  }
0xd0: {  	s6 =	simm.s32 $0x13880;
	s30 =	sadd.s32 s31, s30  }
0xd1: {  	[tilespmem:s6], [sflag:$0x5] =	stream.linear.gather [hbm4b:s30+s5], $0x50, $0x38;
	[tilespmem:$0x1DC80] =	vst v63  }
0xd2: {  	_ =	swait.ge [sflag:s14], $0x2800  }
0xd3: {  	[sflag:s14] =	ssyncset.done $0x0  }
0xd4: {  	[sflag:s14] =	ssyncadd.s32 $0xFFFFD800  }
0xd5: {  	_ =	swait.ge [sflag:s2], $0x50  }
0xd6: {  	[sflag:s2] =	ssyncset.done $0x0  }
0xd7: {  	[sflag:s2] =	ssyncadd.s32 $0xFFFFFFB0  }
0xd8: {  	_ =	swait.ge [sflag:s18], $0x2800  }
0xd9: {  	[sflag:s18] =	ssyncset.done $0x0  }
0xda: {  	[sflag:s18] =	ssyncadd.s32 $0xFFFFD800  }
0xdb: {  	_ =	swait.ge [sflag:s8], $0x50  }
0xdc: {  	[sflag:s8] =	ssyncset.done $0x0  }
0xdd: {  	p1 =	seq.s32 s29, $0x4B0;
	[sflag:s8] =	ssyncadd.s32 $0xFFFFFFB0  }
0xde: {  	[tilespmem:s10], [sflag:$0x1] =	stream.indirect.gather [hbm4b:s1+s9], $0x80, s6, s9, $0xb8;
	[tilespmem:$0x1DC80] =	vst v63  }
.Ltmp2:
0xdf: {  	s31 =	rddreg [dreg:$0x1e];
	(pc) =	sbr.rel @p1 .LBB2_4-.Ltmp2, $4  }
0xe0: {  	s30 =	sadd.s32 s29, s31  }
0xe1: {  	[tilespmem:s24], [sflag:$0x9] =	stream.linear.gather [hbm4b:s30+s5], $0x50, $0x38;
	[tilespmem:$0x1DC80] =	vst v63  }
0xe2: {  	_ = 	snop  }
0xe3: {  	[spmem:s3] =	stream.indirect.scatter.add.f32 [tilespmem:s12], [sflag:$0xE], $0x80, s4, s9, $0xb8;
	[tilespmem:$0x1DC80] =	vst v63  }
0xe4: {  	s30 =	rddreg [dreg:$0x15]  }
0xe5: {  	s31 =	simm.s32 $0x13900;
	s30 =	sadd.s32 s29, s30  }
0xe6: {  	[tilespmem:s31], [sflag:$0x6] =	stream.linear.gather [hbm4b:s30+s5], $0x50, $0x38;
	[tilespmem:$0x1DC80] =	vst v63  }
0xe7: {  	_ =	swait.ge [sflag:s19], $0x2800  }
0xe8: {  	[sflag:s19] =	ssyncset.done $0x0  }
0xe9: {  	[sflag:s19] =	ssyncadd.s32 $0xFFFFD800  }
0xea: {  	_ =	swait.ge [sflag:s20], $0x50  }
0xeb: {  	[sflag:s20] =	ssyncset.done $0x0  }
0xec: {  	[sflag:s20] =	ssyncadd.s32 $0xFFFFFFB0  }
0xed: {  	_ =	swait.ge [sflag:s21], $0x2800  }
0xee: {  	[sflag:s21] =	ssyncset.done $0x0  }
0xef: {  	[sflag:s21] =	ssyncadd.s32 $0xFFFFD800  }
0xf0: {  	_ =	swait.ge [sflag:s11], $0x50  }
0xf1: {  	[sflag:s11] =	ssyncset.done $0x0  }
0xf2: {  	s23 =	rddreg [dreg:$0x19];
	[sflag:s11] =	ssyncadd.s32 $0xFFFFFFB0  }
0xf3: {  	[tilespmem:s12], [sflag:$0x2] =	stream.indirect.gather [hbm4b:s1+s9], $0x80, s31, s9, $0xb8;
	[tilespmem:$0x1DC80] =	vst v63  }
0xf4: {  	s30 =	sadd.s32 s29, s23  }
0xf5: {  	[tilespmem:s4], [sflag:$0xA] =	stream.linear.gather [hbm4b:s30+s5], $0x50, $0x38;
	[tilespmem:$0x1DC80] =	vst v63  }
0xf6: {  	s6 =	simm.s32 $0x13B80;
	s31 =	rddreg [dreg:$0x13]  }
0xf7: {  	[spmem:s3] =	stream.indirect.scatter.add.f32 [tilespmem:s15], [sflag:$0xF], $0x80, s6, s9, $0xb8;
	[tilespmem:$0x1DC80] =	vst v63  }
0xf8: {  	s23 =	simm.s32 $0x13980;
	s30 =	sadd.s32 s29, s31  }
0xf9: {  	[tilespmem:s23], [sflag:$0x7] =	stream.linear.gather [hbm4b:s30+s5], $0x50, $0x38;
	[tilespmem:$0x1DC80] =	vst v63  }
0xfa: {  	_ =	swait.ge [sflag:s22], $0x2800  }
0xfb: {  	[sflag:s22] =	ssyncset.done $0x0  }
0xfc: {  	[sflag:s22] =	ssyncadd.s32 $0xFFFFD800  }
0xfd: {  	_ =	swait.ge [sflag:s26], $0x50  }
0xfe: {  	[sflag:s26] =	ssyncset.done $0x0  }
0xff: {  	[sflag:s26] =	ssyncadd.s32 $0xFFFFFFB0  }
0x100: {  	_ =	swait.ge [sflag:s0], $0x2800  }
0x101: {  	[sflag:s0] =	ssyncset.done $0x0  }
0x102: {  	[sflag:s0] =	ssyncadd.s32 $0xFFFFD800  }
0x103: {  	_ =	swait.ge [sflag:s13], $0x50  }
0x104: {  	[sflag:s13] =	ssyncset.done $0x0  }
0x105: {  	s31 =	rddreg [dreg:$0x14];
	[sflag:s13] =	ssyncadd.s32 $0xFFFFFFB0  }
0x106: {  	[tilespmem:s15], [sflag:$0x3] =	stream.indirect.gather [hbm4b:s1+s9], $0x80, s23, s9, $0xb8;
	[tilespmem:$0x1DC80] =	vst v63  }
0x107: {  	s30 =	sadd.s32 s29, s31  }
0x108: {  	[tilespmem:s6], [sflag:$0xB] =	stream.linear.gather [hbm4b:s30+s5], $0x50, $0x38;
	[tilespmem:$0x1DC80] =	vst v63  }
0x109: {  	s31 =	simm.s32 $0x1B480;
	s23 =	simm.s32 $0x13C00;
	s6 =	rddreg [dreg:$0x11]  }
0x10a: {  	[spmem:s3] =	stream.indirect.scatter.add.f32 [tilespmem:s31], [sflag:$0x10], $0x80, s23, s9, $0xb8;
	[tilespmem:$0x1DC80] =	vst v63  }
0x10b: {  	s30 =	sadd.s32 s29, s6;
	s6 =	simm.s32 $0x13A00  }
0x10c: {  	[tilespmem:s6], [sflag:$0x8] =	stream.linear.gather [hbm4b:s30+s5], $0x50, $0x38;
	[tilespmem:$0x1DC80] =	vst v63  }
0x10d: {  	_ =	swait.ge [sflag:s28], $0x2800  }
0x10e: {  	[sflag:s28] =	ssyncset.done $0x0  }
0x10f: {  	[sflag:s28] =	ssyncadd.s32 $0xFFFFD800  }
0x110: {  	_ =	swait.ge [sflag:s17], $0x50  }
0x111: {  	[sflag:s17] =	ssyncset.done $0x0  }
.Ltmp3:
0x112: {  	[sflag:s17] =	ssyncadd.s32 $0xFFFFFFB0;
	(pc) =	sbr.rel .LBB2_2-.Ltmp3, $4  }
0x113: {  	[tilespmem:s31], [sflag:$0x4] =	stream.indirect.gather [hbm4b:s1+s9], $0x80, s6, s9, $0xb8;
	[tilespmem:$0x1DC80] =	vst v63  }
0x114: {  	s31 =	rddreg [dreg:$0x12]  }
0x115: {  	s16 =	sadd.s32 $0x140, s16;
	s30 =	sadd.s32 s29, s31;
	s29 =	sadd.s32 $0x28, s29  }
0x116: {  	[tilespmem:s23], [sflag:$0xC] =	stream.linear.gather [hbm4b:s30+s5], $0x50, $0x38;
	[tilespmem:$0x1DC80] =	vst v63  }
.LBB2_5:
0x117: {  	_ =	sfence.sel $0x180000  }
0x118: {  	[bflag:$0x0] =	sbarrier.arrive $0xFFFF  }
0x119: {  	_ =	strace $0x90000047  }
0x11a: {  	s0 =	stileid.u32;
	[bflag:$0x2] =	sbarrier.arrive $0xFFFF  }
0x11b: {  	p0 =	sne.s32 s0, $0x0;
	s0 =	rddreg [dreg:$0x4]  }
0x11c: {  	s0 =	sadd.s32 @!p0 $0x100000, s0  }
0x11d: {  	[sflag:s0] =	ssyncadd.tile.s32 @!p0 $0x1;
	_ =	shalt  }
.Lfunc_end2:
_tile_overlayer_lowered:
.L_overlay_start_2:
0x11e: {  	(tag) =	ssettag $0x2  }
0x11f: {  	s0 =	rddreg [dreg:$0x0];
	s2 =	stileid.u32  }
0x120: {  	s1 =	rddreg [dreg:$0x1];
	p0 =	sne.s32 s2, $0x0  }
0x121: {  	s3 =	rddreg [dreg:$0x2];
	[bflag:$0x3] =	sbarrier.arrive $0xFFFF;
	s2 =	simm.s32 @!p0 $0x1C12  }
0x122: {  	[timem:s3], [sflag:s2] =	dma.local @!p0 [hbm:s0], s1  }
0x123: {  	s0 =	simm.s32 @!p0 $0x12  }
0x124: {  	_ =	swait.ge @!p0 [sflag:s0], s1  }
0x125: {  	s1 =	ssub.s32 @!p0 $0x0, s1;
	[sflag:s0] =	ssyncset.done @!p0 $0x0  }
0x126: {  	[sflag:s0] =	ssyncadd.s32 @!p0 s1  }
0x127: {  	[bflag:$0x3] =	sbarrier.arrive $0xFFFF  }
0x128: {  	_ =	shalt  }

</sc_bundles>
